<compile_context>
chip_gen: v7x
topology: tpu7x:2x2x1
jax: 0.10.2.dev20260603
libtpu: 0.0.44.dev20260713+nightly
codegen_flags: <defaults>
</compile_context>

<pallas_src>
import jax
import jax.numpy as jnp
from jax import lax
from jax.experimental import pallas as pl
from jax.experimental.pallas import tpu as pltpu
from jax.experimental.pallas import tpu_sc as plsc

Q = 1024
DIM = 16
N = 100000
G = 64
NP = 106496
NG = NP // G
L = 16
NGV = NG // L
NSEL = 16
K = 10
PAD_VAL = 1e15
NC, NS = 2, 16
NW = NC * NS
QPW = Q // NW
BIG = 3e38
CMBW = NG + DIM * L

CB = 8192
QB = 512


def _gm_body(yb_ref, xT_ref, gm_ref):
    yb = yb_ref[...]
    xT = xT_ref[...]
    ybh = yb.astype(jnp.bfloat16)
    ybl = (yb - ybh.astype(jnp.float32)).astype(jnp.bfloat16)
    xh = xT.astype(jnp.bfloat16)
    xl = (xT - xh.astype(jnp.float32)).astype(jnp.bfloat16)
    dn = (((1,), (0,)), ((), ()))
    z = (lax.dot_general(ybh, xh, dn, preferred_element_type=jnp.float32)
         + (lax.dot_general(ybh, xl, dn, preferred_element_type=jnp.float32)
            + lax.dot_general(ybl, xh, dn,
                              preferred_element_type=jnp.float32)))
    yn = jnp.sum(yb * yb, axis=1, keepdims=True)
    s = yn - 2.0 * z
    r = jnp.min(s.reshape(CB // G, G, QB), axis=1)
    gm_ref[...] = r.T


NQI = 4


def _sc_body(cmb_hbm, yg_hbm, out_hbm,
             cmb_ts, sel_ts, rows_ts, out_t, gsems, csems):
    cid = lax.axis_index("c")
    sid = lax.axis_index("s")
    w = sid * NC + cid

    iota16 = lax.iota(jnp.int32, 16)
    ioD = iota16 * DIM
    inf16 = jnp.full((L,), BIG, jnp.float32)
    zero16 = jnp.zeros((L,), jnp.int32)

    def phase_a(cmb_t):
        def stepA(i, c3):
            td, ti, kth = c3
            v = cmb_t[pl.ds(i * L, L)]
            m = jnp.min(v)

            def merge(_):
                ids = iota16 + i * L
                sd, si = plsc.sort_key_val(v, ids)
                rd = jnp.flip(sd, 0)
                ri = jnp.flip(si, 0)
                keep = td <= rd
                nd = jnp.where(keep, td, rd)
                ni = jnp.where(keep, ti, ri)
                nd, ni = plsc.sort_key_val(nd, ni)
                return nd, ni, jnp.max(nd)

            return lax.cond(m < kth, merge, lambda _: c3, None)

        _, tiA, _ = lax.fori_loop(
            0, NGV, stepA, (inf16, zero16, jnp.float32(BIG)))
        return tiA

    def phase_b(cmb_t, sel_t, rows_t):
        def stepB(t, c3):
            btd, bti, kth = c3
            s_ = t // 4
            v_ = t % 4
            rowsplat = jnp.full((L,), s_, jnp.int32)
            colbase = ioD + v_ * (L * DIM)
            sq = []
            for j in range(DIM):
                yv = plsc.load_gather(rows_t, [rowsplat, colbase + j])
                d = yv - cmb_t[pl.ds(NG + j * L, L)]
                sq.append(d * d)
            a = [sq[i] + sq[i + 8] for i in range(8)]
            b = [a[i] + a[i + 4] for i in range(4)]
            c2 = [b[i] + b[i + 2] for i in range(2)]
            d2v = c2[0] + c2[1]
            m = jnp.min(d2v)

            def merge(_):
                gid = plsc.load_gather(sel_t, [rowsplat])
                cidx = gid * G + v_ * L + iota16
                sd, si = plsc.sort_key_val(d2v, cidx)
                rd = jnp.flip(sd, 0)
                ri = jnp.flip(si, 0)
                keep = btd <= rd
                nd = jnp.where(keep, btd, rd)
                ni = jnp.where(keep, bti, ri)
                nd, ni = plsc.sort_key_val(nd, ni)
                return nd, ni, jnp.max(nd)

            return lax.cond(m < kth, merge, lambda _: c3, None)

        btd, bti, _ = lax.fori_loop(
            0, NSEL * (G // L), stepB, (inf16, zero16, jnp.float32(BIG)))
        return btd, bti

    def emit(u, btd, bti):
        iv = plsc.bitcast(btd, jnp.int32)
        y0 = plsc.bitcast((iv >> 1) + 0x1FBD1DF6, jnp.float32)
        y1 = 0.5 * (y0 + btd / y0)
        y2 = 0.5 * (y1 + btd / y1)
        y3 = 0.5 * (y2 + btd / y2)
        out_t[pl.ds(u * 2 * L, L)] = plsc.bitcast(y3, jnp.int32)
        out_t[pl.ds(u * 2 * L + L, L)] = bti

    def prefetch(qi, u):
        qw = w * QPW + lax.rem(qi, QPW)
        return pltpu.async_copy(
            cmb_hbm.at[pl.ds(qw * CMBW, CMBW)], cmb_ts[u], csems[u])

    def wait_prefetch(u):
        pltpu.make_async_copy(
            cmb_hbm.at[pl.ds(0, CMBW)], cmb_ts[u], csems[u]).wait()

    def per_body(p, carry):
        q0 = w * QPW + NQI * p
        gathers = []
        for u in range(NQI):
            wait_prefetch(u)
            sel_ts[u][...] = phase_a(cmb_ts[u])
            gathers.append(
                pltpu.async_copy(yg_hbm.at[sel_ts[u]], rows_ts[u], gsems[u]))
        for u in range(NQI):
            gathers[u].wait()
            btd, bti = phase_b(cmb_ts[u], sel_ts[u], rows_ts[u])
            emit(u, btd, bti)
            prefetch(NQI * p + u + NQI, u)
        pltpu.sync_copy(out_t, out_hbm.at[pl.ds(q0 * 2 * L, NQI * 2 * L)])
        return carry

    for u in range(NQI):
        prefetch(u, u)
    lax.fori_loop(0, QPW // NQI, per_body, 0)
    for u in range(NQI):
        wait_prefetch(u)


def kernel(x, y, k, n_splits):
    del k, n_splits
    yp = jnp.concatenate(
        [y, jnp.full((NP - N, DIM), PAD_VAL, jnp.float32)], axis=0)
    gm = pl.pallas_call(
        _gm_body,
        grid=(NP // CB, Q // QB),
        in_specs=[
            pl.BlockSpec((CB, DIM), lambda i, j: (i, 0)),
            pl.BlockSpec((DIM, QB), lambda i, j: (0, j)),
        ],
        out_specs=pl.BlockSpec((QB, CB // G), lambda i, j: (j, i)),
        out_shape=jax.ShapeDtypeStruct((Q, NG), jnp.float32),
    )(yp, x.T)
    yg = yp.reshape(NG, G * DIM)
    xbB = jnp.broadcast_to(x.reshape(Q * DIM, 1), (Q * DIM, L))
    cmb = jnp.concatenate([gm, xbB.reshape(Q, DIM * L)], axis=1)

    sc_call = pl.kernel(
        _sc_body,
        out_type=jax.ShapeDtypeStruct((Q * 2 * L,), jnp.int32),
        mesh=plsc.VectorSubcoreMesh(core_axis_name="c", subcore_axis_name="s"),
        compiler_params=pltpu.CompilerParams(needs_layout_passes=False),
        scratch_types=[
            [pltpu.VMEM((CMBW,), jnp.float32) for _ in range(NQI)],
            [pltpu.VMEM((NSEL,), jnp.int32) for _ in range(NQI)],
            [pltpu.VMEM((NSEL, G * DIM), jnp.float32) for _ in range(NQI)],
            pltpu.VMEM((NQI * 2 * L,), jnp.int32),
            [pltpu.SemaphoreType.DMA for _ in range(NQI)],
            [pltpu.SemaphoreType.DMA for _ in range(NQI)],
        ],
    )
    out = sc_call(cmb.reshape(-1), yg).reshape(Q, 2 * L)
    ds = lax.bitcast_convert_type(out[:, :K], jnp.float32)
    di = out[:, L:L + K]
    return ds, di[..., None]

# --- scband reference (transcript-rebuilt; emitter-appended) ---
"""Pipeline reference for scband-path-distance-61598420959480 (READ-ONLY COPY).

The authoritative reference and input builder live on the scoring server;
editing this copy changes nothing except your own understanding.
"""

import jax, jax.numpy as jnp
import numpy as np


def setup_inputs(seed: int = 0) -> dict:
    key = jax.random.key(seed)
    k1, k2 = jax.random.split(key)
    x = jax.random.normal(k1, (1024, 16), dtype=jnp.float32)
    y = jax.random.normal(k2, (100000, 16), dtype=jnp.float32)
    return {"x": x, "y": y, "k": 10, "n_splits": 4}


def _pairwise_dist(x, yb):
    # Euclidean path distance (concrete impl of abstract forward)
    # x: (B1, d), yb: (S, d) -> (B1, S)
    diff = x[:, None, :] - yb[None, :, :]
    return jnp.sqrt(jnp.sum(diff * diff, axis=-1))


def reference(x, y, k, n_splits):
    B1 = x.shape[0]
    B2 = y.shape[0]
    K = 10
    N_SPLITS = 4
    split_size = B2 // N_SPLITS
    zero_i = ((jnp.asarray(k) - K) + (jnp.asarray(n_splits) - N_SPLITS)).astype(
        jnp.int32
    )
    ds = jnp.full((B1, K), jnp.inf, dtype=x.dtype)
    idces = jnp.full((B1, K), 2147483647, dtype=jnp.int32) + zero_i
    start = 0
    while start < B2:
        end = min(start + split_size, B2)
        bs = jnp.arange(start, end)
        yb = y[bs]
        new_ds = _pairwise_dist(x, yb)  # (B1, S)
        new_idces = jnp.broadcast_to(bs[None, :].astype(jnp.int32), (B1, bs.shape[0]))
        ds = jnp.concatenate([ds, new_ds], axis=1)
        idces = jnp.concatenate([idces, new_idces], axis=1)
        neg_top, top_pos = jax.lax.top_k(-ds, K)
        ds = -neg_top
        idces = jnp.take_along_axis(idces, top_pos, axis=1)
        start = end
    return ds, idces[..., None]

if __name__ == "__main__":
    import jax
    _d = setup_inputs()
    print(jax.jit(kernel)(*tuple(_d.values())))

</pallas_src>

<mosaic_0001>
#map = affine_map<(d0, d1) -> (0)>
#map1 = affine_map<(d0, d1) -> (0, 0)>
module attributes {stable_mosaic.version = 14 : i64} {
  func.func @_sc_body(%arg0: i32, %arg1: i32, %arg2: memref<1966080xf32, #tpu.memory_space<hbm>>, %arg3: memref<1664x1024xf32, #tpu.memory_space<hbm>>, %arg4: memref<32768xi32, #tpu.memory_space<hbm>>, %arg5: memref<1920xf32, #tpu.memory_space<vmem>>, %arg6: memref<1920xf32, #tpu.memory_space<vmem>>, %arg7: memref<1920xf32, #tpu.memory_space<vmem>>, %arg8: memref<1920xf32, #tpu.memory_space<vmem>>, %arg9: memref<16xi32, #tpu.memory_space<vmem>>, %arg10: memref<16xi32, #tpu.memory_space<vmem>>, %arg11: memref<16xi32, #tpu.memory_space<vmem>>, %arg12: memref<16xi32, #tpu.memory_space<vmem>>, %arg13: memref<16x1024xf32, #tpu.memory_space<vmem>>, %arg14: memref<16x1024xf32, #tpu.memory_space<vmem>>, %arg15: memref<16x1024xf32, #tpu.memory_space<vmem>>, %arg16: memref<16x1024xf32, #tpu.memory_space<vmem>>, %arg17: memref<128xi32, #tpu.memory_space<vmem>>, %arg18: memref<!tpu.dma_semaphore, #tpu.memory_space<semaphore_mem>>, %arg19: memref<!tpu.dma_semaphore, #tpu.memory_space<semaphore_mem>>, %arg20: memref<!tpu.dma_semaphore, #tpu.memory_space<semaphore_mem>>, %arg21: memref<!tpu.dma_semaphore, #tpu.memory_space<semaphore_mem>>, %arg22: memref<!tpu.dma_semaphore, #tpu.memory_space<semaphore_mem>>, %arg23: memref<!tpu.dma_semaphore, #tpu.memory_space<semaphore_mem>>, %arg24: memref<!tpu.dma_semaphore, #tpu.memory_space<semaphore_mem>>, %arg25: memref<!tpu.dma_semaphore, #tpu.memory_space<semaphore_mem>>) attributes {dimension_semantics = [#tpu.dimension_semantics<core_parallel>, #tpu.dimension_semantics<subcore_parallel>], iteration_bounds = array<i64: 2, 16>, scalar_prefetch = 0 : i64, scratch_operands = 21 : i64, tpu.core_type = #tpu.core_type<sc_vector_subcore>, window_params = [{transform_indices = #map}, {transform_indices = #map1}, {transform_indices = #map}]} {
    %mul3A = arith.constant 2 : i32
    %mul3A_0 = arith.muli %arg1, %mul3A : i32
    %add3A = arith.addi %mul3A_0, %arg0 : i32
    %iota3A = tpu.iota {dimensions = array<i32: 0>} : vector<16xi32>
    %mul3A_1 = arith.constant 16 : i32
    %mul3A_2 = vector.broadcast %mul3A_1 : i32 to vector<16xi32>
    %mul3A_3 = arith.muli %iota3A, %mul3A_2 : vector<16xi32>
    %broadcast_in_dim3A = arith.constant 3.000000e+38 : f32
    %broadcast_in_dim3A_4 = vector.broadcast %broadcast_in_dim3A : f32 to vector<16xf32>
    %broadcast_in_dim3A_5 = arith.constant 0 : i32
    %broadcast_in_dim3A_6 = vector.broadcast %broadcast_in_dim3A_5 : i32 to vector<16xi32>
    %mul3A_7 = arith.constant 32 : i32
    %mul3A_8 = arith.muli %add3A, %mul3A_7 : i32
    %rem3A = arith.constant 0 : i32
    %rem3A_9 = arith.constant 32 : i32
    %rem3A_10 = arith.remsi %rem3A, %rem3A_9 : i32
    %add3A_11 = arith.addi %mul3A_8, %rem3A_10 : i32
    %mul3A_12 = arith.constant 1920 : i32
    %mul3A_13 = arith.muli %add3A_11, %mul3A_12 : i32
    %dma_start3A = tpu.memref_slice %arg2[%mul3A_13] : memref<1966080xf32, #tpu.memory_space<hbm>> -> memref<1920xf32, #tpu.memory_space<hbm>>
    %dma_start3A_14 = tpu.memref_slice %arg2[%mul3A_13] : memref<1966080xf32, #tpu.memory_space<hbm>> -> memref<1920xf32, #tpu.memory_space<hbm>>
    tpu.enqueue_dma source(%dma_start3A_14 : memref<1920xf32, #tpu.memory_space<hbm>>) target(%arg5 : memref<1920xf32, #tpu.memory_space<vmem>>) target_semaphore(%arg22 : memref<!tpu.dma_semaphore, #tpu.memory_space<semaphore_mem>>)
    %mul3A_15 = arith.constant 32 : i32
    %mul3A_16 = arith.muli %add3A, %mul3A_15 : i32
    %rem3A_17 = arith.constant 1 : i32
    %rem3A_18 = arith.constant 32 : i32
    %rem3A_19 = arith.remsi %rem3A_17, %rem3A_18 : i32
    %add3A_20 = arith.addi %mul3A_16, %rem3A_19 : i32
    %mul3A_21 = arith.constant 1920 : i32
    %mul3A_22 = arith.muli %add3A_20, %mul3A_21 : i32
    %dma_start3A_23 = tpu.memref_slice %arg2[%mul3A_22] : memref<1966080xf32, #tpu.memory_space<hbm>> -> memref<1920xf32, #tpu.memory_space<hbm>>
    %dma_start3A_24 = tpu.memref_slice %arg2[%mul3A_22] : memref<1966080xf32, #tpu.memory_space<hbm>> -> memref<1920xf32, #tpu.memory_space<hbm>>
    tpu.enqueue_dma source(%dma_start3A_24 : memref<1920xf32, #tpu.memory_space<hbm>>) target(%arg6 : memref<1920xf32, #tpu.memory_space<vmem>>) target_semaphore(%arg23 : memref<!tpu.dma_semaphore, #tpu.memory_space<semaphore_mem>>)
    %mul3A_25 = arith.constant 32 : i32
    %mul3A_26 = arith.muli %add3A, %mul3A_25 : i32
    %rem3A_27 = arith.constant 2 : i32
    %rem3A_28 = arith.constant 32 : i32
    %rem3A_29 = arith.remsi %rem3A_27, %rem3A_28 : i32
    %add3A_30 = arith.addi %mul3A_26, %rem3A_29 : i32
    %mul3A_31 = arith.constant 1920 : i32
    %mul3A_32 = arith.muli %add3A_30, %mul3A_31 : i32
    %dma_start3A_33 = tpu.memref_slice %arg2[%mul3A_32] : memref<1966080xf32, #tpu.memory_space<hbm>> -> memref<1920xf32, #tpu.memory_space<hbm>>
    %dma_start3A_34 = tpu.memref_slice %arg2[%mul3A_32] : memref<1966080xf32, #tpu.memory_space<hbm>> -> memref<1920xf32, #tpu.memory_space<hbm>>
    tpu.enqueue_dma source(%dma_start3A_34 : memref<1920xf32, #tpu.memory_space<hbm>>) target(%arg7 : memref<1920xf32, #tpu.memory_space<vmem>>) target_semaphore(%arg24 : memref<!tpu.dma_semaphore, #tpu.memory_space<semaphore_mem>>)
    %mul3A_35 = arith.constant 32 : i32
    %mul3A_36 = arith.muli %add3A, %mul3A_35 : i32
    %rem3A_37 = arith.constant 3 : i32
    %rem3A_38 = arith.constant 32 : i32
    %rem3A_39 = arith.remsi %rem3A_37, %rem3A_38 : i32
    %add3A_40 = arith.addi %mul3A_36, %rem3A_39 : i32
    %mul3A_41 = arith.constant 1920 : i32
    %mul3A_42 = arith.muli %add3A_40, %mul3A_41 : i32
    %dma_start3A_43 = tpu.memref_slice %arg2[%mul3A_42] : memref<1966080xf32, #tpu.memory_space<hbm>> -> memref<1920xf32, #tpu.memory_space<hbm>>
    %dma_start3A_44 = tpu.memref_slice %arg2[%mul3A_42] : memref<1966080xf32, #tpu.memory_space<hbm>> -> memref<1920xf32, #tpu.memory_space<hbm>>
    tpu.enqueue_dma source(%dma_start3A_44 : memref<1920xf32, #tpu.memory_space<hbm>>) target(%arg8 : memref<1920xf32, #tpu.memory_space<vmem>>) target_semaphore(%arg25 : memref<!tpu.dma_semaphore, #tpu.memory_space<semaphore_mem>>)
    %scan3A = arith.constant 0 : i32
    %scan3A_45 = arith.constant 0 : i32
    %scan3A_46 = arith.constant 8 : i32
    %scan3A_47 = arith.addi %scan3A_45, %scan3A_46 : i32
    %scan3A_48 = arith.constant 1 : i32
    scf.for %scan3A_65 = %scan3A_45 to %scan3A_47 step %scan3A_48  : i32 {
      %mul3A_66 = arith.constant 32 : i32
      %mul3A_67 = arith.muli %add3A, %mul3A_66 : i32
      %mul3A_68 = arith.constant 4 : i32
      %mul3A_69 = arith.muli %mul3A_68, %scan3A_65 : i32
      %add3A_70 = arith.addi %mul3A_67, %mul3A_69 : i32
      %dma_wait3A_71 = arith.constant 0 : i32
      %dma_wait3A_72 = tpu.memref_slice %arg2[%dma_wait3A_71] : memref<1966080xf32, #tpu.memory_space<hbm>> -> memref<1920xf32, #tpu.memory_space<hbm>>
      %dma_wait3A_73 = arith.constant 0 : i32
      %dma_wait3A_74 = tpu.memref_slice %arg2[%dma_wait3A_73] : memref<1966080xf32, #tpu.memory_space<hbm>> -> memref<1920xf32, #tpu.memory_space<hbm>>
      tpu.wait_dma2 semaphore(%arg22 : memref<!tpu.dma_semaphore, #tpu.memory_space<semaphore_mem>>) src(%dma_wait3A_74 : memref<1920xf32, #tpu.memory_space<hbm>>) dst(%arg5 : memref<1920xf32, #tpu.memory_space<vmem>>)
      %scan3A_75 = arith.constant 3.000000e+38 : f32
      %scan3A_76 = arith.constant 0 : i32
      %scan3A_77 = arith.constant 104 : i32
      %scan3A_78 = arith.addi %scan3A_76, %scan3A_77 : i32
      %scan3A_79 = arith.constant 1 : i32
      %scan3A_80:3 = scf.for %scan3A_347 = %scan3A_76 to %scan3A_78 step %scan3A_79 iter_args(%scan3A_348 = %broadcast_in_dim3A_4, %scan3A_349 = %broadcast_in_dim3A_6, %scan3A_350 = %scan3A_75) -> (vector<16xf32>, vector<16xi32>, f32)  : i32 {
        %mul3A_351 = arith.constant 16 : i32
        %mul3A_352 = arith.muli %scan3A_347, %mul3A_351 : i32
        %get3A = arith.index_cast %mul3A_352 : i32 to index
        %get3A_353 = tpu.vector_load %arg5[%get3A] {strides = array<i32>} : memref<1920xf32, #tpu.memory_space<vmem>>, vector<16xf32>,
        %reduce_min3A = arith.constant true
        %reduce_min3A_354 = vector.broadcast %reduce_min3A : i1 to vector<16xi1>
        %reduce_min3A_355 = tpu.scan <min>, %get3A_353 masked %reduce_min3A_354 : vector<16xf32>, vector<16xi1> -> vector<16xf32>
        %reduce_min3A_356 = vector.extract %reduce_min3A_355[15] : f32 from vector<16xf32>
        %lt3A = arith.cmpf olt, %reduce_min3A_356, %scan3A_350 : f32
        %convert_element_type3A = arith.extui %lt3A : i1 to i32
        %cond3A = arith.constant 0 : i32
        %cond3A_357 = arith.cmpi ne, %convert_element_type3A, %cond3A : i32
        %cond3A_358:3 = scf.if %cond3A_357 -> (vector<16xf32>, vector<16xi32>, f32) {
          %mul3A_359 = arith.constant 16 : i32
          %mul3A_360 = arith.muli %scan3A_347, %mul3A_359 : i32
          %add3A_361 = vector.broadcast %mul3A_360 : i32 to vector<16xi32>
          %add3A_362 = arith.addi %iota3A, %add3A_361 : vector<16xi32>
          %masked_sort3A = arith.constant dense<true> : vector<16xi1>
          %masked_sort3A_363, %masked_sort3A_364, %masked_sort3A_365 = tpu.sort %get3A_353, %add3A_362 masked %masked_sort3A : (vector<16xf32>, vector<16xi32>, vector<16xi1>) -> (vector<16xi1>, vector<16xf32>, vector<16xi32>)
          %rev3A = arith.constant 15 : i32
          %rev3A_366 = vector.broadcast %rev3A : i32 to vector<16xi32>
          %rev3A_367 = tpu.iota {dimensions = array<i32: 0>} : vector<16xi32>
          %rev3A_368 = arith.subi %rev3A_366, %rev3A_367 : vector<16xi32>
          %rev3A_369 = tpu.dynamic_gather %masked_sort3A_364[%rev3A_368] in [0] : vector<16xf32>, vector<16xi32> -> vector<16xf32>
          %rev3A_370 = arith.constant 15 : i32
          %rev3A_371 = vector.broadcast %rev3A_370 : i32 to vector<16xi32>
          %rev3A_372 = tpu.iota {dimensions = array<i32: 0>} : vector<16xi32>
          %rev3A_373 = arith.subi %rev3A_371, %rev3A_372 : vector<16xi32>
          %rev3A_374 = tpu.dynamic_gather %masked_sort3A_365[%rev3A_373] in [0] : vector<16xi32>, vector<16xi32> -> vector<16xi32>
          %le3A = arith.cmpf ole, %scan3A_348, %rev3A_369 : vector<16xf32>
          %select_n3A = arith.select %le3A, %scan3A_348, %rev3A_369 : vector<16xi1>, vector<16xf32>
          %select_n3A_375 = arith.select %le3A, %scan3A_349, %rev3A_374 : vector<16xi1>, vector<16xi32>
          %masked_sort3A_376 = arith.constant dense<true> : vector<16xi1>
          %masked_sort3A_377, %masked_sort3A_378, %masked_sort3A_379 = tpu.sort %select_n3A, %select_n3A_375 masked %masked_sort3A_376 : (vector<16xf32>, vector<16xi32>, vector<16xi1>) -> (vector<16xi1>, vector<16xf32>, vector<16xi32>)
          %reduce_max3A = arith.constant true
          %reduce_max3A_380 = vector.broadcast %reduce_max3A : i1 to vector<16xi1>
          %reduce_max3A_381 = tpu.scan <max>, %masked_sort3A_378 masked %reduce_max3A_380 : vector<16xf32>, vector<16xi1> -> vector<16xf32>
          %reduce_max3A_382 = vector.extract %reduce_max3A_381[15] : f32 from vector<16xf32>
          scf.yield %masked_sort3A_378, %masked_sort3A_379, %reduce_max3A_382 : vector<16xf32>, vector<16xi32>, f32
        } else {
          scf.yield %scan3A_348, %scan3A_349, %scan3A_350 : vector<16xf32>, vector<16xi32>, f32
        }
        scf.yield %cond3A_358#0, %cond3A_358#1, %cond3A_358#2 : vector<16xf32>, vector<16xi32>, f32
      }
      %scan3A_81 = arith.constant 104 : i32
      %swap3A = arith.constant 0 : index
      %swap3A_82 = tpu.vector_load %arg9[%swap3A] {strides = array<i32>} : memref<16xi32, #tpu.memory_space<vmem>>, vector<16xi32>,
      tpu.vector_store %arg9[%swap3A], %scan3A_80#1 {strides = array<i32>} : memref<16xi32, #tpu.memory_space<vmem>>, vector<16xi32>,
      %dma_start3A_83 = arith.constant 0 : i32
      %dma_start3A_84 = arith.constant 0 : i32
      %dma_start3A_85 = tpu.memref_slice %arg3[%dma_start3A_83, %dma_start3A_84] : memref<1664x1024xf32, #tpu.memory_space<hbm>> -> memref<1664x1024xf32, #tpu.memory_space<hbm>>
      tpu.enqueue_indirect_dma source(%dma_start3A_85 : memref<1664x1024xf32, #tpu.memory_space<hbm>>) target(%arg13 : memref<16x1024xf32, #tpu.memory_space<vmem>>) offsets(%arg9 : memref<16xi32, #tpu.memory_space<vmem>>) semaphore(%arg18 : memref<!tpu.dma_semaphore, #tpu.memory_space<semaphore_mem>>)
      %dma_wait3A_86 = arith.constant 0 : i32
      %dma_wait3A_87 = tpu.memref_slice %arg2[%dma_wait3A_86] : memref<1966080xf32, #tpu.memory_space<hbm>> -> memref<1920xf32, #tpu.memory_space<hbm>>
      %dma_wait3A_88 = arith.constant 0 : i32
      %dma_wait3A_89 = tpu.memref_slice %arg2[%dma_wait3A_88] : memref<1966080xf32, #tpu.memory_space<hbm>> -> memref<1920xf32, #tpu.memory_space<hbm>>
      tpu.wait_dma2 semaphore(%arg23 : memref<!tpu.dma_semaphore, #tpu.memory_space<semaphore_mem>>) src(%dma_wait3A_89 : memref<1920xf32, #tpu.memory_space<hbm>>) dst(%arg6 : memref<1920xf32, #tpu.memory_space<vmem>>)
      %scan3A_90 = arith.constant 3.000000e+38 : f32
      %scan3A_91 = arith.constant 0 : i32
      %scan3A_92 = arith.constant 104 : i32
      %scan3A_93 = arith.addi %scan3A_91, %scan3A_92 : i32
      %scan3A_94 = arith.constant 1 : i32
      %scan3A_95:3 = scf.for %scan3A_347 = %scan3A_91 to %scan3A_93 step %scan3A_94 iter_args(%scan3A_348 = %broadcast_in_dim3A_4, %scan3A_349 = %broadcast_in_dim3A_6, %scan3A_350 = %scan3A_90) -> (vector<16xf32>, vector<16xi32>, f32)  : i32 {
        %mul3A_351 = arith.constant 16 : i32
        %mul3A_352 = arith.muli %scan3A_347, %mul3A_351 : i32
        %get3A = arith.index_cast %mul3A_352 : i32 to index
        %get3A_353 = tpu.vector_load %arg6[%get3A] {strides = array<i32>} : memref<1920xf32, #tpu.memory_space<vmem>>, vector<16xf32>,
        %reduce_min3A = arith.constant true
        %reduce_min3A_354 = vector.broadcast %reduce_min3A : i1 to vector<16xi1>
        %reduce_min3A_355 = tpu.scan <min>, %get3A_353 masked %reduce_min3A_354 : vector<16xf32>, vector<16xi1> -> vector<16xf32>
        %reduce_min3A_356 = vector.extract %reduce_min3A_355[15] : f32 from vector<16xf32>
        %lt3A = arith.cmpf olt, %reduce_min3A_356, %scan3A_350 : f32
        %convert_element_type3A = arith.extui %lt3A : i1 to i32
        %cond3A = arith.constant 0 : i32
        %cond3A_357 = arith.cmpi ne, %convert_element_type3A, %cond3A : i32
        %cond3A_358:3 = scf.if %cond3A_357 -> (vector<16xf32>, vector<16xi32>, f32) {
          %mul3A_359 = arith.constant 16 : i32
          %mul3A_360 = arith.muli %scan3A_347, %mul3A_359 : i32
          %add3A_361 = vector.broadcast %mul3A_360 : i32 to vector<16xi32>
          %add3A_362 = arith.addi %iota3A, %add3A_361 : vector<16xi32>
          %masked_sort3A = arith.constant dense<true> : vector<16xi1>
          %masked_sort3A_363, %masked_sort3A_364, %masked_sort3A_365 = tpu.sort %get3A_353, %add3A_362 masked %masked_sort3A : (vector<16xf32>, vector<16xi32>, vector<16xi1>) -> (vector<16xi1>, vector<16xf32>, vector<16xi32>)
          %rev3A = arith.constant 15 : i32
          %rev3A_366 = vector.broadcast %rev3A : i32 to vector<16xi32>
          %rev3A_367 = tpu.iota {dimensions = array<i32: 0>} : vector<16xi32>
          %rev3A_368 = arith.subi %rev3A_366, %rev3A_367 : vector<16xi32>
          %rev3A_369 = tpu.dynamic_gather %masked_sort3A_364[%rev3A_368] in [0] : vector<16xf32>, vector<16xi32> -> vector<16xf32>
          %rev3A_370 = arith.constant 15 : i32
          %rev3A_371 = vector.broadcast %rev3A_370 : i32 to vector<16xi32>
          %rev3A_372 = tpu.iota {dimensions = array<i32: 0>} : vector<16xi32>
          %rev3A_373 = arith.subi %rev3A_371, %rev3A_372 : vector<16xi32>
          %rev3A_374 = tpu.dynamic_gather %masked_sort3A_365[%rev3A_373] in [0] : vector<16xi32>, vector<16xi32> -> vector<16xi32>
          %le3A = arith.cmpf ole, %scan3A_348, %rev3A_369 : vector<16xf32>
          %select_n3A = arith.select %le3A, %scan3A_348, %rev3A_369 : vector<16xi1>, vector<16xf32>
          %select_n3A_375 = arith.select %le3A, %scan3A_349, %rev3A_374 : vector<16xi1>, vector<16xi32>
          %masked_sort3A_376 = arith.constant dense<true> : vector<16xi1>
          %masked_sort3A_377, %masked_sort3A_378, %masked_sort3A_379 = tpu.sort %select_n3A, %select_n3A_375 masked %masked_sort3A_376 : (vector<16xf32>, vector<16xi32>, vector<16xi1>) -> (vector<16xi1>, vector<16xf32>, vector<16xi32>)
          %reduce_max3A = arith.constant true
          %reduce_max3A_380 = vector.broadcast %reduce_max3A : i1 to vector<16xi1>
          %reduce_max3A_381 = tpu.scan <max>, %masked_sort3A_378 masked %reduce_max3A_380 : vector<16xf32>, vector<16xi1> -> vector<16xf32>
          %reduce_max3A_382 = vector.extract %reduce_max3A_381[15] : f32 from vector<16xf32>
          scf.yield %masked_sort3A_378, %masked_sort3A_379, %reduce_max3A_382 : vector<16xf32>, vector<16xi32>, f32
        } else {
          scf.yield %scan3A_348, %scan3A_349, %scan3A_350 : vector<16xf32>, vector<16xi32>, f32
        }
        scf.yield %cond3A_358#0, %cond3A_358#1, %cond3A_358#2 : vector<16xf32>, vector<16xi32>, f32
      }
      %scan3A_96 = arith.constant 104 : i32
      %swap3A_97 = arith.constant 0 : index
      %swap3A_98 = tpu.vector_load %arg10[%swap3A_97] {strides = array<i32>} : memref<16xi32, #tpu.memory_space<vmem>>, vector<16xi32>,
      tpu.vector_store %arg10[%swap3A_97], %scan3A_95#1 {strides = array<i32>} : memref<16xi32, #tpu.memory_space<vmem>>, vector<16xi32>,
      %dma_start3A_99 = arith.constant 0 : i32
      %dma_start3A_100 = arith.constant 0 : i32
      %dma_start3A_101 = tpu.memref_slice %arg3[%dma_start3A_99, %dma_start3A_100] : memref<1664x1024xf32, #tpu.memory_space<hbm>> -> memref<1664x1024xf32, #tpu.memory_space<hbm>>
      tpu.enqueue_indirect_dma source(%dma_start3A_101 : memref<1664x1024xf32, #tpu.memory_space<hbm>>) target(%arg14 : memref<16x1024xf32, #tpu.memory_space<vmem>>) offsets(%arg10 : memref<16xi32, #tpu.memory_space<vmem>>) semaphore(%arg19 : memref<!tpu.dma_semaphore, #tpu.memory_space<semaphore_mem>>)
      %dma_wait3A_102 = arith.constant 0 : i32
      %dma_wait3A_103 = tpu.memref_slice %arg2[%dma_wait3A_102] : memref<1966080xf32, #tpu.memory_space<hbm>> -> memref<1920xf32, #tpu.memory_space<hbm>>
      %dma_wait3A_104 = arith.constant 0 : i32
      %dma_wait3A_105 = tpu.memref_slice %arg2[%dma_wait3A_104] : memref<1966080xf32, #tpu.memory_space<hbm>> -> memref<1920xf32, #tpu.memory_space<hbm>>
      tpu.wait_dma2 semaphore(%arg24 : memref<!tpu.dma_semaphore, #tpu.memory_space<semaphore_mem>>) src(%dma_wait3A_105 : memref<1920xf32, #tpu.memory_space<hbm>>) dst(%arg7 : memref<1920xf32, #tpu.memory_space<vmem>>)
      %scan3A_106 = arith.constant 3.000000e+38 : f32
      %scan3A_107 = arith.constant 0 : i32
      %scan3A_108 = arith.constant 104 : i32
      %scan3A_109 = arith.addi %scan3A_107, %scan3A_108 : i32
      %scan3A_110 = arith.constant 1 : i32
      %scan3A_111:3 = scf.for %scan3A_347 = %scan3A_107 to %scan3A_109 step %scan3A_110 iter_args(%scan3A_348 = %broadcast_in_dim3A_4, %scan3A_349 = %broadcast_in_dim3A_6, %scan3A_350 = %scan3A_106) -> (vector<16xf32>, vector<16xi32>, f32)  : i32 {
        %mul3A_351 = arith.constant 16 : i32
        %mul3A_352 = arith.muli %scan3A_347, %mul3A_351 : i32
        %get3A = arith.index_cast %mul3A_352 : i32 to index
        %get3A_353 = tpu.vector_load %arg7[%get3A] {strides = array<i32>} : memref<1920xf32, #tpu.memory_space<vmem>>, vector<16xf32>,
        %reduce_min3A = arith.constant true
        %reduce_min3A_354 = vector.broadcast %reduce_min3A : i1 to vector<16xi1>
        %reduce_min3A_355 = tpu.scan <min>, %get3A_353 masked %reduce_min3A_354 : vector<16xf32>, vector<16xi1> -> vector<16xf32>
        %reduce_min3A_356 = vector.extract %reduce_min3A_355[15] : f32 from vector<16xf32>
        %lt3A = arith.cmpf olt, %reduce_min3A_356, %scan3A_350 : f32
        %convert_element_type3A = arith.extui %lt3A : i1 to i32
        %cond3A = arith.constant 0 : i32
        %cond3A_357 = arith.cmpi ne, %convert_element_type3A, %cond3A : i32
        %cond3A_358:3 = scf.if %cond3A_357 -> (vector<16xf32>, vector<16xi32>, f32) {
          %mul3A_359 = arith.constant 16 : i32
          %mul3A_360 = arith.muli %scan3A_347, %mul3A_359 : i32
          %add3A_361 = vector.broadcast %mul3A_360 : i32 to vector<16xi32>
          %add3A_362 = arith.addi %iota3A, %add3A_361 : vector<16xi32>
          %masked_sort3A = arith.constant dense<true> : vector<16xi1>
          %masked_sort3A_363, %masked_sort3A_364, %masked_sort3A_365 = tpu.sort %get3A_353, %add3A_362 masked %masked_sort3A : (vector<16xf32>, vector<16xi32>, vector<16xi1>) -> (vector<16xi1>, vector<16xf32>, vector<16xi32>)
          %rev3A = arith.constant 15 : i32
          %rev3A_366 = vector.broadcast %rev3A : i32 to vector<16xi32>
          %rev3A_367 = tpu.iota {dimensions = array<i32: 0>} : vector<16xi32>
          %rev3A_368 = arith.subi %rev3A_366, %rev3A_367 : vector<16xi32>
          %rev3A_369 = tpu.dynamic_gather %masked_sort3A_364[%rev3A_368] in [0] : vector<16xf32>, vector<16xi32> -> vector<16xf32>
          %rev3A_370 = arith.constant 15 : i32
          %rev3A_371 = vector.broadcast %rev3A_370 : i32 to vector<16xi32>
          %rev3A_372 = tpu.iota {dimensions = array<i32: 0>} : vector<16xi32>
          %rev3A_373 = arith.subi %rev3A_371, %rev3A_372 : vector<16xi32>
          %rev3A_374 = tpu.dynamic_gather %masked_sort3A_365[%rev3A_373] in [0] : vector<16xi32>, vector<16xi32> -> vector<16xi32>
          %le3A = arith.cmpf ole, %scan3A_348, %rev3A_369 : vector<16xf32>
          %select_n3A = arith.select %le3A, %scan3A_348, %rev3A_369 : vector<16xi1>, vector<16xf32>
          %select_n3A_375 = arith.select %le3A, %scan3A_349, %rev3A_374 : vector<16xi1>, vector<16xi32>
          %masked_sort3A_376 = arith.constant dense<true> : vector<16xi1>
          %masked_sort3A_377, %masked_sort3A_378, %masked_sort3A_379 = tpu.sort %select_n3A, %select_n3A_375 masked %masked_sort3A_376 : (vector<16xf32>, vector<16xi32>, vector<16xi1>) -> (vector<16xi1>, vector<16xf32>, vector<16xi32>)
          %reduce_max3A = arith.constant true
          %reduce_max3A_380 = vector.broadcast %reduce_max3A : i1 to vector<16xi1>
          %reduce_max3A_381 = tpu.scan <max>, %masked_sort3A_378 masked %reduce_max3A_380 : vector<16xf32>, vector<16xi1> -> vector<16xf32>
          %reduce_max3A_382 = vector.extract %reduce_max3A_381[15] : f32 from vector<16xf32>
          scf.yield %masked_sort3A_378, %masked_sort3A_379, %reduce_max3A_382 : vector<16xf32>, vector<16xi32>, f32
        } else {
          scf.yield %scan3A_348, %scan3A_349, %scan3A_350 : vector<16xf32>, vector<16xi32>, f32
        }
        scf.yield %cond3A_358#0, %cond3A_358#1, %cond3A_358#2 : vector<16xf32>, vector<16xi32>, f32
      }
      %scan3A_112 = arith.constant 104 : i32
      %swap3A_113 = arith.constant 0 : index
      %swap3A_114 = tpu.vector_load %arg11[%swap3A_113] {strides = array<i32>} : memref<16xi32, #tpu.memory_space<vmem>>, vector<16xi32>,
      tpu.vector_store %arg11[%swap3A_113], %scan3A_111#1 {strides = array<i32>} : memref<16xi32, #tpu.memory_space<vmem>>, vector<16xi32>,
      %dma_start3A_115 = arith.constant 0 : i32
      %dma_start3A_116 = arith.constant 0 : i32
      %dma_start3A_117 = tpu.memref_slice %arg3[%dma_start3A_115, %dma_start3A_116] : memref<1664x1024xf32, #tpu.memory_space<hbm>> -> memref<1664x1024xf32, #tpu.memory_space<hbm>>
      tpu.enqueue_indirect_dma source(%dma_start3A_117 : memref<1664x1024xf32, #tpu.memory_space<hbm>>) target(%arg15 : memref<16x1024xf32, #tpu.memory_space<vmem>>) offsets(%arg11 : memref<16xi32, #tpu.memory_space<vmem>>) semaphore(%arg20 : memref<!tpu.dma_semaphore, #tpu.memory_space<semaphore_mem>>)
      %dma_wait3A_118 = arith.constant 0 : i32
      %dma_wait3A_119 = tpu.memref_slice %arg2[%dma_wait3A_118] : memref<1966080xf32, #tpu.memory_space<hbm>> -> memref<1920xf32, #tpu.memory_space<hbm>>
      %dma_wait3A_120 = arith.constant 0 : i32
      %dma_wait3A_121 = tpu.memref_slice %arg2[%dma_wait3A_120] : memref<1966080xf32, #tpu.memory_space<hbm>> -> memref<1920xf32, #tpu.memory_space<hbm>>
      tpu.wait_dma2 semaphore(%arg25 : memref<!tpu.dma_semaphore, #tpu.memory_space<semaphore_mem>>) src(%dma_wait3A_121 : memref<1920xf32, #tpu.memory_space<hbm>>) dst(%arg8 : memref<1920xf32, #tpu.memory_space<vmem>>)
      %scan3A_122 = arith.constant 3.000000e+38 : f32
      %scan3A_123 = arith.constant 0 : i32
      %scan3A_124 = arith.constant 104 : i32
      %scan3A_125 = arith.addi %scan3A_123, %scan3A_124 : i32
      %scan3A_126 = arith.constant 1 : i32
      %scan3A_127:3 = scf.for %scan3A_347 = %scan3A_123 to %scan3A_125 step %scan3A_126 iter_args(%scan3A_348 = %broadcast_in_dim3A_4, %scan3A_349 = %broadcast_in_dim3A_6, %scan3A_350 = %scan3A_122) -> (vector<16xf32>, vector<16xi32>, f32)  : i32 {
        %mul3A_351 = arith.constant 16 : i32
        %mul3A_352 = arith.muli %scan3A_347, %mul3A_351 : i32
        %get3A = arith.index_cast %mul3A_352 : i32 to index
        %get3A_353 = tpu.vector_load %arg8[%get3A] {strides = array<i32>} : memref<1920xf32, #tpu.memory_space<vmem>>, vector<16xf32>,
        %reduce_min3A = arith.constant true
        %reduce_min3A_354 = vector.broadcast %reduce_min3A : i1 to vector<16xi1>
        %reduce_min3A_355 = tpu.scan <min>, %get3A_353 masked %reduce_min3A_354 : vector<16xf32>, vector<16xi1> -> vector<16xf32>
        %reduce_min3A_356 = vector.extract %reduce_min3A_355[15] : f32 from vector<16xf32>
        %lt3A = arith.cmpf olt, %reduce_min3A_356, %scan3A_350 : f32
        %convert_element_type3A = arith.extui %lt3A : i1 to i32
        %cond3A = arith.constant 0 : i32
        %cond3A_357 = arith.cmpi ne, %convert_element_type3A, %cond3A : i32
        %cond3A_358:3 = scf.if %cond3A_357 -> (vector<16xf32>, vector<16xi32>, f32) {
          %mul3A_359 = arith.constant 16 : i32
          %mul3A_360 = arith.muli %scan3A_347, %mul3A_359 : i32
          %add3A_361 = vector.broadcast %mul3A_360 : i32 to vector<16xi32>
          %add3A_362 = arith.addi %iota3A, %add3A_361 : vector<16xi32>
          %masked_sort3A = arith.constant dense<true> : vector<16xi1>
          %masked_sort3A_363, %masked_sort3A_364, %masked_sort3A_365 = tpu.sort %get3A_353, %add3A_362 masked %masked_sort3A : (vector<16xf32>, vector<16xi32>, vector<16xi1>) -> (vector<16xi1>, vector<16xf32>, vector<16xi32>)
          %rev3A = arith.constant 15 : i32
          %rev3A_366 = vector.broadcast %rev3A : i32 to vector<16xi32>
          %rev3A_367 = tpu.iota {dimensions = array<i32: 0>} : vector<16xi32>
          %rev3A_368 = arith.subi %rev3A_366, %rev3A_367 : vector<16xi32>
          %rev3A_369 = tpu.dynamic_gather %masked_sort3A_364[%rev3A_368] in [0] : vector<16xf32>, vector<16xi32> -> vector<16xf32>
          %rev3A_370 = arith.constant 15 : i32
          %rev3A_371 = vector.broadcast %rev3A_370 : i32 to vector<16xi32>
          %rev3A_372 = tpu.iota {dimensions = array<i32: 0>} : vector<16xi32>
          %rev3A_373 = arith.subi %rev3A_371, %rev3A_372 : vector<16xi32>
          %rev3A_374 = tpu.dynamic_gather %masked_sort3A_365[%rev3A_373] in [0] : vector<16xi32>, vector<16xi32> -> vector<16xi32>
          %le3A = arith.cmpf ole, %scan3A_348, %rev3A_369 : vector<16xf32>
          %select_n3A = arith.select %le3A, %scan3A_348, %rev3A_369 : vector<16xi1>, vector<16xf32>
          %select_n3A_375 = arith.select %le3A, %scan3A_349, %rev3A_374 : vector<16xi1>, vector<16xi32>
          %masked_sort3A_376 = arith.constant dense<true> : vector<16xi1>
          %masked_sort3A_377, %masked_sort3A_378, %masked_sort3A_379 = tpu.sort %select_n3A, %select_n3A_375 masked %masked_sort3A_376 : (vector<16xf32>, vector<16xi32>, vector<16xi1>) -> (vector<16xi1>, vector<16xf32>, vector<16xi32>)
          %reduce_max3A = arith.constant true
          %reduce_max3A_380 = vector.broadcast %reduce_max3A : i1 to vector<16xi1>
          %reduce_max3A_381 = tpu.scan <max>, %masked_sort3A_378 masked %reduce_max3A_380 : vector<16xf32>, vector<16xi1> -> vector<16xf32>
          %reduce_max3A_382 = vector.extract %reduce_max3A_381[15] : f32 from vector<16xf32>
          scf.yield %masked_sort3A_378, %masked_sort3A_379, %reduce_max3A_382 : vector<16xf32>, vector<16xi32>, f32
        } else {
          scf.yield %scan3A_348, %scan3A_349, %scan3A_350 : vector<16xf32>, vector<16xi32>, f32
        }
        scf.yield %cond3A_358#0, %cond3A_358#1, %cond3A_358#2 : vector<16xf32>, vector<16xi32>, f32
      }
      %scan3A_128 = arith.constant 104 : i32
      %swap3A_129 = arith.constant 0 : index
      %swap3A_130 = tpu.vector_load %arg12[%swap3A_129] {strides = array<i32>} : memref<16xi32, #tpu.memory_space<vmem>>, vector<16xi32>,
      tpu.vector_store %arg12[%swap3A_129], %scan3A_127#1 {strides = array<i32>} : memref<16xi32, #tpu.memory_space<vmem>>, vector<16xi32>,
      %dma_start3A_131 = arith.constant 0 : i32
      %dma_start3A_132 = arith.constant 0 : i32
      %dma_start3A_133 = tpu.memref_slice %arg3[%dma_start3A_131, %dma_start3A_132] : memref<1664x1024xf32, #tpu.memory_space<hbm>> -> memref<1664x1024xf32, #tpu.memory_space<hbm>>
      tpu.enqueue_indirect_dma source(%dma_start3A_133 : memref<1664x1024xf32, #tpu.memory_space<hbm>>) target(%arg16 : memref<16x1024xf32, #tpu.memory_space<vmem>>) offsets(%arg12 : memref<16xi32, #tpu.memory_space<vmem>>) semaphore(%arg21 : memref<!tpu.dma_semaphore, #tpu.memory_space<semaphore_mem>>)
      %dma_wait3A_134 = arith.constant 0 : i32
      %dma_wait3A_135 = arith.constant 0 : i32
      %dma_wait3A_136 = tpu.memref_slice %arg3[%dma_wait3A_134, %dma_wait3A_135] : memref<1664x1024xf32, #tpu.memory_space<hbm>> -> memref<1664x1024xf32, #tpu.memory_space<hbm>>
      tpu.wait_indirect_dma semaphore(%arg18 : memref<!tpu.dma_semaphore, #tpu.memory_space<semaphore_mem>>) src(%dma_wait3A_136 : memref<1664x1024xf32, #tpu.memory_space<hbm>>) dst(%arg13 : memref<16x1024xf32, #tpu.memory_space<vmem>>)
      %scan3A_137 = arith.constant 3.000000e+38 : f32
      %scan3A_138 = arith.constant 0 : i32
      %scan3A_139 = arith.constant 64 : i32
      %scan3A_140 = arith.addi %scan3A_138, %scan3A_139 : i32
      %scan3A_141 = arith.constant 1 : i32
      %scan3A_142:3 = scf.for %scan3A_347 = %scan3A_138 to %scan3A_140 step %scan3A_141 iter_args(%scan3A_348 = %broadcast_in_dim3A_4, %scan3A_349 = %broadcast_in_dim3A_6, %scan3A_350 = %scan3A_137) -> (vector<16xf32>, vector<16xi32>, f32)  : i32 {
        %jit3A = arith.constant 4 : i32
        %div3A_351 = arith.divsi %scan3A_347, %jit3A : i32
        %sign3A = arith.constant 0 : i32
        %sign3A_352 = arith.cmpi sgt, %scan3A_347, %sign3A : i32
        %sign3A_353 = arith.extui %sign3A_352 : i1 to i32
        %sign3A_354 = arith.constant 0 : i32
        %sign3A_355 = arith.cmpi slt, %scan3A_347, %sign3A_354 : i32
        %sign3A_356 = arith.extui %sign3A_355 : i1 to i32
        %sign3A_357 = arith.subi %sign3A_353, %sign3A_356 : i32
        %sign3A_358 = arith.constant 0 : i32
        %sign3A_359 = arith.cmpi sgt, %jit3A, %sign3A_358 : i32
        %sign3A_360 = arith.extui %sign3A_359 : i1 to i32
        %sign3A_361 = arith.constant 0 : i32
        %sign3A_362 = arith.cmpi slt, %jit3A, %sign3A_361 : i32
        %sign3A_363 = arith.extui %sign3A_362 : i1 to i32
        %sign3A_364 = arith.subi %sign3A_360, %sign3A_363 : i32
        %ne3A = arith.cmpi ne, %sign3A_357, %sign3A_364 : i32
        %rem3A_365 = arith.remsi %scan3A_347, %jit3A : i32
        %ne3A_366 = arith.constant 0 : i32
        %ne3A_367 = arith.cmpi ne, %rem3A_365, %ne3A_366 : i32
        %and3A = arith.andi %ne3A, %ne3A_367 : i1
        %sub3A = arith.constant 1 : i32
        %sub3A_368 = arith.subi %div3A_351, %sub3A : i32
        %select_n3A = arith.select %and3A, %sub3A_368, %div3A_351 : i32
        %jit3A_369 = arith.constant 4 : i32
        %eq3A = arith.constant 0 : i32
        %eq3A_370 = arith.cmpi eq, %jit3A_369, %eq3A : i32
        %jit3A_371 = arith.constant 1 : i32
        %select_n3A_372 = arith.select %eq3A_370, %jit3A_371, %jit3A_369 : i32
        %rem3A_373 = arith.remsi %scan3A_347, %select_n3A_372 : i32
        %ne3A_374 = arith.constant 0 : i32
        %ne3A_375 = arith.cmpi ne, %rem3A_373, %ne3A_374 : i32
        %lt3A = arith.constant 0 : i32
        %lt3A_376 = arith.cmpi slt, %rem3A_373, %lt3A : i32
        %lt3A_377 = arith.constant 0 : i32
        %lt3A_378 = arith.cmpi slt, %select_n3A_372, %lt3A_377 : i32
        %ne3A_379 = arith.xori %lt3A_376, %lt3A_378 : i1
        %and3A_380 = arith.andi %ne3A_379, %ne3A_375 : i1
        %add3A_381 = arith.addi %rem3A_373, %select_n3A_372 : i32
        %select_n3A_382 = arith.select %and3A_380, %add3A_381, %rem3A_373 : i32
        %broadcast_in_dim3A_383 = vector.broadcast %select_n3A : i32 to vector<16xi32>
        %mul3A_384 = arith.constant 256 : i32
        %mul3A_385 = arith.muli %select_n3A_382, %mul3A_384 : i32
        %add3A_386 = vector.broadcast %mul3A_385 : i32 to vector<16xi32>
        %add3A_387 = arith.addi %mul3A_3, %add3A_386 : vector<16xi32>
        %add3A_388 = arith.constant 0 : i32
        %add3A_389 = vector.broadcast %add3A_388 : i32 to vector<16xi32>
        %add3A_390 = arith.addi %add3A_387, %add3A_389 : vector<16xi32>
        %gather3A = tpu.vector_load_idx %arg13[%broadcast_in_dim3A_383, %add3A_390] : memref<16x1024xf32, #tpu.memory_space<vmem>>[vector<16xi32>, vector<16xi32>], vector<16xf32>,
        %get3A = arith.constant 1664 : index
        %get3A_391 = tpu.vector_load %arg5[%get3A] {strides = array<i32>} : memref<1920xf32, #tpu.memory_space<vmem>>, vector<16xf32>,
        %sub3A_392 = arith.subf %gather3A, %get3A_391 : vector<16xf32>
        %mul3A_393 = arith.mulf %sub3A_392, %sub3A_392 : vector<16xf32>
        %add3A_394 = arith.constant 1 : i32
        %add3A_395 = vector.broadcast %add3A_394 : i32 to vector<16xi32>
        %add3A_396 = arith.addi %add3A_387, %add3A_395 : vector<16xi32>
        %gather3A_397 = tpu.vector_load_idx %arg13[%broadcast_in_dim3A_383, %add3A_396] : memref<16x1024xf32, #tpu.memory_space<vmem>>[vector<16xi32>, vector<16xi32>], vector<16xf32>,
        %get3A_398 = arith.constant 1680 : index
        %get3A_399 = tpu.vector_load %arg5[%get3A_398] {strides = array<i32>} : memref<1920xf32, #tpu.memory_space<vmem>>, vector<16xf32>,
        %sub3A_400 = arith.subf %gather3A_397, %get3A_399 : vector<16xf32>
        %mul3A_401 = arith.mulf %sub3A_400, %sub3A_400 : vector<16xf32>
        %add3A_402 = arith.constant 2 : i32
        %add3A_403 = vector.broadcast %add3A_402 : i32 to vector<16xi32>
        %add3A_404 = arith.addi %add3A_387, %add3A_403 : vector<16xi32>
        %gather3A_405 = tpu.vector_load_idx %arg13[%broadcast_in_dim3A_383, %add3A_404] : memref<16x1024xf32, #tpu.memory_space<vmem>>[vector<16xi32>, vector<16xi32>], vector<16xf32>,
        %get3A_406 = arith.constant 1696 : index
        %get3A_407 = tpu.vector_load %arg5[%get3A_406] {strides = array<i32>} : memref<1920xf32, #tpu.memory_space<vmem>>, vector<16xf32>,
        %sub3A_408 = arith.subf %gather3A_405, %get3A_407 : vector<16xf32>
        %mul3A_409 = arith.mulf %sub3A_408, %sub3A_408 : vector<16xf32>
        %add3A_410 = arith.constant 3 : i32
        %add3A_411 = vector.broadcast %add3A_410 : i32 to vector<16xi32>
        %add3A_412 = arith.addi %add3A_387, %add3A_411 : vector<16xi32>
        %gather3A_413 = tpu.vector_load_idx %arg13[%broadcast_in_dim3A_383, %add3A_412] : memref<16x1024xf32, #tpu.memory_space<vmem>>[vector<16xi32>, vector<16xi32>], vector<16xf32>,
        %get3A_414 = arith.constant 1712 : index
        %get3A_415 = tpu.vector_load %arg5[%get3A_414] {strides = array<i32>} : memref<1920xf32, #tpu.memory_space<vmem>>, vector<16xf32>,
        %sub3A_416 = arith.subf %gather3A_413, %get3A_415 : vector<16xf32>
        %mul3A_417 = arith.mulf %sub3A_416, %sub3A_416 : vector<16xf32>
        %add3A_418 = arith.constant 4 : i32
        %add3A_419 = vector.broadcast %add3A_418 : i32 to vector<16xi32>
        %add3A_420 = arith.addi %add3A_387, %add3A_419 : vector<16xi32>
        %gather3A_421 = tpu.vector_load_idx %arg13[%broadcast_in_dim3A_383, %add3A_420] : memref<16x1024xf32, #tpu.memory_space<vmem>>[vector<16xi32>, vector<16xi32>], vector<16xf32>,
        %get3A_422 = arith.constant 1728 : index
        %get3A_423 = tpu.vector_load %arg5[%get3A_422] {strides = array<i32>} : memref<1920xf32, #tpu.memory_space<vmem>>, vector<16xf32>,
        %sub3A_424 = arith.subf %gather3A_421, %get3A_423 : vector<16xf32>
        %mul3A_425 = arith.mulf %sub3A_424, %sub3A_424 : vector<16xf32>
        %add3A_426 = arith.constant 5 : i32
        %add3A_427 = vector.broadcast %add3A_426 : i32 to vector<16xi32>
        %add3A_428 = arith.addi %add3A_387, %add3A_427 : vector<16xi32>
        %gather3A_429 = tpu.vector_load_idx %arg13[%broadcast_in_dim3A_383, %add3A_428] : memref<16x1024xf32, #tpu.memory_space<vmem>>[vector<16xi32>, vector<16xi32>], vector<16xf32>,
        %get3A_430 = arith.constant 1744 : index
        %get3A_431 = tpu.vector_load %arg5[%get3A_430] {strides = array<i32>} : memref<1920xf32, #tpu.memory_space<vmem>>, vector<16xf32>,
        %sub3A_432 = arith.subf %gather3A_429, %get3A_431 : vector<16xf32>
        %mul3A_433 = arith.mulf %sub3A_432, %sub3A_432 : vector<16xf32>
        %add3A_434 = arith.constant 6 : i32
        %add3A_435 = vector.broadcast %add3A_434 : i32 to vector<16xi32>
        %add3A_436 = arith.addi %add3A_387, %add3A_435 : vector<16xi32>
        %gather3A_437 = tpu.vector_load_idx %arg13[%broadcast_in_dim3A_383, %add3A_436] : memref<16x1024xf32, #tpu.memory_space<vmem>>[vector<16xi32>, vector<16xi32>], vector<16xf32>,
        %get3A_438 = arith.constant 1760 : index
        %get3A_439 = tpu.vector_load %arg5[%get3A_438] {strides = array<i32>} : memref<1920xf32, #tpu.memory_space<vmem>>, vector<16xf32>,
        %sub3A_440 = arith.subf %gather3A_437, %get3A_439 : vector<16xf32>
        %mul3A_441 = arith.mulf %sub3A_440, %sub3A_440 : vector<16xf32>
        %add3A_442 = arith.constant 7 : i32
        %add3A_443 = vector.broadcast %add3A_442 : i32 to vector<16xi32>
        %add3A_444 = arith.addi %add3A_387, %add3A_443 : vector<16xi32>
        %gather3A_445 = tpu.vector_load_idx %arg13[%broadcast_in_dim3A_383, %add3A_444] : memref<16x1024xf32, #tpu.memory_space<vmem>>[vector<16xi32>, vector<16xi32>], vector<16xf32>,
        %get3A_446 = arith.constant 1776 : index
        %get3A_447 = tpu.vector_load %arg5[%get3A_446] {strides = array<i32>} : memref<1920xf32, #tpu.memory_space<vmem>>, vector<16xf32>,
        %sub3A_448 = arith.subf %gather3A_445, %get3A_447 : vector<16xf32>
        %mul3A_449 = arith.mulf %sub3A_448, %sub3A_448 : vector<16xf32>
        %add3A_450 = arith.constant 8 : i32
        %add3A_451 = vector.broadcast %add3A_450 : i32 to vector<16xi32>
        %add3A_452 = arith.addi %add3A_387, %add3A_451 : vector<16xi32>
        %gather3A_453 = tpu.vector_load_idx %arg13[%broadcast_in_dim3A_383, %add3A_452] : memref<16x1024xf32, #tpu.memory_space<vmem>>[vector<16xi32>, vector<16xi32>], vector<16xf32>,
        %get3A_454 = arith.constant 1792 : index
        %get3A_455 = tpu.vector_load %arg5[%get3A_454] {strides = array<i32>} : memref<1920xf32, #tpu.memory_space<vmem>>, vector<16xf32>,
        %sub3A_456 = arith.subf %gather3A_453, %get3A_455 : vector<16xf32>
        %mul3A_457 = arith.mulf %sub3A_456, %sub3A_456 : vector<16xf32>
        %add3A_458 = arith.constant 9 : i32
        %add3A_459 = vector.broadcast %add3A_458 : i32 to vector<16xi32>
        %add3A_460 = arith.addi %add3A_387, %add3A_459 : vector<16xi32>
        %gather3A_461 = tpu.vector_load_idx %arg13[%broadcast_in_dim3A_383, %add3A_460] : memref<16x1024xf32, #tpu.memory_space<vmem>>[vector<16xi32>, vector<16xi32>], vector<16xf32>,
        %get3A_462 = arith.constant 1808 : index
        %get3A_463 = tpu.vector_load %arg5[%get3A_462] {strides = array<i32>} : memref<1920xf32, #tpu.memory_space<vmem>>, vector<16xf32>,
        %sub3A_464 = arith.subf %gather3A_461, %get3A_463 : vector<16xf32>
        %mul3A_465 = arith.mulf %sub3A_464, %sub3A_464 : vector<16xf32>
        %add3A_466 = arith.constant 10 : i32
        %add3A_467 = vector.broadcast %add3A_466 : i32 to vector<16xi32>
        %add3A_468 = arith.addi %add3A_387, %add3A_467 : vector<16xi32>
        %gather3A_469 = tpu.vector_load_idx %arg13[%broadcast_in_dim3A_383, %add3A_468] : memref<16x1024xf32, #tpu.memory_space<vmem>>[vector<16xi32>, vector<16xi32>], vector<16xf32>,
        %get3A_470 = arith.constant 1824 : index
        %get3A_471 = tpu.vector_load %arg5[%get3A_470] {strides = array<i32>} : memref<1920xf32, #tpu.memory_space<vmem>>, vector<16xf32>,
        %sub3A_472 = arith.subf %gather3A_469, %get3A_471 : vector<16xf32>
        %mul3A_473 = arith.mulf %sub3A_472, %sub3A_472 : vector<16xf32>
        %add3A_474 = arith.constant 11 : i32
        %add3A_475 = vector.broadcast %add3A_474 : i32 to vector<16xi32>
        %add3A_476 = arith.addi %add3A_387, %add3A_475 : vector<16xi32>
        %gather3A_477 = tpu.vector_load_idx %arg13[%broadcast_in_dim3A_383, %add3A_476] : memref<16x1024xf32, #tpu.memory_space<vmem>>[vector<16xi32>, vector<16xi32>], vector<16xf32>,
        %get3A_478 = arith.constant 1840 : index
        %get3A_479 = tpu.vector_load %arg5[%get3A_478] {strides = array<i32>} : memref<1920xf32, #tpu.memory_space<vmem>>, vector<16xf32>,
        %sub3A_480 = arith.subf %gather3A_477, %get3A_479 : vector<16xf32>
        %mul3A_481 = arith.mulf %sub3A_480, %sub3A_480 : vector<16xf32>
        %add3A_482 = arith.constant 12 : i32
        %add3A_483 = vector.broadcast %add3A_482 : i32 to vector<16xi32>
        %add3A_484 = arith.addi %add3A_387, %add3A_483 : vector<16xi32>
        %gather3A_485 = tpu.vector_load_idx %arg13[%broadcast_in_dim3A_383, %add3A_484] : memref<16x1024xf32, #tpu.memory_space<vmem>>[vector<16xi32>, vector<16xi32>], vector<16xf32>,
        %get3A_486 = arith.constant 1856 : index
        %get3A_487 = tpu.vector_load %arg5[%get3A_486] {strides = array<i32>} : memref<1920xf32, #tpu.memory_space<vmem>>, vector<16xf32>,
        %sub3A_488 = arith.subf %gather3A_485, %get3A_487 : vector<16xf32>
        %mul3A_489 = arith.mulf %sub3A_488, %sub3A_488 : vector<16xf32>
        %add3A_490 = arith.constant 13 : i32
        %add3A_491 = vector.broadcast %add3A_490 : i32 to vector<16xi32>
        %add3A_492 = arith.addi %add3A_387, %add3A_491 : vector<16xi32>
        %gather3A_493 = tpu.vector_load_idx %arg13[%broadcast_in_dim3A_383, %add3A_492] : memref<16x1024xf32, #tpu.memory_space<vmem>>[vector<16xi32>, vector<16xi32>], vector<16xf32>,
        %get3A_494 = arith.constant 1872 : index
        %get3A_495 = tpu.vector_load %arg5[%get3A_494] {strides = array<i32>} : memref<1920xf32, #tpu.memory_space<vmem>>, vector<16xf32>,
        %sub3A_496 = arith.subf %gather3A_493, %get3A_495 : vector<16xf32>
        %mul3A_497 = arith.mulf %sub3A_496, %sub3A_496 : vector<16xf32>
        %add3A_498 = arith.constant 14 : i32
        %add3A_499 = vector.broadcast %add3A_498 : i32 to vector<16xi32>
        %add3A_500 = arith.addi %add3A_387, %add3A_499 : vector<16xi32>
        %gather3A_501 = tpu.vector_load_idx %arg13[%broadcast_in_dim3A_383, %add3A_500] : memref<16x1024xf32, #tpu.memory_space<vmem>>[vector<16xi32>, vector<16xi32>], vector<16xf32>,
        %get3A_502 = arith.constant 1888 : index
        %get3A_503 = tpu.vector_load %arg5[%get3A_502] {strides = array<i32>} : memref<1920xf32, #tpu.memory_space<vmem>>, vector<16xf32>,
        %sub3A_504 = arith.subf %gather3A_501, %get3A_503 : vector<16xf32>
        %mul3A_505 = arith.mulf %sub3A_504, %sub3A_504 : vector<16xf32>
        %add3A_506 = arith.constant 15 : i32
        %add3A_507 = vector.broadcast %add3A_506 : i32 to vector<16xi32>
        %add3A_508 = arith.addi %add3A_387, %add3A_507 : vector<16xi32>
        %gather3A_509 = tpu.vector_load_idx %arg13[%broadcast_in_dim3A_383, %add3A_508] : memref<16x1024xf32, #tpu.memory_space<vmem>>[vector<16xi32>, vector<16xi32>], vector<16xf32>,
        %get3A_510 = arith.constant 1904 : index
        %get3A_511 = tpu.vector_load %arg5[%get3A_510] {strides = array<i32>} : memref<1920xf32, #tpu.memory_space<vmem>>, vector<16xf32>,
        %sub3A_512 = arith.subf %gather3A_509, %get3A_511 : vector<16xf32>
        %mul3A_513 = arith.mulf %sub3A_512, %sub3A_512 : vector<16xf32>
        %add3A_514 = arith.addf %mul3A_393, %mul3A_457 : vector<16xf32>
        %add3A_515 = arith.addf %mul3A_401, %mul3A_465 : vector<16xf32>
        %add3A_516 = arith.addf %mul3A_409, %mul3A_473 : vector<16xf32>
        %add3A_517 = arith.addf %mul3A_417, %mul3A_481 : vector<16xf32>
        %add3A_518 = arith.addf %mul3A_425, %mul3A_489 : vector<16xf32>
        %add3A_519 = arith.addf %mul3A_433, %mul3A_497 : vector<16xf32>
        %add3A_520 = arith.addf %mul3A_441, %mul3A_505 : vector<16xf32>
        %add3A_521 = arith.addf %mul3A_449, %mul3A_513 : vector<16xf32>
        %add3A_522 = arith.addf %add3A_514, %add3A_518 : vector<16xf32>
        %add3A_523 = arith.addf %add3A_515, %add3A_519 : vector<16xf32>
        %add3A_524 = arith.addf %add3A_516, %add3A_520 : vector<16xf32>
        %add3A_525 = arith.addf %add3A_517, %add3A_521 : vector<16xf32>
        %add3A_526 = arith.addf %add3A_522, %add3A_524 : vector<16xf32>
        %add3A_527 = arith.addf %add3A_523, %add3A_525 : vector<16xf32>
        %add3A_528 = arith.addf %add3A_526, %add3A_527 : vector<16xf32>
        %reduce_min3A = arith.constant true
        %reduce_min3A_529 = vector.broadcast %reduce_min3A : i1 to vector<16xi1>
        %reduce_min3A_530 = tpu.scan <min>, %add3A_528 masked %reduce_min3A_529 : vector<16xf32>, vector<16xi1> -> vector<16xf32>
        %reduce_min3A_531 = vector.extract %reduce_min3A_530[15] : f32 from vector<16xf32>
        %lt3A_532 = arith.cmpf olt, %reduce_min3A_531, %scan3A_350 : f32
        %convert_element_type3A = arith.extui %lt3A_532 : i1 to i32
        %cond3A = arith.constant 0 : i32
        %cond3A_533 = arith.cmpi ne, %convert_element_type3A, %cond3A : i32
        %cond3A_534:3 = scf.if %cond3A_533 -> (vector<16xf32>, vector<16xi32>, f32) {
          %gather3A_535 = tpu.vector_load_idx %arg9[%broadcast_in_dim3A_383] : memref<16xi32, #tpu.memory_space<vmem>>[vector<16xi32>], vector<16xi32>,
          %mul3A_536 = arith.constant 64 : i32
          %mul3A_537 = vector.broadcast %mul3A_536 : i32 to vector<16xi32>
          %mul3A_538 = arith.muli %gather3A_535, %mul3A_537 : vector<16xi32>
          %mul3A_539 = arith.constant 16 : i32
          %mul3A_540 = arith.muli %select_n3A_382, %mul3A_539 : i32
          %add3A_541 = vector.broadcast %mul3A_540 : i32 to vector<16xi32>
          %add3A_542 = arith.addi %mul3A_538, %add3A_541 : vector<16xi32>
          %add3A_543 = arith.addi %add3A_542, %iota3A : vector<16xi32>
          %masked_sort3A = arith.constant dense<true> : vector<16xi1>
          %masked_sort3A_544, %masked_sort3A_545, %masked_sort3A_546 = tpu.sort %add3A_528, %add3A_543 masked %masked_sort3A : (vector<16xf32>, vector<16xi32>, vector<16xi1>) -> (vector<16xi1>, vector<16xf32>, vector<16xi32>)
          %rev3A = arith.constant 15 : i32
          %rev3A_547 = vector.broadcast %rev3A : i32 to vector<16xi32>
          %rev3A_548 = tpu.iota {dimensions = array<i32: 0>} : vector<16xi32>
          %rev3A_549 = arith.subi %rev3A_547, %rev3A_548 : vector<16xi32>
          %rev3A_550 = tpu.dynamic_gather %masked_sort3A_545[%rev3A_549] in [0] : vector<16xf32>, vector<16xi32> -> vector<16xf32>
          %rev3A_551 = arith.constant 15 : i32
          %rev3A_552 = vector.broadcast %rev3A_551 : i32 to vector<16xi32>
          %rev3A_553 = tpu.iota {dimensions = array<i32: 0>} : vector<16xi32>
          %rev3A_554 = arith.subi %rev3A_552, %rev3A_553 : vector<16xi32>
          %rev3A_555 = tpu.dynamic_gather %masked_sort3A_546[%rev3A_554] in [0] : vector<16xi32>, vector<16xi32> -> vector<16xi32>
          %le3A = arith.cmpf ole, %scan3A_348, %rev3A_550 : vector<16xf32>
          %select_n3A_556 = arith.select %le3A, %scan3A_348, %rev3A_550 : vector<16xi1>, vector<16xf32>
          %select_n3A_557 = arith.select %le3A, %scan3A_349, %rev3A_555 : vector<16xi1>, vector<16xi32>
          %masked_sort3A_558 = arith.constant dense<true> : vector<16xi1>
          %masked_sort3A_559, %masked_sort3A_560, %masked_sort3A_561 = tpu.sort %select_n3A_556, %select_n3A_557 masked %masked_sort3A_558 : (vector<16xf32>, vector<16xi32>, vector<16xi1>) -> (vector<16xi1>, vector<16xf32>, vector<16xi32>)
          %reduce_max3A = arith.constant true
          %reduce_max3A_562 = vector.broadcast %reduce_max3A : i1 to vector<16xi1>
          %reduce_max3A_563 = tpu.scan <max>, %masked_sort3A_560 masked %reduce_max3A_562 : vector<16xf32>, vector<16xi1> -> vector<16xf32>
          %reduce_max3A_564 = vector.extract %reduce_max3A_563[15] : f32 from vector<16xf32>
          scf.yield %masked_sort3A_560, %masked_sort3A_561, %reduce_max3A_564 : vector<16xf32>, vector<16xi32>, f32
        } else {
          scf.yield %scan3A_348, %scan3A_349, %scan3A_350 : vector<16xf32>, vector<16xi32>, f32
        }
        scf.yield %cond3A_534#0, %cond3A_534#1, %cond3A_534#2 : vector<16xf32>, vector<16xi32>, f32
      }
      %scan3A_143 = arith.constant 64 : i32
      %bitcast3A = vector.bitcast %scan3A_142#0 : vector<16xf32> to vector<16xi32>
      %shift_right_arithmetic3A = arith.constant 1 : i32
      %shift_right_arithmetic3A_144 = vector.broadcast %shift_right_arithmetic3A : i32 to vector<16xi32>
      %shift_right_arithmetic3A_145 = arith.shrsi %bitcast3A, %shift_right_arithmetic3A_144 : vector<16xi32>
      %add3A_146 = arith.constant 532487670 : i32
      %add3A_147 = vector.broadcast %add3A_146 : i32 to vector<16xi32>
      %add3A_148 = arith.addi %shift_right_arithmetic3A_145, %add3A_147 : vector<16xi32>
      %bitcast3A_149 = vector.bitcast %add3A_148 : vector<16xi32> to vector<16xf32>
      %div3A = arith.divf %scan3A_142#0, %bitcast3A_149 : vector<16xf32>
      %add3A_150 = arith.addf %bitcast3A_149, %div3A : vector<16xf32>
      %mul3A_151 = arith.constant 5.000000e-01 : f32
      %mul3A_152 = vector.broadcast %mul3A_151 : f32 to vector<16xf32>
      %mul3A_153 = arith.mulf %mul3A_152, %add3A_150 : vector<16xf32>
      %div3A_154 = arith.divf %scan3A_142#0, %mul3A_153 : vector<16xf32>
      %add3A_155 = arith.addf %mul3A_153, %div3A_154 : vector<16xf32>
      %mul3A_156 = arith.constant 5.000000e-01 : f32
      %mul3A_157 = vector.broadcast %mul3A_156 : f32 to vector<16xf32>
      %mul3A_158 = arith.mulf %mul3A_157, %add3A_155 : vector<16xf32>
      %div3A_159 = arith.divf %scan3A_142#0, %mul3A_158 : vector<16xf32>
      %add3A_160 = arith.addf %mul3A_158, %div3A_159 : vector<16xf32>
      %mul3A_161 = arith.constant 5.000000e-01 : f32
      %mul3A_162 = vector.broadcast %mul3A_161 : f32 to vector<16xf32>
      %mul3A_163 = arith.mulf %mul3A_162, %add3A_160 : vector<16xf32>
      %bitcast3A_164 = vector.bitcast %mul3A_163 : vector<16xf32> to vector<16xi32>
      %swap3A_165 = arith.constant 0 : index
      %swap3A_166 = tpu.vector_load %arg17[%swap3A_165] {strides = array<i32>} : memref<128xi32, #tpu.memory_space<vmem>>, vector<16xi32>,
      tpu.vector_store %arg17[%swap3A_165], %bitcast3A_164 {strides = array<i32>} : memref<128xi32, #tpu.memory_space<vmem>>, vector<16xi32>,
      %swap3A_167 = arith.constant 16 : index
      %swap3A_168 = tpu.vector_load %arg17[%swap3A_167] {strides = array<i32>} : memref<128xi32, #tpu.memory_space<vmem>>, vector<16xi32>,
      tpu.vector_store %arg17[%swap3A_167], %scan3A_142#1 {strides = array<i32>} : memref<128xi32, #tpu.memory_space<vmem>>, vector<16xi32>,
      %mul3A_169 = arith.constant 4 : i32
      %mul3A_170 = arith.muli %mul3A_169, %scan3A_65 : i32
      %add3A_171 = arith.constant 0 : i32
      %add3A_172 = arith.addi %mul3A_170, %add3A_171 : i32
      %add3A_173 = arith.constant 4 : i32
      %add3A_174 = arith.addi %add3A_172, %add3A_173 : i32
      %mul3A_175 = arith.constant 32 : i32
      %mul3A_176 = arith.muli %add3A, %mul3A_175 : i32
      %rem3A_177 = arith.constant 32 : i32
      %rem3A_178 = arith.remsi %add3A_174, %rem3A_177 : i32
      %add3A_179 = arith.addi %mul3A_176, %rem3A_178 : i32
      %mul3A_180 = arith.constant 1920 : i32
      %mul3A_181 = arith.muli %add3A_179, %mul3A_180 : i32
      %dma_start3A_182 = tpu.memref_slice %arg2[%mul3A_181] : memref<1966080xf32, #tpu.memory_space<hbm>> -> memref<1920xf32, #tpu.memory_space<hbm>>
      %dma_start3A_183 = tpu.memref_slice %arg2[%mul3A_181] : memref<1966080xf32, #tpu.memory_space<hbm>> -> memref<1920xf32, #tpu.memory_space<hbm>>
      tpu.enqueue_dma source(%dma_start3A_183 : memref<1920xf32, #tpu.memory_space<hbm>>) target(%arg5 : memref<1920xf32, #tpu.memory_space<vmem>>) target_semaphore(%arg22 : memref<!tpu.dma_semaphore, #tpu.memory_space<semaphore_mem>>)
      %dma_wait3A_184 = arith.constant 0 : i32
      %dma_wait3A_185 = arith.constant 0 : i32
      %dma_wait3A_186 = tpu.memref_slice %arg3[%dma_wait3A_184, %dma_wait3A_185] : memref<1664x1024xf32, #tpu.memory_space<hbm>> -> memref<1664x1024xf32, #tpu.memory_space<hbm>>
      tpu.wait_indirect_dma semaphore(%arg19 : memref<!tpu.dma_semaphore, #tpu.memory_space<semaphore_mem>>) src(%dma_wait3A_186 : memref<1664x1024xf32, #tpu.memory_space<hbm>>) dst(%arg14 : memref<16x1024xf32, #tpu.memory_space<vmem>>)
      %scan3A_187 = arith.constant 3.000000e+38 : f32
      %scan3A_188 = arith.constant 0 : i32
      %scan3A_189 = arith.constant 64 : i32
      %scan3A_190 = arith.addi %scan3A_188, %scan3A_189 : i32
      %scan3A_191 = arith.constant 1 : i32
      %scan3A_192:3 = scf.for %scan3A_347 = %scan3A_188 to %scan3A_190 step %scan3A_191 iter_args(%scan3A_348 = %broadcast_in_dim3A_4, %scan3A_349 = %broadcast_in_dim3A_6, %scan3A_350 = %scan3A_187) -> (vector<16xf32>, vector<16xi32>, f32)  : i32 {
        %jit3A = arith.constant 4 : i32
        %div3A_351 = arith.divsi %scan3A_347, %jit3A : i32
        %sign3A = arith.constant 0 : i32
        %sign3A_352 = arith.cmpi sgt, %scan3A_347, %sign3A : i32
        %sign3A_353 = arith.extui %sign3A_352 : i1 to i32
        %sign3A_354 = arith.constant 0 : i32
        %sign3A_355 = arith.cmpi slt, %scan3A_347, %sign3A_354 : i32
        %sign3A_356 = arith.extui %sign3A_355 : i1 to i32
        %sign3A_357 = arith.subi %sign3A_353, %sign3A_356 : i32
        %sign3A_358 = arith.constant 0 : i32
        %sign3A_359 = arith.cmpi sgt, %jit3A, %sign3A_358 : i32
        %sign3A_360 = arith.extui %sign3A_359 : i1 to i32
        %sign3A_361 = arith.constant 0 : i32
        %sign3A_362 = arith.cmpi slt, %jit3A, %sign3A_361 : i32
        %sign3A_363 = arith.extui %sign3A_362 : i1 to i32
        %sign3A_364 = arith.subi %sign3A_360, %sign3A_363 : i32
        %ne3A = arith.cmpi ne, %sign3A_357, %sign3A_364 : i32
        %rem3A_365 = arith.remsi %scan3A_347, %jit3A : i32
        %ne3A_366 = arith.constant 0 : i32
        %ne3A_367 = arith.cmpi ne, %rem3A_365, %ne3A_366 : i32
        %and3A = arith.andi %ne3A, %ne3A_367 : i1
        %sub3A = arith.constant 1 : i32
        %sub3A_368 = arith.subi %div3A_351, %sub3A : i32
        %select_n3A = arith.select %and3A, %sub3A_368, %div3A_351 : i32
        %jit3A_369 = arith.constant 4 : i32
        %eq3A = arith.constant 0 : i32
        %eq3A_370 = arith.cmpi eq, %jit3A_369, %eq3A : i32
        %jit3A_371 = arith.constant 1 : i32
        %select_n3A_372 = arith.select %eq3A_370, %jit3A_371, %jit3A_369 : i32
        %rem3A_373 = arith.remsi %scan3A_347, %select_n3A_372 : i32
        %ne3A_374 = arith.constant 0 : i32
        %ne3A_375 = arith.cmpi ne, %rem3A_373, %ne3A_374 : i32
        %lt3A = arith.constant 0 : i32
        %lt3A_376 = arith.cmpi slt, %rem3A_373, %lt3A : i32
        %lt3A_377 = arith.constant 0 : i32
        %lt3A_378 = arith.cmpi slt, %select_n3A_372, %lt3A_377 : i32
        %ne3A_379 = arith.xori %lt3A_376, %lt3A_378 : i1
        %and3A_380 = arith.andi %ne3A_379, %ne3A_375 : i1
        %add3A_381 = arith.addi %rem3A_373, %select_n3A_372 : i32
        %select_n3A_382 = arith.select %and3A_380, %add3A_381, %rem3A_373 : i32
        %broadcast_in_dim3A_383 = vector.broadcast %select_n3A : i32 to vector<16xi32>
        %mul3A_384 = arith.constant 256 : i32
        %mul3A_385 = arith.muli %select_n3A_382, %mul3A_384 : i32
        %add3A_386 = vector.broadcast %mul3A_385 : i32 to vector<16xi32>
        %add3A_387 = arith.addi %mul3A_3, %add3A_386 : vector<16xi32>
        %add3A_388 = arith.constant 0 : i32
        %add3A_389 = vector.broadcast %add3A_388 : i32 to vector<16xi32>
        %add3A_390 = arith.addi %add3A_387, %add3A_389 : vector<16xi32>
        %gather3A = tpu.vector_load_idx %arg14[%broadcast_in_dim3A_383, %add3A_390] : memref<16x1024xf32, #tpu.memory_space<vmem>>[vector<16xi32>, vector<16xi32>], vector<16xf32>,
        %get3A = arith.constant 1664 : index
        %get3A_391 = tpu.vector_load %arg6[%get3A] {strides = array<i32>} : memref<1920xf32, #tpu.memory_space<vmem>>, vector<16xf32>,
        %sub3A_392 = arith.subf %gather3A, %get3A_391 : vector<16xf32>
        %mul3A_393 = arith.mulf %sub3A_392, %sub3A_392 : vector<16xf32>
        %add3A_394 = arith.constant 1 : i32
        %add3A_395 = vector.broadcast %add3A_394 : i32 to vector<16xi32>
        %add3A_396 = arith.addi %add3A_387, %add3A_395 : vector<16xi32>
        %gather3A_397 = tpu.vector_load_idx %arg14[%broadcast_in_dim3A_383, %add3A_396] : memref<16x1024xf32, #tpu.memory_space<vmem>>[vector<16xi32>, vector<16xi32>], vector<16xf32>,
        %get3A_398 = arith.constant 1680 : index
        %get3A_399 = tpu.vector_load %arg6[%get3A_398] {strides = array<i32>} : memref<1920xf32, #tpu.memory_space<vmem>>, vector<16xf32>,
        %sub3A_400 = arith.subf %gather3A_397, %get3A_399 : vector<16xf32>
        %mul3A_401 = arith.mulf %sub3A_400, %sub3A_400 : vector<16xf32>
        %add3A_402 = arith.constant 2 : i32
        %add3A_403 = vector.broadcast %add3A_402 : i32 to vector<16xi32>
        %add3A_404 = arith.addi %add3A_387, %add3A_403 : vector<16xi32>
        %gather3A_405 = tpu.vector_load_idx %arg14[%broadcast_in_dim3A_383, %add3A_404] : memref<16x1024xf32, #tpu.memory_space<vmem>>[vector<16xi32>, vector<16xi32>], vector<16xf32>,
        %get3A_406 = arith.constant 1696 : index
        %get3A_407 = tpu.vector_load %arg6[%get3A_406] {strides = array<i32>} : memref<1920xf32, #tpu.memory_space<vmem>>, vector<16xf32>,
        %sub3A_408 = arith.subf %gather3A_405, %get3A_407 : vector<16xf32>
        %mul3A_409 = arith.mulf %sub3A_408, %sub3A_408 : vector<16xf32>
        %add3A_410 = arith.constant 3 : i32
        %add3A_411 = vector.broadcast %add3A_410 : i32 to vector<16xi32>
        %add3A_412 = arith.addi %add3A_387, %add3A_411 : vector<16xi32>
        %gather3A_413 = tpu.vector_load_idx %arg14[%broadcast_in_dim3A_383, %add3A_412] : memref<16x1024xf32, #tpu.memory_space<vmem>>[vector<16xi32>, vector<16xi32>], vector<16xf32>,
        %get3A_414 = arith.constant 1712 : index
        %get3A_415 = tpu.vector_load %arg6[%get3A_414] {strides = array<i32>} : memref<1920xf32, #tpu.memory_space<vmem>>, vector<16xf32>,
        %sub3A_416 = arith.subf %gather3A_413, %get3A_415 : vector<16xf32>
        %mul3A_417 = arith.mulf %sub3A_416, %sub3A_416 : vector<16xf32>
        %add3A_418 = arith.constant 4 : i32
        %add3A_419 = vector.broadcast %add3A_418 : i32 to vector<16xi32>
        %add3A_420 = arith.addi %add3A_387, %add3A_419 : vector<16xi32>
        %gather3A_421 = tpu.vector_load_idx %arg14[%broadcast_in_dim3A_383, %add3A_420] : memref<16x1024xf32, #tpu.memory_space<vmem>>[vector<16xi32>, vector<16xi32>], vector<16xf32>,
        %get3A_422 = arith.constant 1728 : index
        %get3A_423 = tpu.vector_load %arg6[%get3A_422] {strides = array<i32>} : memref<1920xf32, #tpu.memory_space<vmem>>, vector<16xf32>,
        %sub3A_424 = arith.subf %gather3A_421, %get3A_423 : vector<16xf32>
        %mul3A_425 = arith.mulf %sub3A_424, %sub3A_424 : vector<16xf32>
        %add3A_426 = arith.constant 5 : i32
        %add3A_427 = vector.broadcast %add3A_426 : i32 to vector<16xi32>
        %add3A_428 = arith.addi %add3A_387, %add3A_427 : vector<16xi32>
        %gather3A_429 = tpu.vector_load_idx %arg14[%broadcast_in_dim3A_383, %add3A_428] : memref<16x1024xf32, #tpu.memory_space<vmem>>[vector<16xi32>, vector<16xi32>], vector<16xf32>,
        %get3A_430 = arith.constant 1744 : index
        %get3A_431 = tpu.vector_load %arg6[%get3A_430] {strides = array<i32>} : memref<1920xf32, #tpu.memory_space<vmem>>, vector<16xf32>,
        %sub3A_432 = arith.subf %gather3A_429, %get3A_431 : vector<16xf32>
        %mul3A_433 = arith.mulf %sub3A_432, %sub3A_432 : vector<16xf32>
        %add3A_434 = arith.constant 6 : i32
        %add3A_435 = vector.broadcast %add3A_434 : i32 to vector<16xi32>
        %add3A_436 = arith.addi %add3A_387, %add3A_435 : vector<16xi32>
        %gather3A_437 = tpu.vector_load_idx %arg14[%broadcast_in_dim3A_383, %add3A_436] : memref<16x1024xf32, #tpu.memory_space<vmem>>[vector<16xi32>, vector<16xi32>], vector<16xf32>,
        %get3A_438 = arith.constant 1760 : index
        %get3A_439 = tpu.vector_load %arg6[%get3A_438] {strides = array<i32>} : memref<1920xf32, #tpu.memory_space<vmem>>, vector<16xf32>,
        %sub3A_440 = arith.subf %gather3A_437, %get3A_439 : vector<16xf32>
        %mul3A_441 = arith.mulf %sub3A_440, %sub3A_440 : vector<16xf32>
        %add3A_442 = arith.constant 7 : i32
        %add3A_443 = vector.broadcast %add3A_442 : i32 to vector<16xi32>
        %add3A_444 = arith.addi %add3A_387, %add3A_443 : vector<16xi32>
        %gather3A_445 = tpu.vector_load_idx %arg14[%broadcast_in_dim3A_383, %add3A_444] : memref<16x1024xf32, #tpu.memory_space<vmem>>[vector<16xi32>, vector<16xi32>], vector<16xf32>,
        %get3A_446 = arith.constant 1776 : index
        %get3A_447 = tpu.vector_load %arg6[%get3A_446] {strides = array<i32>} : memref<1920xf32, #tpu.memory_space<vmem>>, vector<16xf32>,
        %sub3A_448 = arith.subf %gather3A_445, %get3A_447 : vector<16xf32>
        %mul3A_449 = arith.mulf %sub3A_448, %sub3A_448 : vector<16xf32>
        %add3A_450 = arith.constant 8 : i32
        %add3A_451 = vector.broadcast %add3A_450 : i32 to vector<16xi32>
        %add3A_452 = arith.addi %add3A_387, %add3A_451 : vector<16xi32>
        %gather3A_453 = tpu.vector_load_idx %arg14[%broadcast_in_dim3A_383, %add3A_452] : memref<16x1024xf32, #tpu.memory_space<vmem>>[vector<16xi32>, vector<16xi32>], vector<16xf32>,
        %get3A_454 = arith.constant 1792 : index
        %get3A_455 = tpu.vector_load %arg6[%get3A_454] {strides = array<i32>} : memref<1920xf32, #tpu.memory_space<vmem>>, vector<16xf32>,
        %sub3A_456 = arith.subf %gather3A_453, %get3A_455 : vector<16xf32>
        %mul3A_457 = arith.mulf %sub3A_456, %sub3A_456 : vector<16xf32>
        %add3A_458 = arith.constant 9 : i32
        %add3A_459 = vector.broadcast %add3A_458 : i32 to vector<16xi32>
        %add3A_460 = arith.addi %add3A_387, %add3A_459 : vector<16xi32>
        %gather3A_461 = tpu.vector_load_idx %arg14[%broadcast_in_dim3A_383, %add3A_460] : memref<16x1024xf32, #tpu.memory_space<vmem>>[vector<16xi32>, vector<16xi32>], vector<16xf32>,
        %get3A_462 = arith.constant 1808 : index
        %get3A_463 = tpu.vector_load %arg6[%get3A_462] {strides = array<i32>} : memref<1920xf32, #tpu.memory_space<vmem>>, vector<16xf32>,
        %sub3A_464 = arith.subf %gather3A_461, %get3A_463 : vector<16xf32>
        %mul3A_465 = arith.mulf %sub3A_464, %sub3A_464 : vector<16xf32>
        %add3A_466 = arith.constant 10 : i32
        %add3A_467 = vector.broadcast %add3A_466 : i32 to vector<16xi32>
        %add3A_468 = arith.addi %add3A_387, %add3A_467 : vector<16xi32>
        %gather3A_469 = tpu.vector_load_idx %arg14[%broadcast_in_dim3A_383, %add3A_468] : memref<16x1024xf32, #tpu.memory_space<vmem>>[vector<16xi32>, vector<16xi32>], vector<16xf32>,
        %get3A_470 = arith.constant 1824 : index
        %get3A_471 = tpu.vector_load %arg6[%get3A_470] {strides = array<i32>} : memref<1920xf32, #tpu.memory_space<vmem>>, vector<16xf32>,
        %sub3A_472 = arith.subf %gather3A_469, %get3A_471 : vector<16xf32>
        %mul3A_473 = arith.mulf %sub3A_472, %sub3A_472 : vector<16xf32>
        %add3A_474 = arith.constant 11 : i32
        %add3A_475 = vector.broadcast %add3A_474 : i32 to vector<16xi32>
        %add3A_476 = arith.addi %add3A_387, %add3A_475 : vector<16xi32>
        %gather3A_477 = tpu.vector_load_idx %arg14[%broadcast_in_dim3A_383, %add3A_476] : memref<16x1024xf32, #tpu.memory_space<vmem>>[vector<16xi32>, vector<16xi32>], vector<16xf32>,
        %get3A_478 = arith.constant 1840 : index
        %get3A_479 = tpu.vector_load %arg6[%get3A_478] {strides = array<i32>} : memref<1920xf32, #tpu.memory_space<vmem>>, vector<16xf32>,
        %sub3A_480 = arith.subf %gather3A_477, %get3A_479 : vector<16xf32>
        %mul3A_481 = arith.mulf %sub3A_480, %sub3A_480 : vector<16xf32>
        %add3A_482 = arith.constant 12 : i32
        %add3A_483 = vector.broadcast %add3A_482 : i32 to vector<16xi32>
        %add3A_484 = arith.addi %add3A_387, %add3A_483 : vector<16xi32>
        %gather3A_485 = tpu.vector_load_idx %arg14[%broadcast_in_dim3A_383, %add3A_484] : memref<16x1024xf32, #tpu.memory_space<vmem>>[vector<16xi32>, vector<16xi32>], vector<16xf32>,
        %get3A_486 = arith.constant 1856 : index
        %get3A_487 = tpu.vector_load %arg6[%get3A_486] {strides = array<i32>} : memref<1920xf32, #tpu.memory_space<vmem>>, vector<16xf32>,
        %sub3A_488 = arith.subf %gather3A_485, %get3A_487 : vector<16xf32>
        %mul3A_489 = arith.mulf %sub3A_488, %sub3A_488 : vector<16xf32>
        %add3A_490 = arith.constant 13 : i32
        %add3A_491 = vector.broadcast %add3A_490 : i32 to vector<16xi32>
        %add3A_492 = arith.addi %add3A_387, %add3A_491 : vector<16xi32>
        %gather3A_493 = tpu.vector_load_idx %arg14[%broadcast_in_dim3A_383, %add3A_492] : memref<16x1024xf32, #tpu.memory_space<vmem>>[vector<16xi32>, vector<16xi32>], vector<16xf32>,
        %get3A_494 = arith.constant 1872 : index
        %get3A_495 = tpu.vector_load %arg6[%get3A_494] {strides = array<i32>} : memref<1920xf32, #tpu.memory_space<vmem>>, vector<16xf32>,
        %sub3A_496 = arith.subf %gather3A_493, %get3A_495 : vector<16xf32>
        %mul3A_497 = arith.mulf %sub3A_496, %sub3A_496 : vector<16xf32>
        %add3A_498 = arith.constant 14 : i32
        %add3A_499 = vector.broadcast %add3A_498 : i32 to vector<16xi32>
        %add3A_500 = arith.addi %add3A_387, %add3A_499 : vector<16xi32>
        %gather3A_501 = tpu.vector_load_idx %arg14[%broadcast_in_dim3A_383, %add3A_500] : memref<16x1024xf32, #tpu.memory_space<vmem>>[vector<16xi32>, vector<16xi32>], vector<16xf32>,
        %get3A_502 = arith.constant 1888 : index
        %get3A_503 = tpu.vector_load %arg6[%get3A_502] {strides = array<i32>} : memref<1920xf32, #tpu.memory_space<vmem>>, vector<16xf32>,
        %sub3A_504 = arith.subf %gather3A_501, %get3A_503 : vector<16xf32>
        %mul3A_505 = arith.mulf %sub3A_504, %sub3A_504 : vector<16xf32>
        %add3A_506 = arith.constant 15 : i32
        %add3A_507 = vector.broadcast %add3A_506 : i32 to vector<16xi32>
        %add3A_508 = arith.addi %add3A_387, %add3A_507 : vector<16xi32>
        %gather3A_509 = tpu.vector_load_idx %arg14[%broadcast_in_dim3A_383, %add3A_508] : memref<16x1024xf32, #tpu.memory_space<vmem>>[vector<16xi32>, vector<16xi32>], vector<16xf32>,
        %get3A_510 = arith.constant 1904 : index
        %get3A_511 = tpu.vector_load %arg6[%get3A_510] {strides = array<i32>} : memref<1920xf32, #tpu.memory_space<vmem>>, vector<16xf32>,
        %sub3A_512 = arith.subf %gather3A_509, %get3A_511 : vector<16xf32>
        %mul3A_513 = arith.mulf %sub3A_512, %sub3A_512 : vector<16xf32>
        %add3A_514 = arith.addf %mul3A_393, %mul3A_457 : vector<16xf32>
        %add3A_515 = arith.addf %mul3A_401, %mul3A_465 : vector<16xf32>
        %add3A_516 = arith.addf %mul3A_409, %mul3A_473 : vector<16xf32>
        %add3A_517 = arith.addf %mul3A_417, %mul3A_481 : vector<16xf32>
        %add3A_518 = arith.addf %mul3A_425, %mul3A_489 : vector<16xf32>
        %add3A_519 = arith.addf %mul3A_433, %mul3A_497 : vector<16xf32>
        %add3A_520 = arith.addf %mul3A_441, %mul3A_505 : vector<16xf32>
        %add3A_521 = arith.addf %mul3A_449, %mul3A_513 : vector<16xf32>
        %add3A_522 = arith.addf %add3A_514, %add3A_518 : vector<16xf32>
        %add3A_523 = arith.addf %add3A_515, %add3A_519 : vector<16xf32>
        %add3A_524 = arith.addf %add3A_516, %add3A_520 : vector<16xf32>
        %add3A_525 = arith.addf %add3A_517, %add3A_521 : vector<16xf32>
        %add3A_526 = arith.addf %add3A_522, %add3A_524 : vector<16xf32>
        %add3A_527 = arith.addf %add3A_523, %add3A_525 : vector<16xf32>
        %add3A_528 = arith.addf %add3A_526, %add3A_527 : vector<16xf32>
        %reduce_min3A = arith.constant true
        %reduce_min3A_529 = vector.broadcast %reduce_min3A : i1 to vector<16xi1>
        %reduce_min3A_530 = tpu.scan <min>, %add3A_528 masked %reduce_min3A_529 : vector<16xf32>, vector<16xi1> -> vector<16xf32>
        %reduce_min3A_531 = vector.extract %reduce_min3A_530[15] : f32 from vector<16xf32>
        %lt3A_532 = arith.cmpf olt, %reduce_min3A_531, %scan3A_350 : f32
        %convert_element_type3A = arith.extui %lt3A_532 : i1 to i32
        %cond3A = arith.constant 0 : i32
        %cond3A_533 = arith.cmpi ne, %convert_element_type3A, %cond3A : i32
        %cond3A_534:3 = scf.if %cond3A_533 -> (vector<16xf32>, vector<16xi32>, f32) {
          %gather3A_535 = tpu.vector_load_idx %arg10[%broadcast_in_dim3A_383] : memref<16xi32, #tpu.memory_space<vmem>>[vector<16xi32>], vector<16xi32>,
          %mul3A_536 = arith.constant 64 : i32
          %mul3A_537 = vector.broadcast %mul3A_536 : i32 to vector<16xi32>
          %mul3A_538 = arith.muli %gather3A_535, %mul3A_537 : vector<16xi32>
          %mul3A_539 = arith.constant 16 : i32
          %mul3A_540 = arith.muli %select_n3A_382, %mul3A_539 : i32
          %add3A_541 = vector.broadcast %mul3A_540 : i32 to vector<16xi32>
          %add3A_542 = arith.addi %mul3A_538, %add3A_541 : vector<16xi32>
          %add3A_543 = arith.addi %add3A_542, %iota3A : vector<16xi32>
          %masked_sort3A = arith.constant dense<true> : vector<16xi1>
          %masked_sort3A_544, %masked_sort3A_545, %masked_sort3A_546 = tpu.sort %add3A_528, %add3A_543 masked %masked_sort3A : (vector<16xf32>, vector<16xi32>, vector<16xi1>) -> (vector<16xi1>, vector<16xf32>, vector<16xi32>)
          %rev3A = arith.constant 15 : i32
          %rev3A_547 = vector.broadcast %rev3A : i32 to vector<16xi32>
          %rev3A_548 = tpu.iota {dimensions = array<i32: 0>} : vector<16xi32>
          %rev3A_549 = arith.subi %rev3A_547, %rev3A_548 : vector<16xi32>
          %rev3A_550 = tpu.dynamic_gather %masked_sort3A_545[%rev3A_549] in [0] : vector<16xf32>, vector<16xi32> -> vector<16xf32>
          %rev3A_551 = arith.constant 15 : i32
          %rev3A_552 = vector.broadcast %rev3A_551 : i32 to vector<16xi32>
          %rev3A_553 = tpu.iota {dimensions = array<i32: 0>} : vector<16xi32>
          %rev3A_554 = arith.subi %rev3A_552, %rev3A_553 : vector<16xi32>
          %rev3A_555 = tpu.dynamic_gather %masked_sort3A_546[%rev3A_554] in [0] : vector<16xi32>, vector<16xi32> -> vector<16xi32>
          %le3A = arith.cmpf ole, %scan3A_348, %rev3A_550 : vector<16xf32>
          %select_n3A_556 = arith.select %le3A, %scan3A_348, %rev3A_550 : vector<16xi1>, vector<16xf32>
          %select_n3A_557 = arith.select %le3A, %scan3A_349, %rev3A_555 : vector<16xi1>, vector<16xi32>
          %masked_sort3A_558 = arith.constant dense<true> : vector<16xi1>
          %masked_sort3A_559, %masked_sort3A_560, %masked_sort3A_561 = tpu.sort %select_n3A_556, %select_n3A_557 masked %masked_sort3A_558 : (vector<16xf32>, vector<16xi32>, vector<16xi1>) -> (vector<16xi1>, vector<16xf32>, vector<16xi32>)
          %reduce_max3A = arith.constant true
          %reduce_max3A_562 = vector.broadcast %reduce_max3A : i1 to vector<16xi1>
          %reduce_max3A_563 = tpu.scan <max>, %masked_sort3A_560 masked %reduce_max3A_562 : vector<16xf32>, vector<16xi1> -> vector<16xf32>
          %reduce_max3A_564 = vector.extract %reduce_max3A_563[15] : f32 from vector<16xf32>
          scf.yield %masked_sort3A_560, %masked_sort3A_561, %reduce_max3A_564 : vector<16xf32>, vector<16xi32>, f32
        } else {
          scf.yield %scan3A_348, %scan3A_349, %scan3A_350 : vector<16xf32>, vector<16xi32>, f32
        }
        scf.yield %cond3A_534#0, %cond3A_534#1, %cond3A_534#2 : vector<16xf32>, vector<16xi32>, f32
      }
      %scan3A_193 = arith.constant 64 : i32
      %bitcast3A_194 = vector.bitcast %scan3A_192#0 : vector<16xf32> to vector<16xi32>
      %shift_right_arithmetic3A_195 = arith.constant 1 : i32
      %shift_right_arithmetic3A_196 = vector.broadcast %shift_right_arithmetic3A_195 : i32 to vector<16xi32>
      %shift_right_arithmetic3A_197 = arith.shrsi %bitcast3A_194, %shift_right_arithmetic3A_196 : vector<16xi32>
      %add3A_198 = arith.constant 532487670 : i32
      %add3A_199 = vector.broadcast %add3A_198 : i32 to vector<16xi32>
      %add3A_200 = arith.addi %shift_right_arithmetic3A_197, %add3A_199 : vector<16xi32>
      %bitcast3A_201 = vector.bitcast %add3A_200 : vector<16xi32> to vector<16xf32>
      %div3A_202 = arith.divf %scan3A_192#0, %bitcast3A_201 : vector<16xf32>
      %add3A_203 = arith.addf %bitcast3A_201, %div3A_202 : vector<16xf32>
      %mul3A_204 = arith.constant 5.000000e-01 : f32
      %mul3A_205 = vector.broadcast %mul3A_204 : f32 to vector<16xf32>
      %mul3A_206 = arith.mulf %mul3A_205, %add3A_203 : vector<16xf32>
      %div3A_207 = arith.divf %scan3A_192#0, %mul3A_206 : vector<16xf32>
      %add3A_208 = arith.addf %mul3A_206, %div3A_207 : vector<16xf32>
      %mul3A_209 = arith.constant 5.000000e-01 : f32
      %mul3A_210 = vector.broadcast %mul3A_209 : f32 to vector<16xf32>
      %mul3A_211 = arith.mulf %mul3A_210, %add3A_208 : vector<16xf32>
      %div3A_212 = arith.divf %scan3A_192#0, %mul3A_211 : vector<16xf32>
      %add3A_213 = arith.addf %mul3A_211, %div3A_212 : vector<16xf32>
      %mul3A_214 = arith.constant 5.000000e-01 : f32
      %mul3A_215 = vector.broadcast %mul3A_214 : f32 to vector<16xf32>
      %mul3A_216 = arith.mulf %mul3A_215, %add3A_213 : vector<16xf32>
      %bitcast3A_217 = vector.bitcast %mul3A_216 : vector<16xf32> to vector<16xi32>
      %swap3A_218 = arith.constant 32 : index
      %swap3A_219 = tpu.vector_load %arg17[%swap3A_218] {strides = array<i32>} : memref<128xi32, #tpu.memory_space<vmem>>, vector<16xi32>,
      tpu.vector_store %arg17[%swap3A_218], %bitcast3A_217 {strides = array<i32>} : memref<128xi32, #tpu.memory_space<vmem>>, vector<16xi32>,
      %swap3A_220 = arith.constant 48 : index
      %swap3A_221 = tpu.vector_load %arg17[%swap3A_220] {strides = array<i32>} : memref<128xi32, #tpu.memory_space<vmem>>, vector<16xi32>,
      tpu.vector_store %arg17[%swap3A_220], %scan3A_192#1 {strides = array<i32>} : memref<128xi32, #tpu.memory_space<vmem>>, vector<16xi32>,
      %mul3A_222 = arith.constant 4 : i32
      %mul3A_223 = arith.muli %mul3A_222, %scan3A_65 : i32
      %add3A_224 = arith.constant 1 : i32
      %add3A_225 = arith.addi %mul3A_223, %add3A_224 : i32
      %add3A_226 = arith.constant 4 : i32
      %add3A_227 = arith.addi %add3A_225, %add3A_226 : i32
      %mul3A_228 = arith.constant 32 : i32
      %mul3A_229 = arith.muli %add3A, %mul3A_228 : i32
      %rem3A_230 = arith.constant 32 : i32
      %rem3A_231 = arith.remsi %add3A_227, %rem3A_230 : i32
      %add3A_232 = arith.addi %mul3A_229, %rem3A_231 : i32
      %mul3A_233 = arith.constant 1920 : i32
      %mul3A_234 = arith.muli %add3A_232, %mul3A_233 : i32
      %dma_start3A_235 = tpu.memref_slice %arg2[%mul3A_234] : memref<1966080xf32, #tpu.memory_space<hbm>> -> memref<1920xf32, #tpu.memory_space<hbm>>
      %dma_start3A_236 = tpu.memref_slice %arg2[%mul3A_234] : memref<1966080xf32, #tpu.memory_space<hbm>> -> memref<1920xf32, #tpu.memory_space<hbm>>
      tpu.enqueue_dma source(%dma_start3A_236 : memref<1920xf32, #tpu.memory_space<hbm>>) target(%arg6 : memref<1920xf32, #tpu.memory_space<vmem>>) target_semaphore(%arg23 : memref<!tpu.dma_semaphore, #tpu.memory_space<semaphore_mem>>)
      %dma_wait3A_237 = arith.constant 0 : i32
      %dma_wait3A_238 = arith.constant 0 : i32
      %dma_wait3A_239 = tpu.memref_slice %arg3[%dma_wait3A_237, %dma_wait3A_238] : memref<1664x1024xf32, #tpu.memory_space<hbm>> -> memref<1664x1024xf32, #tpu.memory_space<hbm>>
      tpu.wait_indirect_dma semaphore(%arg20 : memref<!tpu.dma_semaphore, #tpu.memory_space<semaphore_mem>>) src(%dma_wait3A_239 : memref<1664x1024xf32, #tpu.memory_space<hbm>>) dst(%arg15 : memref<16x1024xf32, #tpu.memory_space<vmem>>)
      %scan3A_240 = arith.constant 3.000000e+38 : f32
      %scan3A_241 = arith.constant 0 : i32
      %scan3A_242 = arith.constant 64 : i32
      %scan3A_243 = arith.addi %scan3A_241, %scan3A_242 : i32
      %scan3A_244 = arith.constant 1 : i32
      %scan3A_245:3 = scf.for %scan3A_347 = %scan3A_241 to %scan3A_243 step %scan3A_244 iter_args(%scan3A_348 = %broadcast_in_dim3A_4, %scan3A_349 = %broadcast_in_dim3A_6, %scan3A_350 = %scan3A_240) -> (vector<16xf32>, vector<16xi32>, f32)  : i32 {
        %jit3A = arith.constant 4 : i32
        %div3A_351 = arith.divsi %scan3A_347, %jit3A : i32
        %sign3A = arith.constant 0 : i32
        %sign3A_352 = arith.cmpi sgt, %scan3A_347, %sign3A : i32
        %sign3A_353 = arith.extui %sign3A_352 : i1 to i32
        %sign3A_354 = arith.constant 0 : i32
        %sign3A_355 = arith.cmpi slt, %scan3A_347, %sign3A_354 : i32
        %sign3A_356 = arith.extui %sign3A_355 : i1 to i32
        %sign3A_357 = arith.subi %sign3A_353, %sign3A_356 : i32
        %sign3A_358 = arith.constant 0 : i32
        %sign3A_359 = arith.cmpi sgt, %jit3A, %sign3A_358 : i32
        %sign3A_360 = arith.extui %sign3A_359 : i1 to i32
        %sign3A_361 = arith.constant 0 : i32
        %sign3A_362 = arith.cmpi slt, %jit3A, %sign3A_361 : i32
        %sign3A_363 = arith.extui %sign3A_362 : i1 to i32
        %sign3A_364 = arith.subi %sign3A_360, %sign3A_363 : i32
        %ne3A = arith.cmpi ne, %sign3A_357, %sign3A_364 : i32
        %rem3A_365 = arith.remsi %scan3A_347, %jit3A : i32
        %ne3A_366 = arith.constant 0 : i32
        %ne3A_367 = arith.cmpi ne, %rem3A_365, %ne3A_366 : i32
        %and3A = arith.andi %ne3A, %ne3A_367 : i1
        %sub3A = arith.constant 1 : i32
        %sub3A_368 = arith.subi %div3A_351, %sub3A : i32
        %select_n3A = arith.select %and3A, %sub3A_368, %div3A_351 : i32
        %jit3A_369 = arith.constant 4 : i32
        %eq3A = arith.constant 0 : i32
        %eq3A_370 = arith.cmpi eq, %jit3A_369, %eq3A : i32
        %jit3A_371 = arith.constant 1 : i32
        %select_n3A_372 = arith.select %eq3A_370, %jit3A_371, %jit3A_369 : i32
        %rem3A_373 = arith.remsi %scan3A_347, %select_n3A_372 : i32
        %ne3A_374 = arith.constant 0 : i32
        %ne3A_375 = arith.cmpi ne, %rem3A_373, %ne3A_374 : i32
        %lt3A = arith.constant 0 : i32
        %lt3A_376 = arith.cmpi slt, %rem3A_373, %lt3A : i32
        %lt3A_377 = arith.constant 0 : i32
        %lt3A_378 = arith.cmpi slt, %select_n3A_372, %lt3A_377 : i32
        %ne3A_379 = arith.xori %lt3A_376, %lt3A_378 : i1
        %and3A_380 = arith.andi %ne3A_379, %ne3A_375 : i1
        %add3A_381 = arith.addi %rem3A_373, %select_n3A_372 : i32
        %select_n3A_382 = arith.select %and3A_380, %add3A_381, %rem3A_373 : i32
        %broadcast_in_dim3A_383 = vector.broadcast %select_n3A : i32 to vector<16xi32>
        %mul3A_384 = arith.constant 256 : i32
        %mul3A_385 = arith.muli %select_n3A_382, %mul3A_384 : i32
        %add3A_386 = vector.broadcast %mul3A_385 : i32 to vector<16xi32>
        %add3A_387 = arith.addi %mul3A_3, %add3A_386 : vector<16xi32>
        %add3A_388 = arith.constant 0 : i32
        %add3A_389 = vector.broadcast %add3A_388 : i32 to vector<16xi32>
        %add3A_390 = arith.addi %add3A_387, %add3A_389 : vector<16xi32>
        %gather3A = tpu.vector_load_idx %arg15[%broadcast_in_dim3A_383, %add3A_390] : memref<16x1024xf32, #tpu.memory_space<vmem>>[vector<16xi32>, vector<16xi32>], vector<16xf32>,
        %get3A = arith.constant 1664 : index
        %get3A_391 = tpu.vector_load %arg7[%get3A] {strides = array<i32>} : memref<1920xf32, #tpu.memory_space<vmem>>, vector<16xf32>,
        %sub3A_392 = arith.subf %gather3A, %get3A_391 : vector<16xf32>
        %mul3A_393 = arith.mulf %sub3A_392, %sub3A_392 : vector<16xf32>
        %add3A_394 = arith.constant 1 : i32
        %add3A_395 = vector.broadcast %add3A_394 : i32 to vector<16xi32>
        %add3A_396 = arith.addi %add3A_387, %add3A_395 : vector<16xi32>
        %gather3A_397 = tpu.vector_load_idx %arg15[%broadcast_in_dim3A_383, %add3A_396] : memref<16x1024xf32, #tpu.memory_space<vmem>>[vector<16xi32>, vector<16xi32>], vector<16xf32>,
        %get3A_398 = arith.constant 1680 : index
        %get3A_399 = tpu.vector_load %arg7[%get3A_398] {strides = array<i32>} : memref<1920xf32, #tpu.memory_space<vmem>>, vector<16xf32>,
        %sub3A_400 = arith.subf %gather3A_397, %get3A_399 : vector<16xf32>
        %mul3A_401 = arith.mulf %sub3A_400, %sub3A_400 : vector<16xf32>
        %add3A_402 = arith.constant 2 : i32
        %add3A_403 = vector.broadcast %add3A_402 : i32 to vector<16xi32>
        %add3A_404 = arith.addi %add3A_387, %add3A_403 : vector<16xi32>
        %gather3A_405 = tpu.vector_load_idx %arg15[%broadcast_in_dim3A_383, %add3A_404] : memref<16x1024xf32, #tpu.memory_space<vmem>>[vector<16xi32>, vector<16xi32>], vector<16xf32>,
        %get3A_406 = arith.constant 1696 : index
        %get3A_407 = tpu.vector_load %arg7[%get3A_406] {strides = array<i32>} : memref<1920xf32, #tpu.memory_space<vmem>>, vector<16xf32>,
        %sub3A_408 = arith.subf %gather3A_405, %get3A_407 : vector<16xf32>
        %mul3A_409 = arith.mulf %sub3A_408, %sub3A_408 : vector<16xf32>
        %add3A_410 = arith.constant 3 : i32
        %add3A_411 = vector.broadcast %add3A_410 : i32 to vector<16xi32>
        %add3A_412 = arith.addi %add3A_387, %add3A_411 : vector<16xi32>
        %gather3A_413 = tpu.vector_load_idx %arg15[%broadcast_in_dim3A_383, %add3A_412] : memref<16x1024xf32, #tpu.memory_space<vmem>>[vector<16xi32>, vector<16xi32>], vector<16xf32>,
        %get3A_414 = arith.constant 1712 : index
        %get3A_415 = tpu.vector_load %arg7[%get3A_414] {strides = array<i32>} : memref<1920xf32, #tpu.memory_space<vmem>>, vector<16xf32>,
        %sub3A_416 = arith.subf %gather3A_413, %get3A_415 : vector<16xf32>
        %mul3A_417 = arith.mulf %sub3A_416, %sub3A_416 : vector<16xf32>
        %add3A_418 = arith.constant 4 : i32
        %add3A_419 = vector.broadcast %add3A_418 : i32 to vector<16xi32>
        %add3A_420 = arith.addi %add3A_387, %add3A_419 : vector<16xi32>
        %gather3A_421 = tpu.vector_load_idx %arg15[%broadcast_in_dim3A_383, %add3A_420] : memref<16x1024xf32, #tpu.memory_space<vmem>>[vector<16xi32>, vector<16xi32>], vector<16xf32>,
        %get3A_422 = arith.constant 1728 : index
        %get3A_423 = tpu.vector_load %arg7[%get3A_422] {strides = array<i32>} : memref<1920xf32, #tpu.memory_space<vmem>>, vector<16xf32>,
        %sub3A_424 = arith.subf %gather3A_421, %get3A_423 : vector<16xf32>
        %mul3A_425 = arith.mulf %sub3A_424, %sub3A_424 : vector<16xf32>
        %add3A_426 = arith.constant 5 : i32
        %add3A_427 = vector.broadcast %add3A_426 : i32 to vector<16xi32>
        %add3A_428 = arith.addi %add3A_387, %add3A_427 : vector<16xi32>
        %gather3A_429 = tpu.vector_load_idx %arg15[%broadcast_in_dim3A_383, %add3A_428] : memref<16x1024xf32, #tpu.memory_space<vmem>>[vector<16xi32>, vector<16xi32>], vector<16xf32>,
        %get3A_430 = arith.constant 1744 : index
        %get3A_431 = tpu.vector_load %arg7[%get3A_430] {strides = array<i32>} : memref<1920xf32, #tpu.memory_space<vmem>>, vector<16xf32>,
        %sub3A_432 = arith.subf %gather3A_429, %get3A_431 : vector<16xf32>
        %mul3A_433 = arith.mulf %sub3A_432, %sub3A_432 : vector<16xf32>
        %add3A_434 = arith.constant 6 : i32
        %add3A_435 = vector.broadcast %add3A_434 : i32 to vector<16xi32>
        %add3A_436 = arith.addi %add3A_387, %add3A_435 : vector<16xi32>
        %gather3A_437 = tpu.vector_load_idx %arg15[%broadcast_in_dim3A_383, %add3A_436] : memref<16x1024xf32, #tpu.memory_space<vmem>>[vector<16xi32>, vector<16xi32>], vector<16xf32>,
        %get3A_438 = arith.constant 1760 : index
        %get3A_439 = tpu.vector_load %arg7[%get3A_438] {strides = array<i32>} : memref<1920xf32, #tpu.memory_space<vmem>>, vector<16xf32>,
        %sub3A_440 = arith.subf %gather3A_437, %get3A_439 : vector<16xf32>
        %mul3A_441 = arith.mulf %sub3A_440, %sub3A_440 : vector<16xf32>
        %add3A_442 = arith.constant 7 : i32
        %add3A_443 = vector.broadcast %add3A_442 : i32 to vector<16xi32>
        %add3A_444 = arith.addi %add3A_387, %add3A_443 : vector<16xi32>
        %gather3A_445 = tpu.vector_load_idx %arg15[%broadcast_in_dim3A_383, %add3A_444] : memref<16x1024xf32, #tpu.memory_space<vmem>>[vector<16xi32>, vector<16xi32>], vector<16xf32>,
        %get3A_446 = arith.constant 1776 : index
        %get3A_447 = tpu.vector_load %arg7[%get3A_446] {strides = array<i32>} : memref<1920xf32, #tpu.memory_space<vmem>>, vector<16xf32>,
        %sub3A_448 = arith.subf %gather3A_445, %get3A_447 : vector<16xf32>
        %mul3A_449 = arith.mulf %sub3A_448, %sub3A_448 : vector<16xf32>
        %add3A_450 = arith.constant 8 : i32
        %add3A_451 = vector.broadcast %add3A_450 : i32 to vector<16xi32>
        %add3A_452 = arith.addi %add3A_387, %add3A_451 : vector<16xi32>
        %gather3A_453 = tpu.vector_load_idx %arg15[%broadcast_in_dim3A_383, %add3A_452] : memref<16x1024xf32, #tpu.memory_space<vmem>>[vector<16xi32>, vector<16xi32>], vector<16xf32>,
        %get3A_454 = arith.constant 1792 : index
        %get3A_455 = tpu.vector_load %arg7[%get3A_454] {strides = array<i32>} : memref<1920xf32, #tpu.memory_space<vmem>>, vector<16xf32>,
        %sub3A_456 = arith.subf %gather3A_453, %get3A_455 : vector<16xf32>
        %mul3A_457 = arith.mulf %sub3A_456, %sub3A_456 : vector<16xf32>
        %add3A_458 = arith.constant 9 : i32
        %add3A_459 = vector.broadcast %add3A_458 : i32 to vector<16xi32>
        %add3A_460 = arith.addi %add3A_387, %add3A_459 : vector<16xi32>
        %gather3A_461 = tpu.vector_load_idx %arg15[%broadcast_in_dim3A_383, %add3A_460] : memref<16x1024xf32, #tpu.memory_space<vmem>>[vector<16xi32>, vector<16xi32>], vector<16xf32>,
        %get3A_462 = arith.constant 1808 : index
        %get3A_463 = tpu.vector_load %arg7[%get3A_462] {strides = array<i32>} : memref<1920xf32, #tpu.memory_space<vmem>>, vector<16xf32>,
        %sub3A_464 = arith.subf %gather3A_461, %get3A_463 : vector<16xf32>
        %mul3A_465 = arith.mulf %sub3A_464, %sub3A_464 : vector<16xf32>
        %add3A_466 = arith.constant 10 : i32
        %add3A_467 = vector.broadcast %add3A_466 : i32 to vector<16xi32>
        %add3A_468 = arith.addi %add3A_387, %add3A_467 : vector<16xi32>
        %gather3A_469 = tpu.vector_load_idx %arg15[%broadcast_in_dim3A_383, %add3A_468] : memref<16x1024xf32, #tpu.memory_space<vmem>>[vector<16xi32>, vector<16xi32>], vector<16xf32>,
        %get3A_470 = arith.constant 1824 : index
        %get3A_471 = tpu.vector_load %arg7[%get3A_470] {strides = array<i32>} : memref<1920xf32, #tpu.memory_space<vmem>>, vector<16xf32>,
        %sub3A_472 = arith.subf %gather3A_469, %get3A_471 : vector<16xf32>
        %mul3A_473 = arith.mulf %sub3A_472, %sub3A_472 : vector<16xf32>
        %add3A_474 = arith.constant 11 : i32
        %add3A_475 = vector.broadcast %add3A_474 : i32 to vector<16xi32>
        %add3A_476 = arith.addi %add3A_387, %add3A_475 : vector<16xi32>
        %gather3A_477 = tpu.vector_load_idx %arg15[%broadcast_in_dim3A_383, %add3A_476] : memref<16x1024xf32, #tpu.memory_space<vmem>>[vector<16xi32>, vector<16xi32>], vector<16xf32>,
        %get3A_478 = arith.constant 1840 : index
        %get3A_479 = tpu.vector_load %arg7[%get3A_478] {strides = array<i32>} : memref<1920xf32, #tpu.memory_space<vmem>>, vector<16xf32>,
        %sub3A_480 = arith.subf %gather3A_477, %get3A_479 : vector<16xf32>
        %mul3A_481 = arith.mulf %sub3A_480, %sub3A_480 : vector<16xf32>
        %add3A_482 = arith.constant 12 : i32
        %add3A_483 = vector.broadcast %add3A_482 : i32 to vector<16xi32>
        %add3A_484 = arith.addi %add3A_387, %add3A_483 : vector<16xi32>
        %gather3A_485 = tpu.vector_load_idx %arg15[%broadcast_in_dim3A_383, %add3A_484] : memref<16x1024xf32, #tpu.memory_space<vmem>>[vector<16xi32>, vector<16xi32>], vector<16xf32>,
        %get3A_486 = arith.constant 1856 : index
        %get3A_487 = tpu.vector_load %arg7[%get3A_486] {strides = array<i32>} : memref<1920xf32, #tpu.memory_space<vmem>>, vector<16xf32>,
        %sub3A_488 = arith.subf %gather3A_485, %get3A_487 : vector<16xf32>
        %mul3A_489 = arith.mulf %sub3A_488, %sub3A_488 : vector<16xf32>
        %add3A_490 = arith.constant 13 : i32
        %add3A_491 = vector.broadcast %add3A_490 : i32 to vector<16xi32>
        %add3A_492 = arith.addi %add3A_387, %add3A_491 : vector<16xi32>
        %gather3A_493 = tpu.vector_load_idx %arg15[%broadcast_in_dim3A_383, %add3A_492] : memref<16x1024xf32, #tpu.memory_space<vmem>>[vector<16xi32>, vector<16xi32>], vector<16xf32>,
        %get3A_494 = arith.constant 1872 : index
        %get3A_495 = tpu.vector_load %arg7[%get3A_494] {strides = array<i32>} : memref<1920xf32, #tpu.memory_space<vmem>>, vector<16xf32>,
        %sub3A_496 = arith.subf %gather3A_493, %get3A_495 : vector<16xf32>
        %mul3A_497 = arith.mulf %sub3A_496, %sub3A_496 : vector<16xf32>
        %add3A_498 = arith.constant 14 : i32
        %add3A_499 = vector.broadcast %add3A_498 : i32 to vector<16xi32>
        %add3A_500 = arith.addi %add3A_387, %add3A_499 : vector<16xi32>
        %gather3A_501 = tpu.vector_load_idx %arg15[%broadcast_in_dim3A_383, %add3A_500] : memref<16x1024xf32, #tpu.memory_space<vmem>>[vector<16xi32>, vector<16xi32>], vector<16xf32>,
        %get3A_502 = arith.constant 1888 : index
        %get3A_503 = tpu.vector_load %arg7[%get3A_502] {strides = array<i32>} : memref<1920xf32, #tpu.memory_space<vmem>>, vector<16xf32>,
        %sub3A_504 = arith.subf %gather3A_501, %get3A_503 : vector<16xf32>
        %mul3A_505 = arith.mulf %sub3A_504, %sub3A_504 : vector<16xf32>
        %add3A_506 = arith.constant 15 : i32
        %add3A_507 = vector.broadcast %add3A_506 : i32 to vector<16xi32>
        %add3A_508 = arith.addi %add3A_387, %add3A_507 : vector<16xi32>
        %gather3A_509 = tpu.vector_load_idx %arg15[%broadcast_in_dim3A_383, %add3A_508] : memref<16x1024xf32, #tpu.memory_space<vmem>>[vector<16xi32>, vector<16xi32>], vector<16xf32>,
        %get3A_510 = arith.constant 1904 : index
        %get3A_511 = tpu.vector_load %arg7[%get3A_510] {strides = array<i32>} : memref<1920xf32, #tpu.memory_space<vmem>>, vector<16xf32>,
        %sub3A_512 = arith.subf %gather3A_509, %get3A_511 : vector<16xf32>
        %mul3A_513 = arith.mulf %sub3A_512, %sub3A_512 : vector<16xf32>
        %add3A_514 = arith.addf %mul3A_393, %mul3A_457 : vector<16xf32>
        %add3A_515 = arith.addf %mul3A_401, %mul3A_465 : vector<16xf32>
        %add3A_516 = arith.addf %mul3A_409, %mul3A_473 : vector<16xf32>
        %add3A_517 = arith.addf %mul3A_417, %mul3A_481 : vector<16xf32>
        %add3A_518 = arith.addf %mul3A_425, %mul3A_489 : vector<16xf32>
        %add3A_519 = arith.addf %mul3A_433, %mul3A_497 : vector<16xf32>
        %add3A_520 = arith.addf %mul3A_441, %mul3A_505 : vector<16xf32>
        %add3A_521 = arith.addf %mul3A_449, %mul3A_513 : vector<16xf32>
        %add3A_522 = arith.addf %add3A_514, %add3A_518 : vector<16xf32>
        %add3A_523 = arith.addf %add3A_515, %add3A_519 : vector<16xf32>
        %add3A_524 = arith.addf %add3A_516, %add3A_520 : vector<16xf32>
        %add3A_525 = arith.addf %add3A_517, %add3A_521 : vector<16xf32>
        %add3A_526 = arith.addf %add3A_522, %add3A_524 : vector<16xf32>
        %add3A_527 = arith.addf %add3A_523, %add3A_525 : vector<16xf32>
        %add3A_528 = arith.addf %add3A_526, %add3A_527 : vector<16xf32>
        %reduce_min3A = arith.constant true
        %reduce_min3A_529 = vector.broadcast %reduce_min3A : i1 to vector<16xi1>
        %reduce_min3A_530 = tpu.scan <min>, %add3A_528 masked %reduce_min3A_529 : vector<16xf32>, vector<16xi1> -> vector<16xf32>
        %reduce_min3A_531 = vector.extract %reduce_min3A_530[15] : f32 from vector<16xf32>
        %lt3A_532 = arith.cmpf olt, %reduce_min3A_531, %scan3A_350 : f32
        %convert_element_type3A = arith.extui %lt3A_532 : i1 to i32
        %cond3A = arith.constant 0 : i32
        %cond3A_533 = arith.cmpi ne, %convert_element_type3A, %cond3A : i32
        %cond3A_534:3 = scf.if %cond3A_533 -> (vector<16xf32>, vector<16xi32>, f32) {
          %gather3A_535 = tpu.vector_load_idx %arg11[%broadcast_in_dim3A_383] : memref<16xi32, #tpu.memory_space<vmem>>[vector<16xi32>], vector<16xi32>,
          %mul3A_536 = arith.constant 64 : i32
          %mul3A_537 = vector.broadcast %mul3A_536 : i32 to vector<16xi32>
          %mul3A_538 = arith.muli %gather3A_535, %mul3A_537 : vector<16xi32>
          %mul3A_539 = arith.constant 16 : i32
          %mul3A_540 = arith.muli %select_n3A_382, %mul3A_539 : i32
          %add3A_541 = vector.broadcast %mul3A_540 : i32 to vector<16xi32>
          %add3A_542 = arith.addi %mul3A_538, %add3A_541 : vector<16xi32>
          %add3A_543 = arith.addi %add3A_542, %iota3A : vector<16xi32>
          %masked_sort3A = arith.constant dense<true> : vector<16xi1>
          %masked_sort3A_544, %masked_sort3A_545, %masked_sort3A_546 = tpu.sort %add3A_528, %add3A_543 masked %masked_sort3A : (vector<16xf32>, vector<16xi32>, vector<16xi1>) -> (vector<16xi1>, vector<16xf32>, vector<16xi32>)
          %rev3A = arith.constant 15 : i32
          %rev3A_547 = vector.broadcast %rev3A : i32 to vector<16xi32>
          %rev3A_548 = tpu.iota {dimensions = array<i32: 0>} : vector<16xi32>
          %rev3A_549 = arith.subi %rev3A_547, %rev3A_548 : vector<16xi32>
          %rev3A_550 = tpu.dynamic_gather %masked_sort3A_545[%rev3A_549] in [0] : vector<16xf32>, vector<16xi32> -> vector<16xf32>
          %rev3A_551 = arith.constant 15 : i32
          %rev3A_552 = vector.broadcast %rev3A_551 : i32 to vector<16xi32>
          %rev3A_553 = tpu.iota {dimensions = array<i32: 0>} : vector<16xi32>
          %rev3A_554 = arith.subi %rev3A_552, %rev3A_553 : vector<16xi32>
          %rev3A_555 = tpu.dynamic_gather %masked_sort3A_546[%rev3A_554] in [0] : vector<16xi32>, vector<16xi32> -> vector<16xi32>
          %le3A = arith.cmpf ole, %scan3A_348, %rev3A_550 : vector<16xf32>
          %select_n3A_556 = arith.select %le3A, %scan3A_348, %rev3A_550 : vector<16xi1>, vector<16xf32>
          %select_n3A_557 = arith.select %le3A, %scan3A_349, %rev3A_555 : vector<16xi1>, vector<16xi32>
          %masked_sort3A_558 = arith.constant dense<true> : vector<16xi1>
          %masked_sort3A_559, %masked_sort3A_560, %masked_sort3A_561 = tpu.sort %select_n3A_556, %select_n3A_557 masked %masked_sort3A_558 : (vector<16xf32>, vector<16xi32>, vector<16xi1>) -> (vector<16xi1>, vector<16xf32>, vector<16xi32>)
          %reduce_max3A = arith.constant true
          %reduce_max3A_562 = vector.broadcast %reduce_max3A : i1 to vector<16xi1>
          %reduce_max3A_563 = tpu.scan <max>, %masked_sort3A_560 masked %reduce_max3A_562 : vector<16xf32>, vector<16xi1> -> vector<16xf32>
          %reduce_max3A_564 = vector.extract %reduce_max3A_563[15] : f32 from vector<16xf32>
          scf.yield %masked_sort3A_560, %masked_sort3A_561, %reduce_max3A_564 : vector<16xf32>, vector<16xi32>, f32
        } else {
          scf.yield %scan3A_348, %scan3A_349, %scan3A_350 : vector<16xf32>, vector<16xi32>, f32
        }
        scf.yield %cond3A_534#0, %cond3A_534#1, %cond3A_534#2 : vector<16xf32>, vector<16xi32>, f32
      }
      %scan3A_246 = arith.constant 64 : i32
      %bitcast3A_247 = vector.bitcast %scan3A_245#0 : vector<16xf32> to vector<16xi32>
      %shift_right_arithmetic3A_248 = arith.constant 1 : i32
      %shift_right_arithmetic3A_249 = vector.broadcast %shift_right_arithmetic3A_248 : i32 to vector<16xi32>
      %shift_right_arithmetic3A_250 = arith.shrsi %bitcast3A_247, %shift_right_arithmetic3A_249 : vector<16xi32>
      %add3A_251 = arith.constant 532487670 : i32
      %add3A_252 = vector.broadcast %add3A_251 : i32 to vector<16xi32>
      %add3A_253 = arith.addi %shift_right_arithmetic3A_250, %add3A_252 : vector<16xi32>
      %bitcast3A_254 = vector.bitcast %add3A_253 : vector<16xi32> to vector<16xf32>
      %div3A_255 = arith.divf %scan3A_245#0, %bitcast3A_254 : vector<16xf32>
      %add3A_256 = arith.addf %bitcast3A_254, %div3A_255 : vector<16xf32>
      %mul3A_257 = arith.constant 5.000000e-01 : f32
      %mul3A_258 = vector.broadcast %mul3A_257 : f32 to vector<16xf32>
      %mul3A_259 = arith.mulf %mul3A_258, %add3A_256 : vector<16xf32>
      %div3A_260 = arith.divf %scan3A_245#0, %mul3A_259 : vector<16xf32>
      %add3A_261 = arith.addf %mul3A_259, %div3A_260 : vector<16xf32>
      %mul3A_262 = arith.constant 5.000000e-01 : f32
      %mul3A_263 = vector.broadcast %mul3A_262 : f32 to vector<16xf32>
      %mul3A_264 = arith.mulf %mul3A_263, %add3A_261 : vector<16xf32>
      %div3A_265 = arith.divf %scan3A_245#0, %mul3A_264 : vector<16xf32>
      %add3A_266 = arith.addf %mul3A_264, %div3A_265 : vector<16xf32>
      %mul3A_267 = arith.constant 5.000000e-01 : f32
      %mul3A_268 = vector.broadcast %mul3A_267 : f32 to vector<16xf32>
      %mul3A_269 = arith.mulf %mul3A_268, %add3A_266 : vector<16xf32>
      %bitcast3A_270 = vector.bitcast %mul3A_269 : vector<16xf32> to vector<16xi32>
      %swap3A_271 = arith.constant 64 : index
      %swap3A_272 = tpu.vector_load %arg17[%swap3A_271] {strides = array<i32>} : memref<128xi32, #tpu.memory_space<vmem>>, vector<16xi32>,
      tpu.vector_store %arg17[%swap3A_271], %bitcast3A_270 {strides = array<i32>} : memref<128xi32, #tpu.memory_space<vmem>>, vector<16xi32>,
      %swap3A_273 = arith.constant 80 : index
      %swap3A_274 = tpu.vector_load %arg17[%swap3A_273] {strides = array<i32>} : memref<128xi32, #tpu.memory_space<vmem>>, vector<16xi32>,
      tpu.vector_store %arg17[%swap3A_273], %scan3A_245#1 {strides = array<i32>} : memref<128xi32, #tpu.memory_space<vmem>>, vector<16xi32>,
      %mul3A_275 = arith.constant 4 : i32
      %mul3A_276 = arith.muli %mul3A_275, %scan3A_65 : i32
      %add3A_277 = arith.constant 2 : i32
      %add3A_278 = arith.addi %mul3A_276, %add3A_277 : i32
      %add3A_279 = arith.constant 4 : i32
      %add3A_280 = arith.addi %add3A_278, %add3A_279 : i32
      %mul3A_281 = arith.constant 32 : i32
      %mul3A_282 = arith.muli %add3A, %mul3A_281 : i32
      %rem3A_283 = arith.constant 32 : i32
      %rem3A_284 = arith.remsi %add3A_280, %rem3A_283 : i32
      %add3A_285 = arith.addi %mul3A_282, %rem3A_284 : i32
      %mul3A_286 = arith.constant 1920 : i32
      %mul3A_287 = arith.muli %add3A_285, %mul3A_286 : i32
      %dma_start3A_288 = tpu.memref_slice %arg2[%mul3A_287] : memref<1966080xf32, #tpu.memory_space<hbm>> -> memref<1920xf32, #tpu.memory_space<hbm>>
      %dma_start3A_289 = tpu.memref_slice %arg2[%mul3A_287] : memref<1966080xf32, #tpu.memory_space<hbm>> -> memref<1920xf32, #tpu.memory_space<hbm>>
      tpu.enqueue_dma source(%dma_start3A_289 : memref<1920xf32, #tpu.memory_space<hbm>>) target(%arg7 : memref<1920xf32, #tpu.memory_space<vmem>>) target_semaphore(%arg24 : memref<!tpu.dma_semaphore, #tpu.memory_space<semaphore_mem>>)
      %dma_wait3A_290 = arith.constant 0 : i32
      %dma_wait3A_291 = arith.constant 0 : i32
      %dma_wait3A_292 = tpu.memref_slice %arg3[%dma_wait3A_290, %dma_wait3A_291] : memref<1664x1024xf32, #tpu.memory_space<hbm>> -> memref<1664x1024xf32, #tpu.memory_space<hbm>>
      tpu.wait_indirect_dma semaphore(%arg21 : memref<!tpu.dma_semaphore, #tpu.memory_space<semaphore_mem>>) src(%dma_wait3A_292 : memref<1664x1024xf32, #tpu.memory_space<hbm>>) dst(%arg16 : memref<16x1024xf32, #tpu.memory_space<vmem>>)
      %scan3A_293 = arith.constant 3.000000e+38 : f32
      %scan3A_294 = arith.constant 0 : i32
      %scan3A_295 = arith.constant 64 : i32
      %scan3A_296 = arith.addi %scan3A_294, %scan3A_295 : i32
      %scan3A_297 = arith.constant 1 : i32
      %scan3A_298:3 = scf.for %scan3A_347 = %scan3A_294 to %scan3A_296 step %scan3A_297 iter_args(%scan3A_348 = %broadcast_in_dim3A_4, %scan3A_349 = %broadcast_in_dim3A_6, %scan3A_350 = %scan3A_293) -> (vector<16xf32>, vector<16xi32>, f32)  : i32 {
        %jit3A = arith.constant 4 : i32
        %div3A_351 = arith.divsi %scan3A_347, %jit3A : i32
        %sign3A = arith.constant 0 : i32
        %sign3A_352 = arith.cmpi sgt, %scan3A_347, %sign3A : i32
        %sign3A_353 = arith.extui %sign3A_352 : i1 to i32
        %sign3A_354 = arith.constant 0 : i32
        %sign3A_355 = arith.cmpi slt, %scan3A_347, %sign3A_354 : i32
        %sign3A_356 = arith.extui %sign3A_355 : i1 to i32
        %sign3A_357 = arith.subi %sign3A_353, %sign3A_356 : i32
        %sign3A_358 = arith.constant 0 : i32
        %sign3A_359 = arith.cmpi sgt, %jit3A, %sign3A_358 : i32
        %sign3A_360 = arith.extui %sign3A_359 : i1 to i32
        %sign3A_361 = arith.constant 0 : i32
        %sign3A_362 = arith.cmpi slt, %jit3A, %sign3A_361 : i32
        %sign3A_363 = arith.extui %sign3A_362 : i1 to i32
        %sign3A_364 = arith.subi %sign3A_360, %sign3A_363 : i32
        %ne3A = arith.cmpi ne, %sign3A_357, %sign3A_364 : i32
        %rem3A_365 = arith.remsi %scan3A_347, %jit3A : i32
        %ne3A_366 = arith.constant 0 : i32
        %ne3A_367 = arith.cmpi ne, %rem3A_365, %ne3A_366 : i32
        %and3A = arith.andi %ne3A, %ne3A_367 : i1
        %sub3A = arith.constant 1 : i32
        %sub3A_368 = arith.subi %div3A_351, %sub3A : i32
        %select_n3A = arith.select %and3A, %sub3A_368, %div3A_351 : i32
        %jit3A_369 = arith.constant 4 : i32
        %eq3A = arith.constant 0 : i32
        %eq3A_370 = arith.cmpi eq, %jit3A_369, %eq3A : i32
        %jit3A_371 = arith.constant 1 : i32
        %select_n3A_372 = arith.select %eq3A_370, %jit3A_371, %jit3A_369 : i32
        %rem3A_373 = arith.remsi %scan3A_347, %select_n3A_372 : i32
        %ne3A_374 = arith.constant 0 : i32
        %ne3A_375 = arith.cmpi ne, %rem3A_373, %ne3A_374 : i32
        %lt3A = arith.constant 0 : i32
        %lt3A_376 = arith.cmpi slt, %rem3A_373, %lt3A : i32
        %lt3A_377 = arith.constant 0 : i32
        %lt3A_378 = arith.cmpi slt, %select_n3A_372, %lt3A_377 : i32
        %ne3A_379 = arith.xori %lt3A_376, %lt3A_378 : i1
        %and3A_380 = arith.andi %ne3A_379, %ne3A_375 : i1
        %add3A_381 = arith.addi %rem3A_373, %select_n3A_372 : i32
        %select_n3A_382 = arith.select %and3A_380, %add3A_381, %rem3A_373 : i32
        %broadcast_in_dim3A_383 = vector.broadcast %select_n3A : i32 to vector<16xi32>
        %mul3A_384 = arith.constant 256 : i32
        %mul3A_385 = arith.muli %select_n3A_382, %mul3A_384 : i32
        %add3A_386 = vector.broadcast %mul3A_385 : i32 to vector<16xi32>
        %add3A_387 = arith.addi %mul3A_3, %add3A_386 : vector<16xi32>
        %add3A_388 = arith.constant 0 : i32
        %add3A_389 = vector.broadcast %add3A_388 : i32 to vector<16xi32>
        %add3A_390 = arith.addi %add3A_387, %add3A_389 : vector<16xi32>
        %gather3A = tpu.vector_load_idx %arg16[%broadcast_in_dim3A_383, %add3A_390] : memref<16x1024xf32, #tpu.memory_space<vmem>>[vector<16xi32>, vector<16xi32>], vector<16xf32>,
        %get3A = arith.constant 1664 : index
        %get3A_391 = tpu.vector_load %arg8[%get3A] {strides = array<i32>} : memref<1920xf32, #tpu.memory_space<vmem>>, vector<16xf32>,
        %sub3A_392 = arith.subf %gather3A, %get3A_391 : vector<16xf32>
        %mul3A_393 = arith.mulf %sub3A_392, %sub3A_392 : vector<16xf32>
        %add3A_394 = arith.constant 1 : i32
        %add3A_395 = vector.broadcast %add3A_394 : i32 to vector<16xi32>
        %add3A_396 = arith.addi %add3A_387, %add3A_395 : vector<16xi32>
        %gather3A_397 = tpu.vector_load_idx %arg16[%broadcast_in_dim3A_383, %add3A_396] : memref<16x1024xf32, #tpu.memory_space<vmem>>[vector<16xi32>, vector<16xi32>], vector<16xf32>,
        %get3A_398 = arith.constant 1680 : index
        %get3A_399 = tpu.vector_load %arg8[%get3A_398] {strides = array<i32>} : memref<1920xf32, #tpu.memory_space<vmem>>, vector<16xf32>,
        %sub3A_400 = arith.subf %gather3A_397, %get3A_399 : vector<16xf32>
        %mul3A_401 = arith.mulf %sub3A_400, %sub3A_400 : vector<16xf32>
        %add3A_402 = arith.constant 2 : i32
        %add3A_403 = vector.broadcast %add3A_402 : i32 to vector<16xi32>
        %add3A_404 = arith.addi %add3A_387, %add3A_403 : vector<16xi32>
        %gather3A_405 = tpu.vector_load_idx %arg16[%broadcast_in_dim3A_383, %add3A_404] : memref<16x1024xf32, #tpu.memory_space<vmem>>[vector<16xi32>, vector<16xi32>], vector<16xf32>,
        %get3A_406 = arith.constant 1696 : index
        %get3A_407 = tpu.vector_load %arg8[%get3A_406] {strides = array<i32>} : memref<1920xf32, #tpu.memory_space<vmem>>, vector<16xf32>,
        %sub3A_408 = arith.subf %gather3A_405, %get3A_407 : vector<16xf32>
        %mul3A_409 = arith.mulf %sub3A_408, %sub3A_408 : vector<16xf32>
        %add3A_410 = arith.constant 3 : i32
        %add3A_411 = vector.broadcast %add3A_410 : i32 to vector<16xi32>
        %add3A_412 = arith.addi %add3A_387, %add3A_411 : vector<16xi32>
        %gather3A_413 = tpu.vector_load_idx %arg16[%broadcast_in_dim3A_383, %add3A_412] : memref<16x1024xf32, #tpu.memory_space<vmem>>[vector<16xi32>, vector<16xi32>], vector<16xf32>,
        %get3A_414 = arith.constant 1712 : index
        %get3A_415 = tpu.vector_load %arg8[%get3A_414] {strides = array<i32>} : memref<1920xf32, #tpu.memory_space<vmem>>, vector<16xf32>,
        %sub3A_416 = arith.subf %gather3A_413, %get3A_415 : vector<16xf32>
        %mul3A_417 = arith.mulf %sub3A_416, %sub3A_416 : vector<16xf32>
        %add3A_418 = arith.constant 4 : i32
        %add3A_419 = vector.broadcast %add3A_418 : i32 to vector<16xi32>
        %add3A_420 = arith.addi %add3A_387, %add3A_419 : vector<16xi32>
        %gather3A_421 = tpu.vector_load_idx %arg16[%broadcast_in_dim3A_383, %add3A_420] : memref<16x1024xf32, #tpu.memory_space<vmem>>[vector<16xi32>, vector<16xi32>], vector<16xf32>,
        %get3A_422 = arith.constant 1728 : index
        %get3A_423 = tpu.vector_load %arg8[%get3A_422] {strides = array<i32>} : memref<1920xf32, #tpu.memory_space<vmem>>, vector<16xf32>,
        %sub3A_424 = arith.subf %gather3A_421, %get3A_423 : vector<16xf32>
        %mul3A_425 = arith.mulf %sub3A_424, %sub3A_424 : vector<16xf32>
        %add3A_426 = arith.constant 5 : i32
        %add3A_427 = vector.broadcast %add3A_426 : i32 to vector<16xi32>
        %add3A_428 = arith.addi %add3A_387, %add3A_427 : vector<16xi32>
        %gather3A_429 = tpu.vector_load_idx %arg16[%broadcast_in_dim3A_383, %add3A_428] : memref<16x1024xf32, #tpu.memory_space<vmem>>[vector<16xi32>, vector<16xi32>], vector<16xf32>,
        %get3A_430 = arith.constant 1744 : index
        %get3A_431 = tpu.vector_load %arg8[%get3A_430] {strides = array<i32>} : memref<1920xf32, #tpu.memory_space<vmem>>, vector<16xf32>,
        %sub3A_432 = arith.subf %gather3A_429, %get3A_431 : vector<16xf32>
        %mul3A_433 = arith.mulf %sub3A_432, %sub3A_432 : vector<16xf32>
        %add3A_434 = arith.constant 6 : i32
        %add3A_435 = vector.broadcast %add3A_434 : i32 to vector<16xi32>
        %add3A_436 = arith.addi %add3A_387, %add3A_435 : vector<16xi32>
        %gather3A_437 = tpu.vector_load_idx %arg16[%broadcast_in_dim3A_383, %add3A_436] : memref<16x1024xf32, #tpu.memory_space<vmem>>[vector<16xi32>, vector<16xi32>], vector<16xf32>,
        %get3A_438 = arith.constant 1760 : index
        %get3A_439 = tpu.vector_load %arg8[%get3A_438] {strides = array<i32>} : memref<1920xf32, #tpu.memory_space<vmem>>, vector<16xf32>,
        %sub3A_440 = arith.subf %gather3A_437, %get3A_439 : vector<16xf32>
        %mul3A_441 = arith.mulf %sub3A_440, %sub3A_440 : vector<16xf32>
        %add3A_442 = arith.constant 7 : i32
        %add3A_443 = vector.broadcast %add3A_442 : i32 to vector<16xi32>
        %add3A_444 = arith.addi %add3A_387, %add3A_443 : vector<16xi32>
        %gather3A_445 = tpu.vector_load_idx %arg16[%broadcast_in_dim3A_383, %add3A_444] : memref<16x1024xf32, #tpu.memory_space<vmem>>[vector<16xi32>, vector<16xi32>], vector<16xf32>,
        %get3A_446 = arith.constant 1776 : index
        %get3A_447 = tpu.vector_load %arg8[%get3A_446] {strides = array<i32>} : memref<1920xf32, #tpu.memory_space<vmem>>, vector<16xf32>,
        %sub3A_448 = arith.subf %gather3A_445, %get3A_447 : vector<16xf32>
        %mul3A_449 = arith.mulf %sub3A_448, %sub3A_448 : vector<16xf32>
        %add3A_450 = arith.constant 8 : i32
        %add3A_451 = vector.broadcast %add3A_450 : i32 to vector<16xi32>
        %add3A_452 = arith.addi %add3A_387, %add3A_451 : vector<16xi32>
        %gather3A_453 = tpu.vector_load_idx %arg16[%broadcast_in_dim3A_383, %add3A_452] : memref<16x1024xf32, #tpu.memory_space<vmem>>[vector<16xi32>, vector<16xi32>], vector<16xf32>,
        %get3A_454 = arith.constant 1792 : index
        %get3A_455 = tpu.vector_load %arg8[%get3A_454] {strides = array<i32>} : memref<1920xf32, #tpu.memory_space<vmem>>, vector<16xf32>,
        %sub3A_456 = arith.subf %gather3A_453, %get3A_455 : vector<16xf32>
        %mul3A_457 = arith.mulf %sub3A_456, %sub3A_456 : vector<16xf32>
        %add3A_458 = arith.constant 9 : i32
        %add3A_459 = vector.broadcast %add3A_458 : i32 to vector<16xi32>
        %add3A_460 = arith.addi %add3A_387, %add3A_459 : vector<16xi32>
        %gather3A_461 = tpu.vector_load_idx %arg16[%broadcast_in_dim3A_383, %add3A_460] : memref<16x1024xf32, #tpu.memory_space<vmem>>[vector<16xi32>, vector<16xi32>], vector<16xf32>,
        %get3A_462 = arith.constant 1808 : index
        %get3A_463 = tpu.vector_load %arg8[%get3A_462] {strides = array<i32>} : memref<1920xf32, #tpu.memory_space<vmem>>, vector<16xf32>,
        %sub3A_464 = arith.subf %gather3A_461, %get3A_463 : vector<16xf32>
        %mul3A_465 = arith.mulf %sub3A_464, %sub3A_464 : vector<16xf32>
        %add3A_466 = arith.constant 10 : i32
        %add3A_467 = vector.broadcast %add3A_466 : i32 to vector<16xi32>
        %add3A_468 = arith.addi %add3A_387, %add3A_467 : vector<16xi32>
        %gather3A_469 = tpu.vector_load_idx %arg16[%broadcast_in_dim3A_383, %add3A_468] : memref<16x1024xf32, #tpu.memory_space<vmem>>[vector<16xi32>, vector<16xi32>], vector<16xf32>,
        %get3A_470 = arith.constant 1824 : index
        %get3A_471 = tpu.vector_load %arg8[%get3A_470] {strides = array<i32>} : memref<1920xf32, #tpu.memory_space<vmem>>, vector<16xf32>,
        %sub3A_472 = arith.subf %gather3A_469, %get3A_471 : vector<16xf32>
        %mul3A_473 = arith.mulf %sub3A_472, %sub3A_472 : vector<16xf32>
        %add3A_474 = arith.constant 11 : i32
        %add3A_475 = vector.broadcast %add3A_474 : i32 to vector<16xi32>
        %add3A_476 = arith.addi %add3A_387, %add3A_475 : vector<16xi32>
        %gather3A_477 = tpu.vector_load_idx %arg16[%broadcast_in_dim3A_383, %add3A_476] : memref<16x1024xf32, #tpu.memory_space<vmem>>[vector<16xi32>, vector<16xi32>], vector<16xf32>,
        %get3A_478 = arith.constant 1840 : index
        %get3A_479 = tpu.vector_load %arg8[%get3A_478] {strides = array<i32>} : memref<1920xf32, #tpu.memory_space<vmem>>, vector<16xf32>,
        %sub3A_480 = arith.subf %gather3A_477, %get3A_479 : vector<16xf32>
        %mul3A_481 = arith.mulf %sub3A_480, %sub3A_480 : vector<16xf32>
        %add3A_482 = arith.constant 12 : i32
        %add3A_483 = vector.broadcast %add3A_482 : i32 to vector<16xi32>
        %add3A_484 = arith.addi %add3A_387, %add3A_483 : vector<16xi32>
        %gather3A_485 = tpu.vector_load_idx %arg16[%broadcast_in_dim3A_383, %add3A_484] : memref<16x1024xf32, #tpu.memory_space<vmem>>[vector<16xi32>, vector<16xi32>], vector<16xf32>,
        %get3A_486 = arith.constant 1856 : index
        %get3A_487 = tpu.vector_load %arg8[%get3A_486] {strides = array<i32>} : memref<1920xf32, #tpu.memory_space<vmem>>, vector<16xf32>,
        %sub3A_488 = arith.subf %gather3A_485, %get3A_487 : vector<16xf32>
        %mul3A_489 = arith.mulf %sub3A_488, %sub3A_488 : vector<16xf32>
        %add3A_490 = arith.constant 13 : i32
        %add3A_491 = vector.broadcast %add3A_490 : i32 to vector<16xi32>
        %add3A_492 = arith.addi %add3A_387, %add3A_491 : vector<16xi32>
        %gather3A_493 = tpu.vector_load_idx %arg16[%broadcast_in_dim3A_383, %add3A_492] : memref<16x1024xf32, #tpu.memory_space<vmem>>[vector<16xi32>, vector<16xi32>], vector<16xf32>,
        %get3A_494 = arith.constant 1872 : index
        %get3A_495 = tpu.vector_load %arg8[%get3A_494] {strides = array<i32>} : memref<1920xf32, #tpu.memory_space<vmem>>, vector<16xf32>,
        %sub3A_496 = arith.subf %gather3A_493, %get3A_495 : vector<16xf32>
        %mul3A_497 = arith.mulf %sub3A_496, %sub3A_496 : vector<16xf32>
        %add3A_498 = arith.constant 14 : i32
        %add3A_499 = vector.broadcast %add3A_498 : i32 to vector<16xi32>
        %add3A_500 = arith.addi %add3A_387, %add3A_499 : vector<16xi32>
        %gather3A_501 = tpu.vector_load_idx %arg16[%broadcast_in_dim3A_383, %add3A_500] : memref<16x1024xf32, #tpu.memory_space<vmem>>[vector<16xi32>, vector<16xi32>], vector<16xf32>,
        %get3A_502 = arith.constant 1888 : index
        %get3A_503 = tpu.vector_load %arg8[%get3A_502] {strides = array<i32>} : memref<1920xf32, #tpu.memory_space<vmem>>, vector<16xf32>,
        %sub3A_504 = arith.subf %gather3A_501, %get3A_503 : vector<16xf32>
        %mul3A_505 = arith.mulf %sub3A_504, %sub3A_504 : vector<16xf32>
        %add3A_506 = arith.constant 15 : i32
        %add3A_507 = vector.broadcast %add3A_506 : i32 to vector<16xi32>
        %add3A_508 = arith.addi %add3A_387, %add3A_507 : vector<16xi32>
        %gather3A_509 = tpu.vector_load_idx %arg16[%broadcast_in_dim3A_383, %add3A_508] : memref<16x1024xf32, #tpu.memory_space<vmem>>[vector<16xi32>, vector<16xi32>], vector<16xf32>,
        %get3A_510 = arith.constant 1904 : index
        %get3A_511 = tpu.vector_load %arg8[%get3A_510] {strides = array<i32>} : memref<1920xf32, #tpu.memory_space<vmem>>, vector<16xf32>,
        %sub3A_512 = arith.subf %gather3A_509, %get3A_511 : vector<16xf32>
        %mul3A_513 = arith.mulf %sub3A_512, %sub3A_512 : vector<16xf32>
        %add3A_514 = arith.addf %mul3A_393, %mul3A_457 : vector<16xf32>
        %add3A_515 = arith.addf %mul3A_401, %mul3A_465 : vector<16xf32>
        %add3A_516 = arith.addf %mul3A_409, %mul3A_473 : vector<16xf32>
        %add3A_517 = arith.addf %mul3A_417, %mul3A_481 : vector<16xf32>
        %add3A_518 = arith.addf %mul3A_425, %mul3A_489 : vector<16xf32>
        %add3A_519 = arith.addf %mul3A_433, %mul3A_497 : vector<16xf32>
        %add3A_520 = arith.addf %mul3A_441, %mul3A_505 : vector<16xf32>
        %add3A_521 = arith.addf %mul3A_449, %mul3A_513 : vector<16xf32>
        %add3A_522 = arith.addf %add3A_514, %add3A_518 : vector<16xf32>
        %add3A_523 = arith.addf %add3A_515, %add3A_519 : vector<16xf32>
        %add3A_524 = arith.addf %add3A_516, %add3A_520 : vector<16xf32>
        %add3A_525 = arith.addf %add3A_517, %add3A_521 : vector<16xf32>
        %add3A_526 = arith.addf %add3A_522, %add3A_524 : vector<16xf32>
        %add3A_527 = arith.addf %add3A_523, %add3A_525 : vector<16xf32>
        %add3A_528 = arith.addf %add3A_526, %add3A_527 : vector<16xf32>
        %reduce_min3A = arith.constant true
        %reduce_min3A_529 = vector.broadcast %reduce_min3A : i1 to vector<16xi1>
        %reduce_min3A_530 = tpu.scan <min>, %add3A_528 masked %reduce_min3A_529 : vector<16xf32>, vector<16xi1> -> vector<16xf32>
        %reduce_min3A_531 = vector.extract %reduce_min3A_530[15] : f32 from vector<16xf32>
        %lt3A_532 = arith.cmpf olt, %reduce_min3A_531, %scan3A_350 : f32
        %convert_element_type3A = arith.extui %lt3A_532 : i1 to i32
        %cond3A = arith.constant 0 : i32
        %cond3A_533 = arith.cmpi ne, %convert_element_type3A, %cond3A : i32
        %cond3A_534:3 = scf.if %cond3A_533 -> (vector<16xf32>, vector<16xi32>, f32) {
          %gather3A_535 = tpu.vector_load_idx %arg12[%broadcast_in_dim3A_383] : memref<16xi32, #tpu.memory_space<vmem>>[vector<16xi32>], vector<16xi32>,
          %mul3A_536 = arith.constant 64 : i32
          %mul3A_537 = vector.broadcast %mul3A_536 : i32 to vector<16xi32>
          %mul3A_538 = arith.muli %gather3A_535, %mul3A_537 : vector<16xi32>
          %mul3A_539 = arith.constant 16 : i32
          %mul3A_540 = arith.muli %select_n3A_382, %mul3A_539 : i32
          %add3A_541 = vector.broadcast %mul3A_540 : i32 to vector<16xi32>
          %add3A_542 = arith.addi %mul3A_538, %add3A_541 : vector<16xi32>
          %add3A_543 = arith.addi %add3A_542, %iota3A : vector<16xi32>
          %masked_sort3A = arith.constant dense<true> : vector<16xi1>
          %masked_sort3A_544, %masked_sort3A_545, %masked_sort3A_546 = tpu.sort %add3A_528, %add3A_543 masked %masked_sort3A : (vector<16xf32>, vector<16xi32>, vector<16xi1>) -> (vector<16xi1>, vector<16xf32>, vector<16xi32>)
          %rev3A = arith.constant 15 : i32
          %rev3A_547 = vector.broadcast %rev3A : i32 to vector<16xi32>
          %rev3A_548 = tpu.iota {dimensions = array<i32: 0>} : vector<16xi32>
          %rev3A_549 = arith.subi %rev3A_547, %rev3A_548 : vector<16xi32>
          %rev3A_550 = tpu.dynamic_gather %masked_sort3A_545[%rev3A_549] in [0] : vector<16xf32>, vector<16xi32> -> vector<16xf32>
          %rev3A_551 = arith.constant 15 : i32
          %rev3A_552 = vector.broadcast %rev3A_551 : i32 to vector<16xi32>
          %rev3A_553 = tpu.iota {dimensions = array<i32: 0>} : vector<16xi32>
          %rev3A_554 = arith.subi %rev3A_552, %rev3A_553 : vector<16xi32>
          %rev3A_555 = tpu.dynamic_gather %masked_sort3A_546[%rev3A_554] in [0] : vector<16xi32>, vector<16xi32> -> vector<16xi32>
          %le3A = arith.cmpf ole, %scan3A_348, %rev3A_550 : vector<16xf32>
          %select_n3A_556 = arith.select %le3A, %scan3A_348, %rev3A_550 : vector<16xi1>, vector<16xf32>
          %select_n3A_557 = arith.select %le3A, %scan3A_349, %rev3A_555 : vector<16xi1>, vector<16xi32>
          %masked_sort3A_558 = arith.constant dense<true> : vector<16xi1>
          %masked_sort3A_559, %masked_sort3A_560, %masked_sort3A_561 = tpu.sort %select_n3A_556, %select_n3A_557 masked %masked_sort3A_558 : (vector<16xf32>, vector<16xi32>, vector<16xi1>) -> (vector<16xi1>, vector<16xf32>, vector<16xi32>)
          %reduce_max3A = arith.constant true
          %reduce_max3A_562 = vector.broadcast %reduce_max3A : i1 to vector<16xi1>
          %reduce_max3A_563 = tpu.scan <max>, %masked_sort3A_560 masked %reduce_max3A_562 : vector<16xf32>, vector<16xi1> -> vector<16xf32>
          %reduce_max3A_564 = vector.extract %reduce_max3A_563[15] : f32 from vector<16xf32>
          scf.yield %masked_sort3A_560, %masked_sort3A_561, %reduce_max3A_564 : vector<16xf32>, vector<16xi32>, f32
        } else {
          scf.yield %scan3A_348, %scan3A_349, %scan3A_350 : vector<16xf32>, vector<16xi32>, f32
        }
        scf.yield %cond3A_534#0, %cond3A_534#1, %cond3A_534#2 : vector<16xf32>, vector<16xi32>, f32
      }
      %scan3A_299 = arith.constant 64 : i32
      %bitcast3A_300 = vector.bitcast %scan3A_298#0 : vector<16xf32> to vector<16xi32>
      %shift_right_arithmetic3A_301 = arith.constant 1 : i32
      %shift_right_arithmetic3A_302 = vector.broadcast %shift_right_arithmetic3A_301 : i32 to vector<16xi32>
      %shift_right_arithmetic3A_303 = arith.shrsi %bitcast3A_300, %shift_right_arithmetic3A_302 : vector<16xi32>
      %add3A_304 = arith.constant 532487670 : i32
      %add3A_305 = vector.broadcast %add3A_304 : i32 to vector<16xi32>
      %add3A_306 = arith.addi %shift_right_arithmetic3A_303, %add3A_305 : vector<16xi32>
      %bitcast3A_307 = vector.bitcast %add3A_306 : vector<16xi32> to vector<16xf32>
      %div3A_308 = arith.divf %scan3A_298#0, %bitcast3A_307 : vector<16xf32>
      %add3A_309 = arith.addf %bitcast3A_307, %div3A_308 : vector<16xf32>
      %mul3A_310 = arith.constant 5.000000e-01 : f32
      %mul3A_311 = vector.broadcast %mul3A_310 : f32 to vector<16xf32>
      %mul3A_312 = arith.mulf %mul3A_311, %add3A_309 : vector<16xf32>
      %div3A_313 = arith.divf %scan3A_298#0, %mul3A_312 : vector<16xf32>
      %add3A_314 = arith.addf %mul3A_312, %div3A_313 : vector<16xf32>
      %mul3A_315 = arith.constant 5.000000e-01 : f32
      %mul3A_316 = vector.broadcast %mul3A_315 : f32 to vector<16xf32>
      %mul3A_317 = arith.mulf %mul3A_316, %add3A_314 : vector<16xf32>
      %div3A_318 = arith.divf %scan3A_298#0, %mul3A_317 : vector<16xf32>
      %add3A_319 = arith.addf %mul3A_317, %div3A_318 : vector<16xf32>
      %mul3A_320 = arith.constant 5.000000e-01 : f32
      %mul3A_321 = vector.broadcast %mul3A_320 : f32 to vector<16xf32>
      %mul3A_322 = arith.mulf %mul3A_321, %add3A_319 : vector<16xf32>
      %bitcast3A_323 = vector.bitcast %mul3A_322 : vector<16xf32> to vector<16xi32>
      %swap3A_324 = arith.constant 96 : index
      %swap3A_325 = tpu.vector_load %arg17[%swap3A_324] {strides = array<i32>} : memref<128xi32, #tpu.memory_space<vmem>>, vector<16xi32>,
      tpu.vector_store %arg17[%swap3A_324], %bitcast3A_323 {strides = array<i32>} : memref<128xi32, #tpu.memory_space<vmem>>, vector<16xi32>,
      %swap3A_326 = arith.constant 112 : index
      %swap3A_327 = tpu.vector_load %arg17[%swap3A_326] {strides = array<i32>} : memref<128xi32, #tpu.memory_space<vmem>>, vector<16xi32>,
      tpu.vector_store %arg17[%swap3A_326], %scan3A_298#1 {strides = array<i32>} : memref<128xi32, #tpu.memory_space<vmem>>, vector<16xi32>,
      %mul3A_328 = arith.constant 4 : i32
      %mul3A_329 = arith.muli %mul3A_328, %scan3A_65 : i32
      %add3A_330 = arith.constant 3 : i32
      %add3A_331 = arith.addi %mul3A_329, %add3A_330 : i32
      %add3A_332 = arith.constant 4 : i32
      %add3A_333 = arith.addi %add3A_331, %add3A_332 : i32
      %mul3A_334 = arith.constant 32 : i32
      %mul3A_335 = arith.muli %add3A, %mul3A_334 : i32
      %rem3A_336 = arith.constant 32 : i32
      %rem3A_337 = arith.remsi %add3A_333, %rem3A_336 : i32
      %add3A_338 = arith.addi %mul3A_335, %rem3A_337 : i32
      %mul3A_339 = arith.constant 1920 : i32
      %mul3A_340 = arith.muli %add3A_338, %mul3A_339 : i32
      %dma_start3A_341 = tpu.memref_slice %arg2[%mul3A_340] : memref<1966080xf32, #tpu.memory_space<hbm>> -> memref<1920xf32, #tpu.memory_space<hbm>>
      %dma_start3A_342 = tpu.memref_slice %arg2[%mul3A_340] : memref<1966080xf32, #tpu.memory_space<hbm>> -> memref<1920xf32, #tpu.memory_space<hbm>>
      tpu.enqueue_dma source(%dma_start3A_342 : memref<1920xf32, #tpu.memory_space<hbm>>) target(%arg8 : memref<1920xf32, #tpu.memory_space<vmem>>) target_semaphore(%arg25 : memref<!tpu.dma_semaphore, #tpu.memory_space<semaphore_mem>>)
      %mul3A_343 = arith.constant 2 : i32
      %mul3A_344 = arith.muli %add3A_70, %mul3A_343 : i32
      %mul3A_345 = arith.constant 16 : i32
      %mul3A_346 = arith.muli %mul3A_344, %mul3A_345 : i32
      "tpu.region"() ({
        %run_scoped3A = tpu.sem_alloc : memref<!tpu.dma_semaphore, #tpu.memory_space<semaphore_mem>>
        %dma_start3A_347 = tpu.memref_slice %arg4[%mul3A_346] : memref<32768xi32, #tpu.memory_space<hbm>> -> memref<128xi32, #tpu.memory_space<hbm>>
        %dma_start3A_348 = tpu.memref_slice %arg4[%mul3A_346] : memref<32768xi32, #tpu.memory_space<hbm>> -> memref<128xi32, #tpu.memory_space<hbm>>
        tpu.enqueue_dma source(%arg17 : memref<128xi32, #tpu.memory_space<vmem>>) target(%dma_start3A_348 : memref<128xi32, #tpu.memory_space<hbm>>) target_semaphore(%run_scoped3A : memref<!tpu.dma_semaphore, #tpu.memory_space<semaphore_mem>>)
        %dma_wait3A_349 = tpu.memref_slice %arg4[%mul3A_346] : memref<32768xi32, #tpu.memory_space<hbm>> -> memref<128xi32, #tpu.memory_space<hbm>>
        %dma_wait3A_350 = tpu.memref_slice %arg4[%mul3A_346] : memref<32768xi32, #tpu.memory_space<hbm>> -> memref<128xi32, #tpu.memory_space<hbm>>
        tpu.wait_dma2 semaphore(%run_scoped3A : memref<!tpu.dma_semaphore, #tpu.memory_space<semaphore_mem>>) src(%arg17 : memref<128xi32, #tpu.memory_space<vmem>>) dst(%dma_wait3A_350 : memref<128xi32, #tpu.memory_space<hbm>>)
        tpu.yield
      }) : () -> ()
    }
    %scan3A_49 = arith.constant 8 : i32
    %dma_wait3A = arith.constant 0 : i32
    %dma_wait3A_50 = tpu.memref_slice %arg2[%dma_wait3A] : memref<1966080xf32, #tpu.memory_space<hbm>> -> memref<1920xf32, #tpu.memory_space<hbm>>
    %dma_wait3A_51 = arith.constant 0 : i32
    %dma_wait3A_52 = tpu.memref_slice %arg2[%dma_wait3A_51] : memref<1966080xf32, #tpu.memory_space<hbm>> -> memref<1920xf32, #tpu.memory_space<hbm>>
    tpu.wait_dma2 semaphore(%arg22 : memref<!tpu.dma_semaphore, #tpu.memory_space<semaphore_mem>>) src(%dma_wait3A_52 : memref<1920xf32, #tpu.memory_space<hbm>>) dst(%arg5 : memref<1920xf32, #tpu.memory_space<vmem>>)
    %dma_wait3A_53 = arith.constant 0 : i32
    %dma_wait3A_54 = tpu.memref_slice %arg2[%dma_wait3A_53] : memref<1966080xf32, #tpu.memory_space<hbm>> -> memref<1920xf32, #tpu.memory_space<hbm>>
    %dma_wait3A_55 = arith.constant 0 : i32
    %dma_wait3A_56 = tpu.memref_slice %arg2[%dma_wait3A_55] : memref<1966080xf32, #tpu.memory_space<hbm>> -> memref<1920xf32, #tpu.memory_space<hbm>>
    tpu.wait_dma2 semaphore(%arg23 : memref<!tpu.dma_semaphore, #tpu.memory_space<semaphore_mem>>) src(%dma_wait3A_56 : memref<1920xf32, #tpu.memory_space<hbm>>) dst(%arg6 : memref<1920xf32, #tpu.memory_space<vmem>>)
    %dma_wait3A_57 = arith.constant 0 : i32
    %dma_wait3A_58 = tpu.memref_slice %arg2[%dma_wait3A_57] : memref<1966080xf32, #tpu.memory_space<hbm>> -> memref<1920xf32, #tpu.memory_space<hbm>>
    %dma_wait3A_59 = arith.constant 0 : i32
    %dma_wait3A_60 = tpu.memref_slice %arg2[%dma_wait3A_59] : memref<1966080xf32, #tpu.memory_space<hbm>> -> memref<1920xf32, #tpu.memory_space<hbm>>
    tpu.wait_dma2 semaphore(%arg24 : memref<!tpu.dma_semaphore, #tpu.memory_space<semaphore_mem>>) src(%dma_wait3A_60 : memref<1920xf32, #tpu.memory_space<hbm>>) dst(%arg7 : memref<1920xf32, #tpu.memory_space<vmem>>)
    %dma_wait3A_61 = arith.constant 0 : i32
    %dma_wait3A_62 = tpu.memref_slice %arg2[%dma_wait3A_61] : memref<1966080xf32, #tpu.memory_space<hbm>> -> memref<1920xf32, #tpu.memory_space<hbm>>
    %dma_wait3A_63 = arith.constant 0 : i32
    %dma_wait3A_64 = tpu.memref_slice %arg2[%dma_wait3A_63] : memref<1966080xf32, #tpu.memory_space<hbm>> -> memref<1920xf32, #tpu.memory_space<hbm>>
    tpu.wait_dma2 semaphore(%arg25 : memref<!tpu.dma_semaphore, #tpu.memory_space<semaphore_mem>>) src(%dma_wait3A_64 : memref<1920xf32, #tpu.memory_space<hbm>>) dst(%arg8 : memref<1920xf32, #tpu.memory_space<vmem>>)
    return
  }
}

module attributes {stable_mosaic.version = 14 : i64} {
  func.func @_gm_body(%arg0: i32, %arg1: i32, %arg2: memref<8192x16xf32, #tpu.memory_space<vmem>>, %arg3: memref<16x512xf32, #tpu.memory_space<vmem>>, %arg4: memref<512x128xf32, #tpu.memory_space<vmem>>) attributes {dimension_semantics = [#tpu.dimension_semantics<arbitrary>, #tpu.dimension_semantics<arbitrary>], iteration_bounds = array<i64: 13, 2>, scalar_prefetch = 0 : i64, scratch_operands = 0 : i64, tpu.core_type = #tpu.core_type<tc>, window_params = [{transform_indices = @transform_0, window_bounds = array<i64: 8192, 16>}, {transform_indices = @transform_1, window_bounds = array<i64: 16, 512>}, {transform_indices = @transform_2, window_bounds = array<i64: 512, 128>}]} {
    %get3A = arith.constant 0 : index
    %get3A_0 = arith.constant 0 : index
    %get3A_1 = vector.load %arg2[%get3A, %get3A_0] : memref<8192x16xf32, #tpu.memory_space<vmem>>, vector<8192x16xf32>
    %get3A_2 = arith.constant 0 : index
    %get3A_3 = arith.constant 0 : index
    %get3A_4 = vector.load %arg3[%get3A_2, %get3A_3] : memref<16x512xf32, #tpu.memory_space<vmem>>, vector<16x512xf32>
    %convert_element_type3A = arith.truncf %get3A_1 : vector<8192x16xf32> to vector<8192x16xbf16>
    %convert_element_type3A_5 = arith.extf %convert_element_type3A : vector<8192x16xbf16> to vector<8192x16xf32>
    %sub3A = arith.subf %get3A_1, %convert_element_type3A_5 : vector<8192x16xf32>
    %convert_element_type3A_6 = arith.truncf %sub3A : vector<8192x16xf32> to vector<8192x16xbf16>
    %convert_element_type3A_7 = arith.truncf %get3A_4 : vector<16x512xf32> to vector<16x512xbf16>
    %convert_element_type3A_8 = arith.extf %convert_element_type3A_7 : vector<16x512xbf16> to vector<16x512xf32>
    %sub3A_9 = arith.subf %get3A_4, %convert_element_type3A_8 : vector<16x512xf32>
    %convert_element_type3A_10 = arith.truncf %sub3A_9 : vector<16x512xf32> to vector<16x512xbf16>
    %dot_general3A = arith.constant dense<0.000000e+00> : vector<8192x512xf32>
    %dot_general3A_11 = tpu.matmul %convert_element_type3A, %convert_element_type3A_7, %dot_general3A {dimension_numbers = #tpu.dot_dimension_numbers<[1], [0], [0], [1], [0, 0, 1, 1], [], []>, transpose_lhs_hint = false} : vector<8192x16xbf16>, vector<16x512xbf16>, vector<8192x512xf32> -> vector<8192x512xf32>
    %dot_general3A_12 = arith.constant dense<0.000000e+00> : vector<8192x512xf32>
    %dot_general3A_13 = tpu.matmul %convert_element_type3A, %convert_element_type3A_10, %dot_general3A_12 {dimension_numbers = #tpu.dot_dimension_numbers<[1], [0], [0], [1], [0, 0, 1, 1], [], []>, transpose_lhs_hint = false} : vector<8192x16xbf16>, vector<16x512xbf16>, vector<8192x512xf32> -> vector<8192x512xf32>
    %dot_general3A_14 = arith.constant dense<0.000000e+00> : vector<8192x512xf32>
    %dot_general3A_15 = tpu.matmul %convert_element_type3A_6, %convert_element_type3A_7, %dot_general3A_14 {dimension_numbers = #tpu.dot_dimension_numbers<[1], [0], [0], [1], [0, 0, 1, 1], [], []>, transpose_lhs_hint = false} : vector<8192x16xbf16>, vector<16x512xbf16>, vector<8192x512xf32> -> vector<8192x512xf32>
    %add3A = arith.addf %dot_general3A_13, %dot_general3A_15 : vector<8192x512xf32>
    %add3A_16 = arith.addf %dot_general3A_11, %add3A : vector<8192x512xf32>
    %mul3A = arith.mulf %get3A_1, %get3A_1 : vector<8192x16xf32>
    %reduce_sum3A = arith.constant dense<0.000000e+00> : vector<8192xf32>
    %reduce_sum3A_17 = vector.multi_reduction <add>, %mul3A, %reduce_sum3A [1] : vector<8192x16xf32> to vector<8192xf32>
    %broadcast_in_dim3A = vector.shape_cast %reduce_sum3A_17 : vector<8192xf32> to vector<8192x1xf32>
    %mul3A_18 = arith.constant 2.000000e+00 : f32
    %mul3A_19 = vector.broadcast %mul3A_18 : f32 to vector<8192x512xf32>
    %mul3A_20 = arith.mulf %mul3A_19, %add3A_16 : vector<8192x512xf32>
    %sub3A_21 = vector.broadcast %broadcast_in_dim3A : vector<8192x1xf32> to vector<8192x512xf32>
    %sub3A_22 = arith.subf %sub3A_21, %mul3A_20 : vector<8192x512xf32>
    %reshape3A = vector.shape_cast %sub3A_22 : vector<8192x512xf32> to vector<128x64x512xf32>
    %reduce_min3A = arith.constant dense<0x7F800000> : vector<128x512xf32>
    %reduce_min3A_23 = vector.multi_reduction <minimumf>, %reshape3A, %reduce_min3A [1] : vector<128x64x512xf32> to vector<128x512xf32>
    %transpose3A = tpu.transpose %reduce_min3A_23, [1, 0] : vector<128x512xf32> -> vector<512x128xf32>
    %swap3A = arith.constant 0 : index
    %swap3A_24 = arith.constant 0 : index
    %swap3A_25 = vector.load %arg4[%swap3A, %swap3A_24] : memref<512x128xf32, #tpu.memory_space<vmem>>, vector<512x128xf32>
    tpu.vector_store %arg4[%swap3A, %swap3A_24], %transpose3A {strides = array<i32>} : memref<512x128xf32, #tpu.memory_space<vmem>>, vector<512x128xf32>,
    return
  }
  func.func @transform_0(%arg0: i32, %arg1: i32) -> (i32, i32) {
    %c0_i32 = arith.constant 0 : i32
    %c0_i32_0 = arith.constant 0 : i32
    return %arg0, %c0_i32 : i32, i32
  }
  func.func @transform_1(%arg0: i32, %arg1: i32) -> (i32, i32) {
    %c0_i32 = arith.constant 0 : i32
    %c0_i32_0 = arith.constant 0 : i32
    return %c0_i32, %arg1 : i32, i32
  }
  func.func @transform_2(%arg0: i32, %arg1: i32) -> (i32, i32) {
    %c0_i32 = arith.constant 0 : i32
    return %arg1, %arg0 : i32, i32
  }
}

</mosaic_0001>

<sc_bundles>
// kernel: kernel.4.cloned.1.call-start
scs
__scs_entry_jumppad:
0x0: {  	(pc) =	sbr.rel $0x88, $3  }
0x1: {  	(tag) =	ssettag $0x0;
	lr =	simm.s32 $0x1  }
0x2: {  	[smem:$0x3F9F] =	sst lr;
	_ =	strace $0xD0000000  }
0x3: {  	_ = 	snop  }
0x4: {  	_ = 	snop  }
0x5: {  	_ = 	snop  }
0x6: {  	_ = 	snop  }
0x7: {  	_ = 	snop  }
__scs_overlays_trampoline_lowered:
0x8: {  	[smem:$0x3FAE] =	sst s0  }
0x9: {  	[smem:$0x3FAF] =	sst s1  }
0xa: {  	[smem:$0x3FB0] =	sst s2  }
0xb: {  	[smem:$0x3FB1] =	sst s3  }
0xc: {  	[smem:$0x3FB2] =	sst s4  }
0xd: {  	[smem:$0x3FB3] =	sst s5  }
0xe: {  	[smem:$0x3FB4] =	sst s6  }
0xf: {  	[smem:$0x3FB5] =	sst s7  }
0x10: {  	[smem:$0x3FB6] =	sst s8  }
0x11: {  	[smem:$0x3FB7] =	sst s9;
	s0 =	simm.s32 @!p0 $0x0  }
0x12: {  	s1 =	sld [smem:$0x3F9D];
	s0 =	simm.s32 @p0 $0x1  }
0x13: {  	[smem:$0x3FB8] =	sst s0;
	s0 =	simm.s32 @!p1 $0x0  }
0x14: {  	s2 =	sld [smem:$0x3F9C];
	s0 =	simm.s32 @p1 $0x1  }
0x15: {  	[smem:$0x3FB9] =	sst s0;
	s0 =	simm.s32 @!p2 $0x0  }
0x16: {  	s3 =	sld [smem:$0x3FDB];
	s0 =	simm.s32 @p2 $0x1  }
0x17: {  	s4 =	simm.s32 $0x1BF5;
	[smem:$0x3FBB] =	sst s0  }
0x18: {  	s0 =	sld [smem:$0x3F9E];
	_ =	swait.ge [sflag:s4], $0x0  }
0x19: {  	s7 =	sld [smem:$0x3F9F]  }
0x1a: {  	s8 =	sadd.s32 $0xFFFFE003, lr  }
0x1b: {  	s9 =	sadd.s32 $0xFFFFFEF7, lr;
	s5 =	simm.s32 $0xFFFFFFFF;
	p2 =	slt.u32 s8, $0xFFFFF086  }
0x1c: {  	p1 =	slt.u32 s9, $0xF7A;
	s5 =	simm.s32 @!p2 $0x0  }
0x1d: {  	s5 =	simm.s32 @p1 $0x1;
	p0 =	seq.s32 s7, s2  }
0x1e: {  	s7 =	smul.u32 @!p0 $0xF7A, s2;
	p2 =	seq.s32 @!p0 s5, $0x0  }
0x1f: {  	s9 =	smul.u32 $0xF7A, s1;
	s8 =	simm.s32 @!p0 $0x1BF5;
	p2 =	por !p2, p0  }
0x20: {  	[sflag:s8] =	ssyncset.s32 @!p0 $0xFFFFF086;
	s6 =	sadd.s32 @!p0 s3, s7;
	s7 =	simm.s32 @!p0 $0x108  }
0x21: {  	s3 =	sadd.s32 s3, s9;
	s6 =	sadd.s32 @!p0 $0x88, s6;
	s7 =	simm.s32 @p2 $0x1082  }
0x22: {  	[simem:s7], [sflag:s8] =	dma.local @!p0 [hbm:s6], $0xF7A  }
0x23: {  	s9 =	sor.u32 $0xD0000000, s2;
	s6 =	simm.s32 $0x108;
	_ =	swait.ge @!p0 [sflag:s8], $0x0  }
0x24: {  	s3 =	sadd.s32 $0x88, s3;
	s6 =	simm.s32 @!p1 $0x1082;
	[sflag:s4] =	ssyncset.s32 $0xFFFFF086  }
0x25: {  	[simem:s6], [sflag:s4] =	dma.local [hbm:s3], $0xF7A  }
0x26: {  	[smem:$0x3F9F] =	sst s1;
	(tag) =	ssettag s2;
	_ =	strace s9  }
0x27: {  	s1 =	sld [smem:$0x3FAF]  }
0x28: {  	s2 =	sld [smem:$0x3FB0]  }
0x29: {  	s4 =	sld [smem:$0x3FB2]  }
0x2a: {  	p0 =	seq.s32 s5, $0x0;
	s5 =	sld [smem:$0x3FB3]  }
0x2b: {  	s6 =	sld [smem:$0x3FB4]  }
0x2c: {  	s7 =	sld [smem:$0x3FB5]  }
0x2d: {  	s3 =	simm.s32 $0x108;
	s8 =	sld [smem:$0x3FB6]  }
0x2e: {  	s3 =	simm.s32 @!p0 $0x1082;
	s9 =	sld [smem:$0x3FB7]  }
0x2f: {  	lr =	sadd.s32 s0, s3;
	s0 =	sld [smem:$0x3FAE]  }
0x30: {  	s3 =	sld [smem:$0x3FB1]  }
0x31: {  	[smem:$0x3FBA] =	sst s10  }
0x32: {  	s10 =	sld [smem:$0x3FB8];
	_ =	sdelay $0x3  }
0x33: {  	p0 =	seq.s32 s10, $0x1;
	s10 =	sld [smem:$0x3FBA];
	_ =	sdelay $0x3  }
0x34: {  	[smem:$0x3FBA] =	sst s10  }
0x35: {  	s10 =	sld [smem:$0x3FB9];
	_ =	sdelay $0x3  }
0x36: {  	p1 =	seq.s32 s10, $0x1;
	s10 =	sld [smem:$0x3FBA];
	_ =	sdelay $0x3  }
0x37: {  	[smem:$0x3FBA] =	sst s10  }
0x38: {  	s10 =	sld [smem:$0x3FBB]  }
0x39: {  	_ = 	snop;
	(pc) =	sbr.ind lr, $3  }
0x3a: {  	_ = 	snop  }
0x3b: {  	_ = 	snop  }
0x3c: {  	p2 =	seq.s32 s10, $0x1;
	s10 =	sld [smem:$0x3FBA]  }
0x3d: {  	_ =	shalt  }
0x3e: {  	_ =	shalt  }
0x3f: {  	_ =	shalt  }
0x40: {  	_ =	shalt  }
0x41: {  	_ =	shalt  }
0x42: {  	_ =	shalt  }
0x43: {  	_ =	shalt  }
0x44: {  	_ =	shalt  }
0x45: {  	_ =	shalt  }
0x46: {  	_ =	shalt  }
0x47: {  	_ =	shalt  }
0x48: {  	_ =	shalt  }
0x49: {  	_ =	shalt  }
0x4a: {  	_ =	shalt  }
0x4b: {  	_ =	shalt  }
0x4c: {  	_ =	shalt  }
0x4d: {  	_ =	shalt  }
0x4e: {  	_ =	shalt  }
0x4f: {  	_ =	shalt  }
0x50: {  	_ =	shalt  }
0x51: {  	_ =	shalt  }
0x52: {  	_ =	shalt  }
0x53: {  	_ =	shalt  }
0x54: {  	_ =	shalt  }
0x55: {  	_ =	shalt  }
0x56: {  	_ =	shalt  }
0x57: {  	_ =	shalt  }
0x58: {  	_ =	shalt  }
0x59: {  	_ =	shalt  }
0x5a: {  	_ =	shalt  }
0x5b: {  	_ =	shalt  }
0x5c: {  	_ =	shalt  }
0x5d: {  	_ =	shalt  }
0x5e: {  	_ =	shalt  }
0x5f: {  	_ =	shalt  }
0x60: {  	_ =	shalt  }
0x61: {  	_ =	shalt  }
0x62: {  	_ =	shalt  }
0x63: {  	_ =	shalt  }
0x64: {  	_ =	shalt  }
0x65: {  	_ =	shalt  }
0x66: {  	_ =	shalt  }
0x67: {  	_ =	shalt  }
0x68: {  	_ =	shalt  }
0x69: {  	_ =	shalt  }
0x6a: {  	_ =	shalt  }
0x6b: {  	_ =	shalt  }
0x6c: {  	_ =	shalt  }
0x6d: {  	_ =	shalt  }
0x6e: {  	_ =	shalt  }
0x6f: {  	_ =	shalt  }
0x70: {  	_ =	shalt  }
0x71: {  	_ =	shalt  }
0x72: {  	_ =	shalt  }
0x73: {  	_ =	shalt  }
0x74: {  	_ =	shalt  }
0x75: {  	_ =	shalt  }
0x76: {  	_ =	shalt  }
0x77: {  	_ =	shalt  }
0x78: {  	_ =	shalt  }
0x79: {  	_ =	shalt  }
0x7a: {  	_ =	shalt  }
0x7b: {  	_ =	shalt  }
0x7c: {  	_ =	shalt  }
0x7d: {  	_ =	shalt  }
0x7e: {  	_ =	shalt  }
0x7f: {  	_ =	shalt  }
0x80: {  	_ =	shalt  }
0x81: {  	_ =	shalt  }
0x82: {  	_ =	shalt  }
0x83: {  	_ =	shalt  }
0x84: {  	_ =	shalt  }
0x85: {  	_ =	shalt  }
0x86: {  	_ =	shalt  }
0x87: {  	_ =	shalt  }
.Lfunc_end0:
.L_simem_size_0:
called_computation_lowered:
.L_overlay_start_0:
0x88: {  	s2 =	sld [smem:$0x3FD9]  }
0x89: {  	s3 =	sld [smem:$0x3FFE];
	_ =	sdelay $0x1  }
0x8a: {  	s1 =	srdreg.scid  }
0x8b: {  	s0 =	sand.u32 $0x1, s1  }
0x8c: {  	s16 =	sshll.u32 s0, $0xA;
	s2 =	sadd.s32 s3, s2  }
0x8d: {  	s2 =	sadd.s32 s2, s16  }
0x8e: {  	[smem:$0x3FC6] =	sst s2  }
0x8f: {  	_ = 	snop  }
0x90: {  	(tm) =	ssettm $0x1  }
0x91: {  	s17 =	sld [smem:$0x3FFB];
	_ =	sdelay $0x3  }
0x92: {  	_ =	strace s17  }
0x93: {  	s2 =	sld [smem:$0x3FFC];
	_ =	sdelay $0x3  }
0x94: {  	_ =	strace s2  }
0x95: {  	s2 =	sld [smem:$0x3FFD];
	_ =	sdelay $0x3  }
0x96: {  	_ =	strace s2  }
0x97: {  	_ =	strace $0x8FFFFFFF  }
0x98: {  	s18 =	sld [smem:$0x3FDB];
	_ =	sdelay $0x1  }
0x99: {  	s19 =	simm.s32 $_scs_section_size  }
0x9a: {  	s4 =	simm.s32 $_size__tile_overlayer_lowered;
	s5 =	simm.s32 $_tile_overlayer_lowered  }
0x9b: {  	s22 =	simm.s32 $0x1BFF;
	s21 =	sshll.u32 s5, $0x1;
	s2 =	sadd.s32 s19, s18  }
0x9c: {  	s6 =	simm.s32 $0x0;
	s20 =	sshll.u32 s4, $0x1;
	s4 =	sadd.s32 s21, s2  }
0x9d: {  	[timem:s6], [sflag:s22] =	dma.local [hbm:s4], s20  }
0x9e: {  	_ =	swait.ge [sflag:s22], s20  }
0x9f: {  	s3 =	ssub.s32 $0x0, s20;
	[sflag:s22] =	ssyncset.done $0x0  }
0xa0: {  	[sflag:s22] =	ssyncadd.s32 s3;
	_ =	sdelay $0x1  }
0xa1: {  	s23 =	simm.s32 $0x1B8B  }
0xa2: {  	_ =	swait.ge [sflag:s23], $0x1  }
0xa3: {  	[sflag:s23] =	ssyncset.done $0x0  }
0xa4: {  	s25 =	simm.s32 $0x1B8E;
	s24 =	sld [smem:$0x3FFE];
	[sflag:s23] =	ssyncadd.s32 $0xFFFFFFFF  }
0xa5: {  	s26 =	simm.s32 $execute0_lowered;
	[smem:$0x3FD2] =	sst s25  }
0xa6: {  	s4 =	sshll.u32 s26, $0x1;
	_ =	strace $0x80000046;
	[dreg:$0x1] =	wrdreg $0xFFFFFFFF  }
0xa7: {  	s28 =	simm.s32 $_size_execute0_lowered;
	s2 =	sadd.s32 s2, s4;
	[dreg:$0x0] =	wrdreg $0x0  }
0xa8: {  	s4 =	sshll.u32 s28, $0x1;
	[dreg:$0x2] =	wrdreg s2  }
0xa9: {  	[dreg:$0x3] =	wrdreg s4  }
0xaa: {  	[dreg:$0x4] =	wrdreg $0xC0  }
0xab: {  	_ =	task [dreg:s6], $0x5FFFF  }
0xac: {  	[dreg:$0x1] =	wrdreg $0xFFFFFFFF  }
0xad: {  	[dreg:$0x0] =	wrdreg $0x60  }
0xae: {  	[dreg:$0x2] =	wrdreg s24  }
0xaf: {  	[dreg:$0x3] =	wrdreg $0x9  }
0xb0: {  	_ =	task.clear_ibuf [dreg:s6], $0x4FFFF;
	_ =	strace $0x90000046  }
0xb1: {  	s29 =	simm.s32 $0x9;
	_ =	strace $0x80000048  }
0xb2: {  	_ =	swait.ge [sflag:s29], $0x1  }
0xb3: {  	[sflag:s29] =	ssyncadd.s32 $0xFFFFFFFF  }
0xb4: {  	_ =	strace $0x90000048  }
0xb5: {  	_ =	sfence  }
0xb6: {  	s30 =	sld [smem:$0x0];
	_ =	sdelay $0x2  }
0xb7: {  	s31 =	sshll.u32 s1, $0xD;
	s1 =	sshrl.u32 s1, $0x2  }
0xb8: {  	s3 =	sand.u32 $0x4000, s31;
	s1 =	sadd.s32 s1, s30  }
0xb9: {  	s0 =	sor.u32 s3, s0;
	s1 =	sshll.u32 s1, $0x11  }
0xba: {  	s0 =	sor.u32 s1, s0  }
0xbb: {  	s0 =	sadd.s32 $0x8F2B, s0  }
0xbc: {  	[sflag:s0] =	ssyncadd.remote.s32 $0x1  }
0xbd: {  	_ =	sfence.sel $0xFFFF  }
0xbe: {  	[dreg:$0x0] =	wrdreg $0xFFFFFFFF;
	(pc) =	sbr.abs _section_cstart, $3  }
0xbf: {  	[dreg:$0x1] =	wrdreg $0xFFFFFFFF  }
0xc0: {  	_ =	task.clear_ibuf [dreg:s6], $0x2FFFF;
	_ =	strace $0x9FFFFFFF  }
0xc1: {  	(tm) =	ssettm $0x7FFFFFFF  }
tec
execute0_lowered:
.L_overlay_start_1:
0x0: {  	(tag) =	ssettag $0x1  }
0x1: {  	s0 =	rddreg [dreg:$0x0]  }
0x2: {  	s1 =	srdreg.scid;
	s3 =	stileid.u32  }
0x3: {  	s2 =	simm.s32 $0x0;
	s17 =	simm.s32 $0x1680;
	s18 =	simm.s32 $0x5  }
0x4: {  	s19 =	simm.s32 $0x2000;
	s28 =	simm.s32 $0x6;
	s29 =	simm.s32 $0x6000  }
0x5: {  	s14 =	simm.s32 $0x7;
	s30 =	simm.s32 $0x8;
	s31 =	simm.s32 $0xE000  }
0x6: {  	s22 =	simm.s32 $0x1;
	s1 =	sand.u32 $0x1, s1;
	s3 =	sshll.u32 s3, $0x1  }
0x7: {  	[smem:$0x7FF] =	sst s2;
	s4 =	sadd.s32 $0x600, s0;
	s5 =	sadd.s32 $0x70600, s0  }
0x8: {  	s11 =	sadd.s32 $0x700, s0;
	s12 =	sadd.s32 $0x800, s0;
	s6 =	sor.u32 s1, s3  }
0x9: {  	s13 =	sadd.s32 $0x900, s0;
	s1 =	ssub.s32 $0x2, s1;
	s7 =	smul.u32 $0x1E00, s6  }
0xa: {  	_ =	strace $0x80000047;
	s8 =	sshrl.u32 s1, $0x1;
	s9 =	smul.u32 $0xF000, s6  }
0xb: {  	s3 =	sadd.s32 $0x34600, s0;
	s0 =	simm.s32 $0x9;
	s1 =	ssub.s32 s1, s8  }
0xc: {  	s23 =	sadd.s32 s3, s7;
	s7 =	sshll.u32 s6, $0x5;
	s24 =	sshrl.u32 s9, $0x3  }
0xd: {  	s26 =	smax.u32 s1, $0x1;
	s25 =	sadd.s32 $0xF0, s23;
	[dreg:$0x2] =	wrdreg s23  }
0xe: {  	s8 =	sadd.s32 $0x1E0, s23;
	s6 =	sadd.s32 s3, s24;
	[dreg:$0x6] =	wrdreg s26  }
0xf: {  	v0 =	vlaneseq.u32;
	s23 =	simm.s32 $0x2;
	s24 =	simm.s32 $0x3;
	[dreg:$0x3] =	wrdreg s25  }
0x10: {  	vm0 =	vmmov $0xffff;
	v2 =	vshrl.u32 v0, $0x3;
	[dreg:$0x4] =	wrdreg s8;
	s6 =	sadd.s32 $0x2D0, s6;
	s25 =	simm.s32 $0x4  }
0x11: {  	v1 =	vand.u32 $0x7, v0;
	v3 =	vor.u32 $0x8, v0;
	v2 =	vmul.u32 $0x8, v2;
	s8 =	simm.s32 $0x0;
	[dreg:$0x5] =	wrdreg s6;
	s6 =	simm.s32 $0xA000  }
.LBB2_1:
0x12: {  	[dreg:$0x7] =	wrdreg s8  }
0x13: {  	s1 =	rddreg [dreg:$0x2]  }
0x14: {  	[tilespmem:s2], [sflag:$0x5] =	stream.linear.gather [hbm4b:s1+s2], $0x780, $0x38;
	[tilespmem:$0x12080] =	vst v63  }
0x15: {  	s15 =	rddreg [dreg:$0x3];
	s16 =	simm.s32 $0x780  }
0x16: {  	[tilespmem:s16], [sflag:$0x6] =	stream.linear.gather [hbm4b:s15+s2], $0x780, $0x38;
	[tilespmem:$0x12080] =	vst v63  }
0x17: {  	s20 =	rddreg [dreg:$0x4];
	s21 =	simm.s32 $0xF00  }
0x18: {  	[tilespmem:s21], [sflag:$0x7] =	stream.linear.gather [hbm4b:s20+s2], $0x780, $0x38;
	[tilespmem:$0x12080] =	vst v63  }
0x19: {  	s26 =	rddreg [dreg:$0x5];
	s1 =	simm.s32 $0x0  }
0x1a: {  	[tilespmem:s17], [sflag:$0x8] =	stream.linear.gather [hbm4b:s26+s2], $0x780, $0x38;
	[tilespmem:$0x12080] =	vst v63  }
.LBB2_2:
0x1b: {  	_ =	swait.ge [sflag:s18], $0x780  }
0x1c: {  	[sflag:s18] =	ssyncset.done $0x0  }
0x1d: {  	s9 =	simm.s32 $0x0;
	[sflag:s18] =	ssyncadd.s32 $0xFFFFF880  }
0x1e: {  	v4 =	vld [tilespmem:s9+$0x0];
	_ =	sdelay $0x4  }
0x1f: {  	(xrf0) =	vmin.scan.msk.f32 $0xffff, v4;
	_ =	sdelay $0x5  }
0x20: {  	v5, _, _ =	vpop (xrf0)  }
0x21: {  	(v2sf) =	vpush v5, $0xF;
	_ =	sdelay $0xe  }
0x22: {  	s8 =	simm.f32 $3.000000010e+38;
	s10 =	spop (v2sf)  }
0x23: {  	p0 =	slt.f32 s10, s8;
	_ =	sdelay $0x1  }
0x24: {  	v5 =	vlaneseq.u32 @p0  }
0x25: {  	v6 =	vor.u32 @p0 s9, v5  }
0x26: {  	(xrf1) =	vsort.ascd.msk.f32 @p0 $0xffff, v4, v6;
	_ =	sdelay $0xb  }
0x27: {  	v4 =	vmul.u32 @p0 $0xFFFFFFFF, v5;
	_ =	sdelay $0x1  }
0x28: {  	v4 =	vadd.s32 @p0 $0xF, v4;
	v5, v6, _ =	vpop @p0 (xrf1)  }
0x29: {  	v7 =	vperm.xlane @p0 v5, v4  }
0x2a: {  	v5 =	vimm.f32 $3.000000010e+38;
	v6 =	vperm.xlane @p0 v6, v4  }
0x2b: {  	v4 =	vimm.s32 $0x0;
	vm1 =	vle.f32 @p0 v5, v7  }
0x2c: {  	v7 =	vsel @p0 vm1, v5, v7;
	v6 =	vsel @p0 vm1, v4, v6  }
0x2d: {  	(xrf1) =	vsort.ascd.msk.f32 @p0 $0xffff, v7, v6;
	_ =	sdelay $0x9  }
0x2e: {  	s10 =	simm.s32 $0x10;
	s9 =	simm.s32 $0x10  }
.LBB2_3:
0x2f: {  	v6 =	vld [tilespmem:s9+$0x0];
	s20 =	smov.u32 s10;
	s10 =	sadd.s32 $0x10, s10  }
0x30: {  	p1 =	sne.s32 s10, $0x680;
	_ =	sdelay $0x1  }
0x31: {  	v7, v8, _ =	vpop @p0 (xrf1)  }
0x32: {  	v5 =	vpsel p0, v7, v5;
	v4 =	vpsel p0, v8, v4;
	(xrf0) =	vmax.scan.msk.f32 @p0 $0xffff, v7  }
0x33: {  	(xrf0) =	vmin.scan.msk.f32 $0xffff, v6;
	_ =	sdelay $0x4  }
0x34: {  	v7, _, _ =	vpop @p0 (xrf0)  }
0x35: {  	v8, _, _ =	vpop (xrf0);
	(v2sf) =	vpush @p0 v7, $0xF  }
0x36: {  	(v2sf) =	vpush v8, $0xF;
	_ =	sdelay $0xd  }
0x37: {  	s21 =	spop @p0 (v2sf)  }
0x38: {  	s26 =	spop (v2sf);
	s8 =	smov.u32 @p0 s21  }
0x39: {  	p0 =	slt.f32 s26, s8;
	_ =	sdelay $0x1  }
0x3a: {  	v7 =	vlaneseq.u32 @p0  }
0x3b: {  	v8 =	vor.u32 @p0 s20, v7  }
0x3c: {  	(xrf1) =	vsort.ascd.msk.f32 @p0 $0xffff, v6, v8;
	_ =	sdelay $0xb  }
0x3d: {  	v6 =	vmul.u32 @p0 $0xFFFFFFFF, v7;
	_ =	sdelay $0x1  }
0x3e: {  	v6 =	vadd.s32 @p0 $0xF, v6;
	v7, v8, _ =	vpop @p0 (xrf1)  }
0x3f: {  	v7 =	vperm.xlane @p0 v7, v6  }
0x40: {  	v6 =	vperm.xlane @p0 v8, v6  }
0x41: {  	vm1 =	vle.f32 @p0 v5, v7  }
0x42: {  	v7 =	vsel @p0 vm1, v5, v7;
	v6 =	vsel @p0 vm1, v4, v6  }
0x43: {  	(xrf1) =	vsort.ascd.msk.f32 @p0 $0xffff, v7, v6;
	_ =	sdelay $0x5  }
.Ltmp0:
0x44: {  	(pc) =	sbr.rel @p1 .LBB2_3-.Ltmp0, $2  }
0x45: {  	_ =	sdelay $0x2  }
0x46: {  	s9 =	sadd.s32 $0x10, s9  }
0x47: {  	_ =	sdelay $0x2  }
0x48: {  	v5, v6, _ =	vpop @p0 (xrf1)  }
0x49: {  	v4 =	vpsel p0, v6, v4;
	(xrf0) =	vmax.scan.msk.f32 @p0 $0xffff, v5  }
0x4a: {  	v6 =	vshll.u32 v4, $0x3  }
0x4b: {  	v5 =	vand.u32 $0x7, v4;
	v6 =	vand.u32 $0xFFFFFFC0, v6  }
0x4c: {  	v5 =	vor.u32 v5, v6  }
0x4d: {  	v6 =	vperm.xlane v5, v1;
	_ =	sdelay $0x1  }
0x4e: {  	v6 =	vadd.s32 v2, v6;
	v7, _, _ =	vpop @p0 (xrf0)  }
0x4f: {  	(v2sf) =	vpush @p0 v7, $0xF;
	_ =	sdelay $0x2  }
0x50: {  	s9 =	simm.s32 $0x0;
	[tilespmem:$0x1E00] =	vst v4  }
0x51: {  	[tilespmem:s19], [sflag:$0x1] =	stream.indirect_vreg.gather [hbm4b:s4+s9], $0x80, v6, vm0, $0xb8;
	[tilespmem:$0x12080] =	vst v63  }
0x52: {  	s8 =	simm.s32 $0x2800;
	v4 =	vperm.xlane v5, v3  }
0x53: {  	[tilespmem:s8], [sflag:$0x1] =	stream.indirect_vreg.gather [hbm4b:s11+s9], $0x80, v6, vm0, $0xb8;
	[tilespmem:$0x12080] =	vst v63  }
0x54: {  	s10 =	simm.s32 $0x3000;
	v4 =	vadd.s32 v2, v4  }
0x55: {  	[tilespmem:s10], [sflag:$0x1] =	stream.indirect_vreg.gather [hbm4b:s12+s9], $0x80, v6, vm0, $0xb8;
	[tilespmem:$0x12080] =	vst v63  }
0x56: {  	s15 =	simm.s32 $0x3800  }
0x57: {  	[tilespmem:s15], [sflag:$0x1] =	stream.indirect_vreg.gather [hbm4b:s13+s9], $0x80, v6, vm0, $0xb8;
	[tilespmem:$0x12080] =	vst v63  }
0x58: {  	s16 =	simm.s32 $0x4000  }
0x59: {  	[tilespmem:s16], [sflag:$0x1] =	stream.indirect_vreg.gather [hbm4b:s4+s9], $0x80, v4, vm0, $0xb8;
	[tilespmem:$0x12080] =	vst v63  }
0x5a: {  	s20 =	simm.s32 $0x4800  }
0x5b: {  	[tilespmem:s20], [sflag:$0x1] =	stream.indirect_vreg.gather [hbm4b:s11+s9], $0x80, v4, vm0, $0xb8;
	[tilespmem:$0x12080] =	vst v63  }
0x5c: {  	s21 =	simm.s32 $0x5000;
	s8 =	spop @p0 (v2sf)  }
0x5d: {  	[tilespmem:s21], [sflag:$0x1] =	stream.indirect_vreg.gather [hbm4b:s12+s9], $0x80, v4, vm0, $0xb8;
	[tilespmem:$0x12080] =	vst v63  }
0x5e: {  	s8 =	simm.s32 $0x5800  }
0x5f: {  	[tilespmem:s8], [sflag:$0x1] =	stream.indirect_vreg.gather [hbm4b:s13+s9], $0x80, v4, vm0, $0xb8;
	[tilespmem:$0x12080] =	vst v63  }
0x60: {  	_ =	swait.ge [sflag:s28], $0x780  }
0x61: {  	[sflag:s28] =	ssyncset.done $0x0  }
0x62: {  	s26 =	simm.s32 $0x780;
	[sflag:s28] =	ssyncadd.s32 $0xFFFFF880  }
0x63: {  	v4 =	vld [tilespmem:s26+$0x0];
	_ =	sdelay $0x4  }
0x64: {  	(xrf0) =	vmin.scan.msk.f32 $0xffff, v4;
	_ =	sdelay $0x5  }
0x65: {  	v5, _, _ =	vpop (xrf0)  }
0x66: {  	(v2sf) =	vpush v5, $0xF;
	_ =	sdelay $0xe  }
0x67: {  	s8 =	simm.f32 $3.000000010e+38;
	s10 =	spop (v2sf)  }
0x68: {  	p0 =	slt.f32 s10, s8;
	_ =	sdelay $0x1  }
0x69: {  	v5 =	vlaneseq.u32 @p0  }
0x6a: {  	v6 =	vor.u32 @p0 s9, v5  }
0x6b: {  	(xrf1) =	vsort.ascd.msk.f32 @p0 $0xffff, v4, v6;
	_ =	sdelay $0xb  }
0x6c: {  	v4 =	vmul.u32 @p0 $0xFFFFFFFF, v5;
	_ =	sdelay $0x1  }
0x6d: {  	v4 =	vadd.s32 @p0 $0xF, v4;
	v5, v6, _ =	vpop @p0 (xrf1)  }
0x6e: {  	v7 =	vperm.xlane @p0 v5, v4  }
0x6f: {  	v5 =	vimm.f32 $3.000000010e+38;
	v6 =	vperm.xlane @p0 v6, v4  }
0x70: {  	v4 =	vimm.s32 $0x0;
	vm1 =	vle.f32 @p0 v5, v7  }
0x71: {  	v7 =	vsel @p0 vm1, v5, v7;
	v6 =	vsel @p0 vm1, v4, v6  }
0x72: {  	(xrf1) =	vsort.ascd.msk.f32 @p0 $0xffff, v7, v6;
	_ =	sdelay $0x9  }
0x73: {  	s10 =	simm.s32 $0x790;
	s9 =	simm.s32 $0x10  }
.LBB2_5:
0x74: {  	v6 =	vld [tilespmem:s10+$0x0];
	s20 =	smov.u32 s9;
	s9 =	sadd.s32 $0x10, s9  }
0x75: {  	p1 =	sne.s32 s9, $0x680;
	_ =	sdelay $0x1  }
0x76: {  	v7, v8, _ =	vpop @p0 (xrf1)  }
0x77: {  	v5 =	vpsel p0, v7, v5;
	v4 =	vpsel p0, v8, v4;
	(xrf0) =	vmax.scan.msk.f32 @p0 $0xffff, v7  }
0x78: {  	(xrf0) =	vmin.scan.msk.f32 $0xffff, v6;
	_ =	sdelay $0x4  }
0x79: {  	v7, _, _ =	vpop @p0 (xrf0)  }
0x7a: {  	v8, _, _ =	vpop (xrf0);
	(v2sf) =	vpush @p0 v7, $0xF  }
0x7b: {  	(v2sf) =	vpush v8, $0xF;
	_ =	sdelay $0xd  }
0x7c: {  	s21 =	spop @p0 (v2sf)  }
0x7d: {  	s26 =	spop (v2sf);
	s8 =	smov.u32 @p0 s21  }
0x7e: {  	p0 =	slt.f32 s26, s8;
	_ =	sdelay $0x1  }
0x7f: {  	v7 =	vlaneseq.u32 @p0  }
0x80: {  	v8 =	vor.u32 @p0 s20, v7  }
0x81: {  	(xrf1) =	vsort.ascd.msk.f32 @p0 $0xffff, v6, v8;
	_ =	sdelay $0xb  }
0x82: {  	v6 =	vmul.u32 @p0 $0xFFFFFFFF, v7;
	_ =	sdelay $0x1  }
0x83: {  	v6 =	vadd.s32 @p0 $0xF, v6;
	v7, v8, _ =	vpop @p0 (xrf1)  }
0x84: {  	v7 =	vperm.xlane @p0 v7, v6  }
0x85: {  	v6 =	vperm.xlane @p0 v8, v6  }
0x86: {  	vm1 =	vle.f32 @p0 v5, v7  }
0x87: {  	v7 =	vsel @p0 vm1, v5, v7;
	v6 =	vsel @p0 vm1, v4, v6  }
0x88: {  	(xrf1) =	vsort.ascd.msk.f32 @p0 $0xffff, v7, v6;
	_ =	sdelay $0x5  }
.Ltmp1:
0x89: {  	(pc) =	sbr.rel @p1 .LBB2_5-.Ltmp1, $2  }
0x8a: {  	_ =	sdelay $0x2  }
0x8b: {  	s10 =	sadd.s32 $0x10, s10  }
0x8c: {  	_ =	sdelay $0x2  }
0x8d: {  	v5, v6, _ =	vpop @p0 (xrf1)  }
0x8e: {  	v4 =	vpsel p0, v6, v4;
	(xrf0) =	vmax.scan.msk.f32 @p0 $0xffff, v5  }
0x8f: {  	v6 =	vshll.u32 v4, $0x3  }
0x90: {  	v5 =	vand.u32 $0x7, v4;
	v6 =	vand.u32 $0xFFFFFFC0, v6  }
0x91: {  	v5 =	vor.u32 v5, v6  }
0x92: {  	v6 =	vperm.xlane v5, v1;
	_ =	sdelay $0x1  }
0x93: {  	v6 =	vadd.s32 v2, v6;
	v7, _, _ =	vpop @p0 (xrf0)  }
0x94: {  	(v2sf) =	vpush @p0 v7, $0xF;
	_ =	sdelay $0x2  }
0x95: {  	s9 =	simm.s32 $0x0;
	[tilespmem:$0x1E80] =	vst v4  }
0x96: {  	[tilespmem:s29], [sflag:$0x2] =	stream.indirect_vreg.gather [hbm4b:s4+s9], $0x80, v6, vm0, $0xb8;
	[tilespmem:$0x12080] =	vst v63  }
0x97: {  	s8 =	simm.s32 $0x6800;
	v4 =	vperm.xlane v5, v3  }
0x98: {  	[tilespmem:s8], [sflag:$0x2] =	stream.indirect_vreg.gather [hbm4b:s11+s9], $0x80, v6, vm0, $0xb8;
	[tilespmem:$0x12080] =	vst v63  }
0x99: {  	s10 =	simm.s32 $0x7000;
	v4 =	vadd.s32 v2, v4  }
0x9a: {  	[tilespmem:s10], [sflag:$0x2] =	stream.indirect_vreg.gather [hbm4b:s12+s9], $0x80, v6, vm0, $0xb8;
	[tilespmem:$0x12080] =	vst v63  }
0x9b: {  	s15 =	simm.s32 $0x7800  }
0x9c: {  	[tilespmem:s15], [sflag:$0x2] =	stream.indirect_vreg.gather [hbm4b:s13+s9], $0x80, v6, vm0, $0xb8;
	[tilespmem:$0x12080] =	vst v63  }
0x9d: {  	s16 =	simm.s32 $0x8000  }
0x9e: {  	[tilespmem:s16], [sflag:$0x2] =	stream.indirect_vreg.gather [hbm4b:s4+s9], $0x80, v4, vm0, $0xb8;
	[tilespmem:$0x12080] =	vst v63  }
0x9f: {  	s20 =	simm.s32 $0x8800  }
0xa0: {  	[tilespmem:s20], [sflag:$0x2] =	stream.indirect_vreg.gather [hbm4b:s11+s9], $0x80, v4, vm0, $0xb8;
	[tilespmem:$0x12080] =	vst v63  }
0xa1: {  	s21 =	simm.s32 $0x9000;
	s8 =	spop @p0 (v2sf)  }
0xa2: {  	[tilespmem:s21], [sflag:$0x2] =	stream.indirect_vreg.gather [hbm4b:s12+s9], $0x80, v4, vm0, $0xb8;
	[tilespmem:$0x12080] =	vst v63  }
0xa3: {  	s8 =	simm.s32 $0x9800  }
0xa4: {  	[tilespmem:s8], [sflag:$0x2] =	stream.indirect_vreg.gather [hbm4b:s13+s9], $0x80, v4, vm0, $0xb8;
	[tilespmem:$0x12080] =	vst v63  }
0xa5: {  	_ =	swait.ge [sflag:s14], $0x780  }
0xa6: {  	[sflag:s14] =	ssyncset.done $0x0  }
0xa7: {  	s26 =	simm.s32 $0xF00;
	[sflag:s14] =	ssyncadd.s32 $0xFFFFF880  }
0xa8: {  	v4 =	vld [tilespmem:s26+$0x0];
	_ =	sdelay $0x4  }
0xa9: {  	(xrf0) =	vmin.scan.msk.f32 $0xffff, v4;
	_ =	sdelay $0x5  }
0xaa: {  	v5, _, _ =	vpop (xrf0)  }
0xab: {  	(v2sf) =	vpush v5, $0xF;
	_ =	sdelay $0xe  }
0xac: {  	s8 =	simm.f32 $3.000000010e+38;
	s10 =	spop (v2sf)  }
0xad: {  	p0 =	slt.f32 s10, s8;
	_ =	sdelay $0x1  }
0xae: {  	v5 =	vlaneseq.u32 @p0  }
0xaf: {  	v6 =	vor.u32 @p0 s9, v5  }
0xb0: {  	(xrf1) =	vsort.ascd.msk.f32 @p0 $0xffff, v4, v6;
	_ =	sdelay $0xb  }
0xb1: {  	v4 =	vmul.u32 @p0 $0xFFFFFFFF, v5;
	_ =	sdelay $0x1  }
0xb2: {  	v4 =	vadd.s32 @p0 $0xF, v4;
	v5, v6, _ =	vpop @p0 (xrf1)  }
0xb3: {  	v7 =	vperm.xlane @p0 v5, v4  }
0xb4: {  	v5 =	vimm.f32 $3.000000010e+38;
	v6 =	vperm.xlane @p0 v6, v4  }
0xb5: {  	v4 =	vimm.s32 $0x0;
	vm1 =	vle.f32 @p0 v5, v7  }
0xb6: {  	v7 =	vsel @p0 vm1, v5, v7;
	v6 =	vsel @p0 vm1, v4, v6  }
0xb7: {  	(xrf1) =	vsort.ascd.msk.f32 @p0 $0xffff, v7, v6;
	_ =	sdelay $0x9  }
0xb8: {  	s10 =	simm.s32 $0xF10;
	s9 =	simm.s32 $0x10  }
.LBB2_7:
0xb9: {  	v6 =	vld [tilespmem:s10+$0x0];
	s20 =	smov.u32 s9;
	s9 =	sadd.s32 $0x10, s9  }
0xba: {  	p1 =	sne.s32 s9, $0x680;
	_ =	sdelay $0x1  }
0xbb: {  	v7, v8, _ =	vpop @p0 (xrf1)  }
0xbc: {  	v5 =	vpsel p0, v7, v5;
	v4 =	vpsel p0, v8, v4;
	(xrf0) =	vmax.scan.msk.f32 @p0 $0xffff, v7  }
0xbd: {  	(xrf0) =	vmin.scan.msk.f32 $0xffff, v6;
	_ =	sdelay $0x4  }
0xbe: {  	v7, _, _ =	vpop @p0 (xrf0)  }
0xbf: {  	v8, _, _ =	vpop (xrf0);
	(v2sf) =	vpush @p0 v7, $0xF  }
0xc0: {  	(v2sf) =	vpush v8, $0xF;
	_ =	sdelay $0xd  }
0xc1: {  	s21 =	spop @p0 (v2sf)  }
0xc2: {  	s26 =	spop (v2sf);
	s8 =	smov.u32 @p0 s21  }
0xc3: {  	p0 =	slt.f32 s26, s8;
	_ =	sdelay $0x1  }
0xc4: {  	v7 =	vlaneseq.u32 @p0  }
0xc5: {  	v8 =	vor.u32 @p0 s20, v7  }
0xc6: {  	(xrf1) =	vsort.ascd.msk.f32 @p0 $0xffff, v6, v8;
	_ =	sdelay $0xb  }
0xc7: {  	v6 =	vmul.u32 @p0 $0xFFFFFFFF, v7;
	_ =	sdelay $0x1  }
0xc8: {  	v6 =	vadd.s32 @p0 $0xF, v6;
	v7, v8, _ =	vpop @p0 (xrf1)  }
0xc9: {  	v7 =	vperm.xlane @p0 v7, v6  }
0xca: {  	v6 =	vperm.xlane @p0 v8, v6  }
0xcb: {  	vm1 =	vle.f32 @p0 v5, v7  }
0xcc: {  	v7 =	vsel @p0 vm1, v5, v7;
	v6 =	vsel @p0 vm1, v4, v6  }
0xcd: {  	(xrf1) =	vsort.ascd.msk.f32 @p0 $0xffff, v7, v6;
	_ =	sdelay $0x5  }
.Ltmp2:
0xce: {  	(pc) =	sbr.rel @p1 .LBB2_7-.Ltmp2, $2  }
0xcf: {  	_ =	sdelay $0x2  }
0xd0: {  	s10 =	sadd.s32 $0x10, s10  }
0xd1: {  	_ =	sdelay $0x2  }
0xd2: {  	v5, v6, _ =	vpop @p0 (xrf1)  }
0xd3: {  	v4 =	vpsel p0, v6, v4;
	(xrf0) =	vmax.scan.msk.f32 @p0 $0xffff, v5  }
0xd4: {  	v6 =	vshll.u32 v4, $0x3  }
0xd5: {  	v5 =	vand.u32 $0x7, v4;
	v6 =	vand.u32 $0xFFFFFFC0, v6  }
0xd6: {  	v5 =	vor.u32 v5, v6  }
0xd7: {  	v6 =	vperm.xlane v5, v1;
	_ =	sdelay $0x1  }
0xd8: {  	v6 =	vadd.s32 v2, v6;
	v7, _, _ =	vpop @p0 (xrf0)  }
0xd9: {  	(v2sf) =	vpush @p0 v7, $0xF;
	_ =	sdelay $0x2  }
0xda: {  	s9 =	simm.s32 $0x0;
	[tilespmem:$0x1F00] =	vst v4  }
0xdb: {  	[tilespmem:s6], [sflag:$0x3] =	stream.indirect_vreg.gather [hbm4b:s4+s9], $0x80, v6, vm0, $0xb8;
	[tilespmem:$0x12080] =	vst v63  }
0xdc: {  	s8 =	simm.s32 $0xA800;
	v4 =	vperm.xlane v5, v3  }
0xdd: {  	[tilespmem:s8], [sflag:$0x3] =	stream.indirect_vreg.gather [hbm4b:s11+s9], $0x80, v6, vm0, $0xb8;
	[tilespmem:$0x12080] =	vst v63  }
0xde: {  	s10 =	simm.s32 $0xB000;
	v4 =	vadd.s32 v2, v4  }
0xdf: {  	[tilespmem:s10], [sflag:$0x3] =	stream.indirect_vreg.gather [hbm4b:s12+s9], $0x80, v6, vm0, $0xb8;
	[tilespmem:$0x12080] =	vst v63  }
0xe0: {  	s15 =	simm.s32 $0xB800  }
0xe1: {  	[tilespmem:s15], [sflag:$0x3] =	stream.indirect_vreg.gather [hbm4b:s13+s9], $0x80, v6, vm0, $0xb8;
	[tilespmem:$0x12080] =	vst v63  }
0xe2: {  	s16 =	simm.s32 $0xC000  }
0xe3: {  	[tilespmem:s16], [sflag:$0x3] =	stream.indirect_vreg.gather [hbm4b:s4+s9], $0x80, v4, vm0, $0xb8;
	[tilespmem:$0x12080] =	vst v63  }
0xe4: {  	s20 =	simm.s32 $0xC800  }
0xe5: {  	[tilespmem:s20], [sflag:$0x3] =	stream.indirect_vreg.gather [hbm4b:s11+s9], $0x80, v4, vm0, $0xb8;
	[tilespmem:$0x12080] =	vst v63  }
0xe6: {  	s21 =	simm.s32 $0xD000;
	s8 =	spop @p0 (v2sf)  }
0xe7: {  	[tilespmem:s21], [sflag:$0x3] =	stream.indirect_vreg.gather [hbm4b:s12+s9], $0x80, v4, vm0, $0xb8;
	[tilespmem:$0x12080] =	vst v63  }
0xe8: {  	s8 =	simm.s32 $0xD800  }
0xe9: {  	[tilespmem:s8], [sflag:$0x3] =	stream.indirect_vreg.gather [hbm4b:s13+s9], $0x80, v4, vm0, $0xb8;
	[tilespmem:$0x12080] =	vst v63  }
0xea: {  	_ =	swait.ge [sflag:s30], $0x780  }
0xeb: {  	[sflag:s30] =	ssyncset.done $0x0  }
0xec: {  	s26 =	simm.s32 $0x1680;
	[sflag:s30] =	ssyncadd.s32 $0xFFFFF880  }
0xed: {  	v4 =	vld [tilespmem:s26+$0x0];
	_ =	sdelay $0x4  }
0xee: {  	(xrf0) =	vmin.scan.msk.f32 $0xffff, v4;
	_ =	sdelay $0x5  }
0xef: {  	v5, _, _ =	vpop (xrf0)  }
0xf0: {  	(v2sf) =	vpush v5, $0xF;
	_ =	sdelay $0xe  }
0xf1: {  	s8 =	simm.f32 $3.000000010e+38;
	s10 =	spop (v2sf)  }
0xf2: {  	p0 =	slt.f32 s10, s8;
	_ =	sdelay $0x1  }
0xf3: {  	v5 =	vlaneseq.u32 @p0  }
0xf4: {  	v6 =	vor.u32 @p0 s9, v5  }
0xf5: {  	(xrf1) =	vsort.ascd.msk.f32 @p0 $0xffff, v4, v6;
	_ =	sdelay $0xb  }
0xf6: {  	v4 =	vmul.u32 @p0 $0xFFFFFFFF, v5;
	_ =	sdelay $0x1  }
0xf7: {  	v4 =	vadd.s32 @p0 $0xF, v4;
	v5, v6, _ =	vpop @p0 (xrf1)  }
0xf8: {  	v7 =	vperm.xlane @p0 v5, v4  }
0xf9: {  	v5 =	vimm.f32 $3.000000010e+38;
	v6 =	vperm.xlane @p0 v6, v4  }
0xfa: {  	v4 =	vimm.s32 $0x0;
	vm1 =	vle.f32 @p0 v5, v7  }
0xfb: {  	v7 =	vsel @p0 vm1, v5, v7;
	v6 =	vsel @p0 vm1, v4, v6  }
0xfc: {  	(xrf1) =	vsort.ascd.msk.f32 @p0 $0xffff, v7, v6;
	_ =	sdelay $0x9  }
0xfd: {  	s10 =	simm.s32 $0x1690;
	s9 =	simm.s32 $0x10  }
.LBB2_9:
0xfe: {  	v6 =	vld [tilespmem:s10+$0x0];
	s20 =	smov.u32 s9;
	s9 =	sadd.s32 $0x10, s9  }
0xff: {  	p1 =	sne.s32 s9, $0x680;
	_ =	sdelay $0x1  }
0x100: {  	v7, v8, _ =	vpop @p0 (xrf1)  }
0x101: {  	v5 =	vpsel p0, v7, v5;
	v4 =	vpsel p0, v8, v4;
	(xrf0) =	vmax.scan.msk.f32 @p0 $0xffff, v7  }
0x102: {  	(xrf0) =	vmin.scan.msk.f32 $0xffff, v6;
	_ =	sdelay $0x4  }
0x103: {  	v7, _, _ =	vpop @p0 (xrf0)  }
0x104: {  	v8, _, _ =	vpop (xrf0);
	(v2sf) =	vpush @p0 v7, $0xF  }
0x105: {  	(v2sf) =	vpush v8, $0xF;
	_ =	sdelay $0xd  }
0x106: {  	s21 =	spop @p0 (v2sf)  }
0x107: {  	s26 =	spop (v2sf);
	s8 =	smov.u32 @p0 s21  }
0x108: {  	p0 =	slt.f32 s26, s8;
	_ =	sdelay $0x1  }
0x109: {  	v7 =	vlaneseq.u32 @p0  }
0x10a: {  	v8 =	vor.u32 @p0 s20, v7  }
0x10b: {  	(xrf1) =	vsort.ascd.msk.f32 @p0 $0xffff, v6, v8;
	_ =	sdelay $0xb  }
0x10c: {  	v6 =	vmul.u32 @p0 $0xFFFFFFFF, v7;
	_ =	sdelay $0x1  }
0x10d: {  	v6 =	vadd.s32 @p0 $0xF, v6;
	v7, v8, _ =	vpop @p0 (xrf1)  }
0x10e: {  	v7 =	vperm.xlane @p0 v7, v6  }
0x10f: {  	v6 =	vperm.xlane @p0 v8, v6  }
0x110: {  	vm1 =	vle.f32 @p0 v5, v7  }
0x111: {  	v7 =	vsel @p0 vm1, v5, v7;
	v6 =	vsel @p0 vm1, v4, v6  }
0x112: {  	(xrf1) =	vsort.ascd.msk.f32 @p0 $0xffff, v7, v6;
	_ =	sdelay $0x5  }
.Ltmp3:
0x113: {  	(pc) =	sbr.rel @p1 .LBB2_9-.Ltmp3, $2  }
0x114: {  	_ =	sdelay $0x2  }
0x115: {  	s10 =	sadd.s32 $0x10, s10  }
0x116: {  	_ =	sdelay $0x2  }
0x117: {  	v5, v6, _ =	vpop @p0 (xrf1)  }
0x118: {  	v4 =	vpsel p0, v6, v4;
	(xrf0) =	vmax.scan.msk.f32 @p0 $0xffff, v5  }
0x119: {  	v6 =	vshll.u32 v4, $0x3  }
0x11a: {  	v5 =	vand.u32 $0x7, v4;
	v6 =	vand.u32 $0xFFFFFFC0, v6  }
0x11b: {  	v5 =	vor.u32 v5, v6  }
0x11c: {  	v6 =	vperm.xlane v5, v1;
	_ =	sdelay $0x1  }
0x11d: {  	v6 =	vadd.s32 v2, v6;
	v7, _, _ =	vpop @p0 (xrf0)  }
0x11e: {  	(v2sf) =	vpush @p0 v7, $0xF;
	_ =	sdelay $0x2  }
0x11f: {  	s8 =	simm.s32 $0x0;
	[tilespmem:$0x1F80] =	vst v4  }
0x120: {  	[tilespmem:s31], [sflag:$0x4] =	stream.indirect_vreg.gather [hbm4b:s4+s8], $0x80, v6, vm0, $0xb8;
	[tilespmem:$0x12080] =	vst v63  }
0x121: {  	s9 =	simm.s32 $0xE800;
	v4 =	vperm.xlane v5, v3  }
0x122: {  	[tilespmem:s9], [sflag:$0x4] =	stream.indirect_vreg.gather [hbm4b:s11+s8], $0x80, v6, vm0, $0xb8;
	[tilespmem:$0x12080] =	vst v63  }
0x123: {  	s21 =	simm.s32 $0xF000;
	v4 =	vadd.s32 v2, v4  }
0x124: {  	[tilespmem:s21], [sflag:$0x4] =	stream.indirect_vreg.gather [hbm4b:s12+s8], $0x80, v6, vm0, $0xb8;
	[tilespmem:$0x12080] =	vst v63  }
0x125: {  	s26 =	simm.s32 $0xF800  }
0x126: {  	[tilespmem:s26], [sflag:$0x4] =	stream.indirect_vreg.gather [hbm4b:s13+s8], $0x80, v6, vm0, $0xb8;
	[tilespmem:$0x12080] =	vst v63  }
0x127: {  	s10 =	simm.s32 $0x10000  }
0x128: {  	[tilespmem:s10], [sflag:$0x4] =	stream.indirect_vreg.gather [hbm4b:s4+s8], $0x80, v4, vm0, $0xb8;
	[tilespmem:$0x12080] =	vst v63  }
0x129: {  	s15 =	simm.s32 $0x10800  }
0x12a: {  	[tilespmem:s15], [sflag:$0x4] =	stream.indirect_vreg.gather [hbm4b:s11+s8], $0x80, v4, vm0, $0xb8;
	[tilespmem:$0x12080] =	vst v63  }
0x12b: {  	s16 =	simm.s32 $0x11000;
	s9 =	spop @p0 (v2sf)  }
0x12c: {  	[tilespmem:s16], [sflag:$0x4] =	stream.indirect_vreg.gather [hbm4b:s12+s8], $0x80, v4, vm0, $0xb8;
	[tilespmem:$0x12080] =	vst v63  }
0x12d: {  	s9 =	simm.s32 $0x11800  }
0x12e: {  	[tilespmem:s9], [sflag:$0x4] =	stream.indirect_vreg.gather [hbm4b:s13+s8], $0x80, v4, vm0, $0xb8;
	[tilespmem:$0x12080] =	vst v63  }
0x12f: {  	_ =	swait.ge [sflag:s22], $0x4000  }
0x130: {  	[sflag:s22] =	ssyncset.done $0x0  }
0x131: {  	[sflag:s22] =	ssyncadd.s32 $0xFFFFC000  }
0x132: {  	v21 =	vld [tilespmem:$0x680]  }
0x133: {  	v23 =	vld [tilespmem:$0x690]  }
0x134: {  	v24 =	vld [tilespmem:$0x6A0]  }
0x135: {  	s10 =	sand.u32 $0x3, s8;
	v25 =	vld [tilespmem:$0x6B0]  }
0x136: {  	s20 =	simm.s32 $0x0;
	s21 =	sshll.u32 s10, $0x8;
	v26 =	vld [tilespmem:$0x6C0]  }
0x137: {  	v22 =	vmov s20;
	v5 =	vmov s21;
	v4 =	vmul.u32 $0x80, v0;
	v27 =	vld [tilespmem:$0x6D0]  }
0x138: {  	v7 =	vshll.u32 v22, $0x7;
	v6 =	vshll.u32 v22, $0xA;
	v5 =	vshll.u32 v5, $0x3;
	v29 =	vld [tilespmem:$0x6E0]  }
0x139: {  	v7 =	vand.u32 $0x380, v7;
	v6 =	vand.u32 $0x2000, v6;
	v5 =	vor.u32 v4, v5;
	v30 =	vld [tilespmem:$0x6F0]  }
0x13a: {  	v6 =	vor.u32 v6, v7;
	v7 =	vand.u32 $0x1C00, v5;
	v5 =	vmul.u32 $0x10, v1;
	v31 =	vld [tilespmem:$0x700]  }
0x13b: {  	v28 =	vor.u32 v7, v6;
	v32 =	vld [tilespmem:$0x710]  }
0x13c: {  	v33 =	vld [tilespmem:$0x720];
	v11 =	vor.u32 v5, v28;
	v6 =	vor.u32 $0x1, v5  }
0x13d: {  	v34 =	vld [tilespmem:$0x730];
	v7 =	vor.u32 $0x2, v5;
	v12 =	vor.u32 v6, v28  }
0x13e: {  	v50 =	vld [tilespmem:$0x740];
	v8 =	vor.u32 $0x3, v5;
	v13 =	vor.u32 v7, v28  }
0x13f: {  	v60 =	vld [tilespmem:$0x750];
	v9 =	vor.u32 $0x4, v5;
	v14 =	vor.u32 v8, v28  }
0x140: {  	v61 =	vld [tilespmem:$0x760];
	v10 =	vor.u32 $0x5, v5;
	v15 =	vor.u32 v9, v28  }
0x141: {  	v16 =	vor.u32 v10, v28;
	v35 =	vld.idx.msk [tilespmem:v11+s19+$0x0], $0xffff;
	v11 =	vor.u32 $0x6, v5  }
0x142: {  	v36 =	vld.idx.msk [tilespmem:v12+s19+$0x0], $0xffff;
	v17 =	vor.u32 v11, v28;
	v12 =	vor.u32 $0x7, v5  }
0x143: {  	v37 =	vld.idx.msk [tilespmem:v13+s19+$0x0], $0xffff;
	v13 =	vor.u32 $0x8, v5;
	v18 =	vor.u32 v12, v28  }
0x144: {  	v38 =	vld.idx.msk [tilespmem:v14+s19+$0x0], $0xffff;
	v14 =	vor.u32 $0x9, v5;
	v19 =	vor.u32 v13, v28  }
0x145: {  	v39 =	vld.idx.msk [tilespmem:v15+s19+$0x0], $0xffff;
	v15 =	vor.u32 $0xA, v5;
	v20 =	vor.u32 v14, v28  }
0x146: {  	v40 =	vld.idx.msk [tilespmem:v16+s19+$0x0], $0xffff;
	v16 =	vor.u32 $0xB, v5;
	v41 =	vor.u32 v15, v28  }
0x147: {  	v43 =	vor.u32 v16, v28;
	v42 =	vld.idx.msk [tilespmem:v17+s19+$0x0], $0xffff;
	v17 =	vor.u32 $0xC, v5  }
0x148: {  	v44 =	vld.idx.msk [tilespmem:v18+s19+$0x0], $0xffff;
	v47 =	vor.u32 v17, v28  }
0x149: {  	v45 =	vld.idx.msk [tilespmem:v19+s19+$0x0], $0xffff;
	v18 =	vor.u32 $0xD, v5  }
0x14a: {  	v46 =	vld.idx.msk [tilespmem:v20+s19+$0x0], $0xffff;
	v19 =	vor.u32 $0xE, v5;
	v48 =	vor.u32 v18, v28  }
0x14b: {  	v41 =	vld.idx.msk [tilespmem:v41+s19+$0x0], $0xffff;
	v20 =	vor.u32 $0xF, v5;
	v49 =	vor.u32 v19, v28  }
0x14c: {  	v21 =	vsub.f32 v35, v21;
	v43 =	vld.idx.msk [tilespmem:v43+s19+$0x0], $0xffff;
	v28 =	vor.u32 v20, v28  }
0x14d: {  	v23 =	vsub.f32 v36, v23;
	v24 =	vsub.f32 v37, v24;
	v62 =	vld.idx.msk [tilespmem:v47+s19+$0x0], $0xffff  }
0x14e: {  	v25 =	vsub.f32 v38, v25;
	v26 =	vsub.f32 v39, v26;
	v21 =	vmul.f32 v21, v21;
	v47 =	vld [tilespmem:$0x770]  }
0x14f: {  	v27 =	vsub.f32 v40, v27;
	v23 =	vmul.f32 v23, v23;
	v24 =	vmul.f32 v24, v24;
	v63 =	vld.idx.msk [tilespmem:v48+s19+$0x0], $0xffff  }
0x150: {  	v25 =	vmul.f32 v25, v25;
	v31 =	vsub.f32 v45, v31;
	v32 =	vsub.f32 v46, v32;
	v45 =	vld.idx.msk [tilespmem:v49+s19+$0x0], $0xffff  }
0x151: {  	v26 =	vmul.f32 v26, v26;
	v27 =	vmul.f32 v27, v27;
	v29 =	vsub.f32 v42, v29;
	v28 =	vld.idx.msk [tilespmem:v28+s19+$0x0], $0xffff  }
0x152: {  	v30 =	vsub.f32 v44, v30;
	v31 =	vmul.f32 v31, v31;
	v32 =	vmul.f32 v32, v32  }
0x153: {  	v33 =	vsub.f32 v41, v33;
	v34 =	vsub.f32 v43, v34;
	v29 =	vmul.f32 v29, v29  }
0x154: {  	v30 =	vmul.f32 v30, v30;
	v21 =	vadd.f32 v31, v21;
	v23 =	vadd.f32 v32, v23  }
0x155: {  	v33 =	vmul.f32 v33, v33;
	v37 =	vsub.f32 v62, v50;
	v35 =	vsub.f32 v63, v60  }
0x156: {  	v34 =	vmul.f32 v34, v34;
	v36 =	vsub.f32 v45, v61;
	v28 =	vsub.f32 v28, v47  }
0x157: {  	v24 =	vadd.f32 v33, v24;
	v37 =	vmul.f32 v37, v37;
	v35 =	vmul.f32 v35, v35  }
0x158: {  	v25 =	vadd.f32 v34, v25;
	v36 =	vmul.f32 v36, v36;
	v28 =	vmul.f32 v28, v28  }
0x159: {  	v26 =	vadd.f32 v37, v26;
	v27 =	vadd.f32 v35, v27  }
0x15a: {  	v29 =	vadd.f32 v36, v29;
	v28 =	vadd.f32 v28, v30  }
0x15b: {  	v21 =	vadd.f32 v26, v21;
	v23 =	vadd.f32 v27, v23  }
0x15c: {  	v24 =	vadd.f32 v29, v24;
	v25 =	vadd.f32 v28, v25;
	_ =	sdelay $0x1  }
0x15d: {  	v21 =	vadd.f32 v24, v21;
	v23 =	vadd.f32 v25, v23;
	_ =	sdelay $0x1  }
0x15e: {  	v23 =	vadd.f32 v23, v21;
	_ =	sdelay $0x1  }
0x15f: {  	(xrf0) =	vmin.scan.msk.f32 $0xffff, v23;
	_ =	sdelay $0x5  }
0x160: {  	v21, _, _ =	vpop (xrf0)  }
0x161: {  	(v2sf) =	vpush v21, $0xF;
	_ =	sdelay $0xc  }
0x162: {  	s26 =	simm.s32 $0x1;
	v39 =	vld [tilespmem:$0x720]  }
0x163: {  	s21 =	simm.s32 $0x0;
	s8 =	sand.u32 $0x3, s26;
	v41 =	vld [tilespmem:$0x730]  }
0x164: {  	s9 =	simm.f32 $3.000000010e+38;
	s26 =	sshll.u32 s8, $0x8;
	v31 =	vld [tilespmem:$0x6C0];
	s20 =	spop (v2sf)  }
0x165: {  	v33 =	vld [tilespmem:$0x6F0];
	v27 =	vmov s26;
	v21 =	vmov s21;
	p0 =	slt.f32 s20, s9  }
0x166: {  	v37 =	vld [tilespmem:$0x710];
	v27 =	vshll.u32 v27, $0x3;
	v48 =	vshll.u32 v21, $0xA;
	v49 =	vshll.u32 v21, $0x7  }
0x167: {  	v35 =	vld [tilespmem:$0x700];
	v27 =	vor.u32 v4, v27;
	v29 =	vand.u32 $0x2000, v48;
	v30 =	vand.u32 $0x380, v49;
	s20 =	simm.s32 @p0 $0x1E00  }
0x168: {  	v27 =	vand.u32 $0x1C00, v27;
	v29 =	vor.u32 v29, v30;
	v22 =	vld.idx.msk @p0 [tilespmem:v22+s20+$0x0], $0xffff  }
0x169: {  	v26 =	vld [tilespmem:$0x6A0];
	v27 =	vor.u32 v27, v29  }
0x16a: {  	v28 =	vld [tilespmem:$0x6B0];
	v50 =	vor.u32 v5, v27  }
0x16b: {  	v24 =	vld [tilespmem:$0x680];
	v51 =	vor.u32 v6, v27  }
0x16c: {  	v25 =	vld [tilespmem:$0x690];
	v53 =	vor.u32 v8, v27  }
0x16d: {  	v30 =	vld [tilespmem:$0x6D0];
	v54 =	vor.u32 v9, v27;
	s10 =	sshll.u32 @p0 s10, $0x4;
	v22 =	vshll.u32 @p0 v22, $0x6  }
0x16e: {  	v29 =	vld [tilespmem:$0x6E0];
	v55 =	vor.u32 v10, v27;
	v42 =	vlaneseq.u32 @p0;
	v22 =	vor.u32 @p0 s10, v22  }
0x16f: {  	v56 =	vor.u32 v11, v27;
	v32 =	vld.idx.msk [tilespmem:v50+s19+$0x0], $0xffff;
	v22 =	vor.u32 @p0 v42, v22  }
0x170: {  	v58 =	vor.u32 v13, v27;
	v34 =	vld.idx.msk [tilespmem:v51+s19+$0x0], $0xffff;
	(xrf1) =	vsort.ascd.msk.f32 @p0 $0xffff, v23, v22  }
0x171: {  	v59 =	vor.u32 v14, v27;
	v57 =	vld.idx.msk [tilespmem:v53+s19+$0x0], $0xffff  }
0x172: {  	v60 =	vor.u32 v15, v27;
	v40 =	vld.idx.msk [tilespmem:v54+s19+$0x0], $0xffff  }
0x173: {  	v61 =	vor.u32 v16, v27;
	v43 =	vld.idx.msk [tilespmem:v55+s19+$0x0], $0xffff  }
0x174: {  	v44 =	vld.idx.msk [tilespmem:v56+s19+$0x0], $0xffff  }
0x175: {  	v38 =	vld.idx.msk [tilespmem:v58+s19+$0x0], $0xffff  }
0x176: {  	v52 =	vor.u32 v7, v27;
	v45 =	vld.idx.msk [tilespmem:v59+s19+$0x0], $0xffff  }
0x177: {  	v46 =	vld.idx.msk [tilespmem:v60+s19+$0x0], $0xffff;
	v53 =	vor.u32 v19, v27  }
0x178: {  	v48 =	vimm.f32 $3.000000010e+38;
	v63 =	vld.idx.msk [tilespmem:v61+s19+$0x0], $0xffff  }
0x179: {  	v62 =	vor.u32 v17, v27;
	v54 =	vld [tilespmem:$0x750];
	v24 =	vsub.f32 v32, v24;
	v25 =	vsub.f32 v34, v25  }
0x17a: {  	v55 =	vld [tilespmem:$0x760];
	v28 =	vsub.f32 v57, v28;
	v31 =	vsub.f32 v40, v31;
	v23 =	vor.u32 v12, v27  }
0x17b: {  	v40 =	vimm.s32 $0x0;
	v30 =	vsub.f32 v43, v30;
	v29 =	vsub.f32 v44, v29;
	v22 =	vld.idx.msk [tilespmem:v52+s19+$0x0], $0xffff  }
0x17c: {  	v56 =	vsub.f32 v38, v35;
	v59 =	vld.idx.msk [tilespmem:v53+s19+$0x0], $0xffff;
	v36 =	vmul.u32 @p0 $0xFFFFFFFF, v42;
	v52 =	vor.u32 v18, v27  }
0x17d: {  	v60 =	vld [tilespmem:$0x770];
	v37 =	vsub.f32 v45, v37;
	v39 =	vsub.f32 v46, v39;
	v27 =	vor.u32 v20, v27  }
0x17e: {  	v57 =	vld.idx.msk [tilespmem:v62+s19+$0x0], $0xffff;
	v24 =	vmul.f32 v24, v24;
	v25 =	vmul.f32 v25, v25;
	v36 =	vadd.s32 @p0 $0xF, v36;
	v38, v43, _ =	vpop @p0 (xrf1)  }
0x17f: {  	v32 =	vsub.f32 v63, v41;
	v28 =	vmul.f32 v28, v28;
	v23 =	vld.idx.msk [tilespmem:v23+s19+$0x0], $0xffff;
	v38 =	vperm.xlane @p0 v38, v36  }
0x180: {  	v31 =	vmul.f32 v31, v31;
	v22 =	vsub.f32 v22, v26;
	v26 =	vld [tilespmem:$0x740];
	v36 =	vperm.xlane @p0 v43, v36  }
0x181: {  	v61 =	vmul.f32 v37, v37;
	v63 =	vsub.f32 v59, v55;
	v58 =	vld.idx.msk [tilespmem:v52+s19+$0x0], $0xffff;
	vm1 =	vle.f32 @p0 v48, v38  }
0x182: {  	v32 =	vmul.f32 v32, v32;
	v27 =	vld.idx.msk [tilespmem:v27+s19+$0x0], $0xffff;
	v38 =	vsel @p0 vm1, v48, v38;
	v36 =	vsel @p0 vm1, v40, v36  }
0x183: {  	v29 =	vmul.f32 v29, v29;
	v37 =	vmul.f32 v63, v63;
	(xrf1) =	vsort.ascd.msk.f32 @p0 $0xffff, v38, v36  }
0x184: {  	v30 =	vmul.f32 v30, v30;
	v25 =	vadd.f32 v61, v25;
	v28 =	vadd.f32 v32, v28  }
0x185: {  	v62 =	vmul.f32 v39, v39;
	v29 =	vadd.f32 v37, v29;
	v26 =	vsub.f32 v57, v26  }
0x186: {  	v22 =	vmul.f32 v22, v22;
	v23 =	vsub.f32 v23, v33;
	v34 =	vsub.f32 v58, v54  }
0x187: {  	v33 =	vmul.f32 v56, v56;
	v27 =	vsub.f32 v27, v60;
	v26 =	vmul.f32 v26, v26  }
0x188: {  	v22 =	vadd.f32 v62, v22;
	v23 =	vmul.f32 v23, v23;
	v34 =	vmul.f32 v34, v34  }
0x189: {  	v24 =	vadd.f32 v33, v24;
	v27 =	vmul.f32 v27, v27;
	v26 =	vadd.f32 v26, v31  }
0x18a: {  	v22 =	vadd.f32 v29, v22;
	v30 =	vadd.f32 v34, v30  }
0x18b: {  	v23 =	vadd.f32 v27, v23;
	v24 =	vadd.f32 v26, v24  }
0x18c: {  	v25 =	vadd.f32 v30, v25  }
0x18d: {  	v23 =	vadd.f32 v23, v28;
	v22 =	vadd.f32 v22, v24;
	_ =	sdelay $0x1  }
0x18e: {  	v23 =	vadd.f32 v23, v25;
	_ =	sdelay $0x1  }
0x18f: {  	v24 =	vadd.f32 v23, v22;
	v22, v25, _ =	vpop @p0 (xrf1)  }
0x190: {  	(xrf0) =	vmax.scan.msk.f32 @p0 $0xffff, v22  }
0x191: {  	(xrf0) =	vmin.scan.msk.f32 $0xffff, v24;
	_ =	sdelay $0x4  }
0x192: {  	v23, _, _ =	vpop @p0 (xrf0)  }
0x193: {  	v26, _, _ =	vpop (xrf0);
	(v2sf) =	vpush @p0 v23, $0xF  }
0x194: {  	s10 =	simm.s32 $0x2;
	v23 =	vpsel p0, v22, v48;
	v22 =	vpsel p0, v25, v40;
	(v2sf) =	vpush v26, $0xF  }
.LBB2_11:
0x195: {  	_ =	sdelay $0xc  }
0x196: {  	v25 =	vld [tilespmem:$0x680];
	s20 =	spop @p0 (v2sf)  }
0x197: {  	s21 =	sand.u32 $0x3, s10;
	v26 =	vld [tilespmem:$0x690];
	s26 =	spop (v2sf);
	s9 =	smov.u32 @p0 s20  }
0x198: {  	s15 =	sshll.u32 s21, $0x8;
	s20 =	sshrl.u32 s10, $0x2;
	v27 =	vld [tilespmem:$0x6A0];
	p0 =	slt.f32 s26, s9  }
0x199: {  	v29 =	vmov s15;
	v28 =	vmov s20;
	v30 =	vld [tilespmem:$0x6B0]  }
0x19a: {  	v29 =	vshll.u32 v29, $0x3;
	v31 =	vshll.u32 v28, $0xA;
	v32 =	vshll.u32 v28, $0x7;
	v33 =	vld [tilespmem:$0x6C0];
	s15 =	simm.s32 @p0 $0x1E00  }
0x19b: {  	v29 =	vor.u32 v4, v29;
	v31 =	vand.u32 $0x2000, v31;
	v32 =	vand.u32 $0x380, v32;
	v34 =	vld.idx.msk @p0 [tilespmem:v21+s15+$0x0], $0xffff;
	v21 =	vmovc v28  }
0x19c: {  	v29 =	vand.u32 $0x1C00, v29;
	v28 =	vor.u32 v31, v32;
	v31 =	vld [tilespmem:$0x6D0]  }
0x19d: {  	v28 =	vor.u32 v29, v28;
	v29 =	vld [tilespmem:$0x6E0]  }
0x19e: {  	v32 =	vor.u32 v5, v28;
	v35 =	vld [tilespmem:$0x6F0]  }
0x19f: {  	v36 =	vor.u32 v6, v28;
	v37 =	vld [tilespmem:$0x700]  }
0x1a0: {  	v38 =	vor.u32 v7, v28;
	v39 =	vld [tilespmem:$0x710]  }
0x1a1: {  	s15 =	sshll.u32 @p0 s8, $0x4;
	s8 =	smov.u32 s21;
	v40 =	vor.u32 v8, v28;
	v34 =	vshll.u32 @p0 v34, $0x6;
	v41 =	vld [tilespmem:$0x720]  }
0x1a2: {  	v44 =	vlaneseq.u32 @p0;
	v42 =	vor.u32 v9, v28;
	v34 =	vor.u32 @p0 s15, v34;
	v43 =	vld [tilespmem:$0x730]  }
0x1a3: {  	v45 =	vor.u32 v10, v28;
	v34 =	vor.u32 @p0 v44, v34;
	v32 =	vld.idx.msk [tilespmem:v32+s19+$0x0], $0xffff  }
0x1a4: {  	v46 =	vor.u32 v11, v28;
	v36 =	vld.idx.msk [tilespmem:v36+s19+$0x0], $0xffff;
	(xrf1) =	vsort.ascd.msk.f32 @p0 $0xffff, v24, v34  }
0x1a5: {  	v34 =	vor.u32 v12, v28;
	v24 =	vld.idx.msk [tilespmem:v38+s19+$0x0], $0xffff  }
0x1a6: {  	v38 =	vld.idx.msk [tilespmem:v40+s19+$0x0], $0xffff;
	v40 =	vor.u32 v13, v28  }
0x1a7: {  	v47 =	vor.u32 v14, v28;
	v42 =	vld.idx.msk [tilespmem:v42+s19+$0x0], $0xffff  }
0x1a8: {  	v48 =	vor.u32 v15, v28;
	v45 =	vld.idx.msk [tilespmem:v45+s19+$0x0], $0xffff  }
0x1a9: {  	s10 =	sadd.s32 $0x1, s10;
	v49 =	vor.u32 v16, v28;
	v46 =	vld.idx.msk [tilespmem:v46+s19+$0x0], $0xffff  }
0x1aa: {  	p1 =	sne.s32 s10, $0x40;
	v34 =	vld.idx.msk [tilespmem:v34+s19+$0x0], $0xffff  }
0x1ab: {  	v40 =	vld.idx.msk [tilespmem:v40+s19+$0x0], $0xffff  }
0x1ac: {  	v47 =	vld.idx.msk [tilespmem:v47+s19+$0x0], $0xffff  }
0x1ad: {  	v50 =	vor.u32 v17, v28;
	v48 =	vld.idx.msk [tilespmem:v48+s19+$0x0], $0xffff  }
0x1ae: {  	v51 =	vor.u32 v19, v28;
	v25 =	vsub.f32 v32, v25;
	v32 =	vld.idx.msk [tilespmem:v49+s19+$0x0], $0xffff;
	v49 =	vor.u32 v18, v28  }
0x1af: {  	v26 =	vsub.f32 v36, v26;
	v24 =	vsub.f32 v24, v27;
	v28 =	vor.u32 v20, v28;
	v27 =	vld [tilespmem:$0x740]  }
0x1b0: {  	v30 =	vsub.f32 v38, v30;
	v38 =	vmul.u32 @p0 $0xFFFFFFFF, v44;
	v33 =	vsub.f32 v42, v33;
	v36 =	vld [tilespmem:$0x750]  }
0x1b1: {  	v31 =	vsub.f32 v45, v31;
	v29 =	vsub.f32 v46, v29;
	v42 =	vld [tilespmem:$0x760]  }
0x1b2: {  	v38 =	vadd.s32 @p0 $0xF, v38;
	v34 =	vsub.f32 v34, v35;
	v35 =	vsub.f32 v40, v37;
	v37 =	vld.idx.msk [tilespmem:v50+s19+$0x0], $0xffff;
	v40, v44, _ =	vpop @p0 (xrf1)  }
0x1b3: {  	v39 =	vsub.f32 v47, v39;
	v41 =	vsub.f32 v48, v41;
	v45 =	vld.idx.msk [tilespmem:v49+s19+$0x0], $0xffff;
	v40 =	vperm.xlane @p0 v40, v38  }
0x1b4: {  	v25 =	vmul.f32 v25, v25;
	v32 =	vsub.f32 v32, v43;
	v38 =	vperm.xlane @p0 v44, v38;
	v43 =	vld.idx.msk [tilespmem:v51+s19+$0x0], $0xffff  }
0x1b5: {  	v26 =	vmul.f32 v26, v26;
	v24 =	vmul.f32 v24, v24;
	v28 =	vld.idx.msk [tilespmem:v28+s19+$0x0], $0xffff;
	vm1 =	vle.f32 @p0 v23, v40  }
0x1b6: {  	v30 =	vmul.f32 v30, v30;
	v44 =	vld [tilespmem:$0x770];
	v40 =	vsel @p0 vm1, v23, v40;
	v38 =	vsel @p0 vm1, v22, v38  }
0x1b7: {  	v33 =	vmul.f32 v33, v33;
	v31 =	vmul.f32 v31, v31;
	(xrf1) =	vsort.ascd.msk.f32 @p0 $0xffff, v40, v38  }
0x1b8: {  	v29 =	vmul.f32 v29, v29;
	v34 =	vmul.f32 v34, v34;
	v27 =	vsub.f32 v37, v27  }
0x1b9: {  	v35 =	vmul.f32 v35, v35;
	v37 =	vmul.f32 v39, v39;
	v36 =	vsub.f32 v45, v36  }
0x1ba: {  	v32 =	vmul.f32 v32, v32;
	v38 =	vmul.f32 v41, v41;
	v39 =	vsub.f32 v43, v42  }
0x1bb: {  	v27 =	vmul.f32 v27, v27;
	v36 =	vmul.f32 v36, v36;
	v28 =	vsub.f32 v28, v44  }
0x1bc: {  	v25 =	vadd.f32 v35, v25;
	v26 =	vadd.f32 v37, v26;
	v39 =	vmul.f32 v39, v39  }
0x1bd: {  	v30 =	vadd.f32 v32, v30;
	v24 =	vadd.f32 v38, v24;
	v28 =	vmul.f32 v28, v28  }
0x1be: {  	v27 =	vadd.f32 v27, v33;
	v31 =	vadd.f32 v36, v31  }
0x1bf: {  	v29 =	vadd.f32 v39, v29;
	v28 =	vadd.f32 v28, v34  }
0x1c0: {  	v25 =	vadd.f32 v27, v25;
	v26 =	vadd.f32 v31, v26  }
0x1c1: {  	v24 =	vadd.f32 v29, v24;
	v27 =	vadd.f32 v28, v30;
	_ =	sdelay $0x1  }
0x1c2: {  	v24 =	vadd.f32 v24, v25;
	v27 =	vadd.f32 v27, v26;
	_ =	sdelay $0x1  }
0x1c3: {  	v24 =	vadd.f32 v27, v24;
	v25, v26, _ =	vpop @p0 (xrf1)  }
0x1c4: {  	v23 =	vpsel p0, v25, v23;
	v22 =	vpsel p0, v26, v22;
	(xrf0) =	vmax.scan.msk.f32 @p0 $0xffff, v25  }
0x1c5: {  	(xrf0) =	vmin.scan.msk.f32 $0xffff, v24;
	_ =	sdelay $0x2  }
.Ltmp4:
0x1c6: {  	(pc) =	sbr.rel @p1 .LBB2_11-.Ltmp4, $4  }
0x1c7: {  	_ = 	snop  }
0x1c8: {  	v25, _, _ =	vpop @p0 (xrf0)  }
0x1c9: {  	v26, _, _ =	vpop (xrf0);
	(v2sf) =	vpush @p0 v25, $0xF  }
0x1ca: {  	(v2sf) =	vpush v26, $0xF  }
0x1cb: {  	_ =	sdelay $0xc  }
0x1cc: {  	s10 =	spop @p0 (v2sf)  }
0x1cd: {  	s15 =	spop (v2sf);
	s9 =	smov.u32 @p0 s10  }
0x1ce: {  	p0 =	slt.f32 s15, s9;
	_ =	sdelay $0x1  }
0x1cf: {  	s9 =	simm.s32 @p0 $0x1E00  }
0x1d0: {  	v21 =	vld.idx.msk @p0 [tilespmem:v21+s9+$0x0], $0xffff;
	_ =	sdelay $0x4  }
0x1d1: {  	s8 =	sshll.u32 @p0 s8, $0x4;
	v21 =	vshll.u32 @p0 v21, $0x6  }
0x1d2: {  	v25 =	vlaneseq.u32 @p0;
	v21 =	vor.u32 @p0 s8, v21  }
0x1d3: {  	v21 =	vor.u32 @p0 v25, v21  }
0x1d4: {  	(xrf1) =	vsort.ascd.msk.f32 @p0 $0xffff, v24, v21;
	_ =	sdelay $0xb  }
0x1d5: {  	v21 =	vmul.u32 @p0 $0xFFFFFFFF, v25;
	_ =	sdelay $0x1  }
0x1d6: {  	v21 =	vadd.s32 @p0 $0xF, v21;
	v24, v25, _ =	vpop @p0 (xrf1)  }
0x1d7: {  	v24 =	vperm.xlane @p0 v24, v21  }
0x1d8: {  	v21 =	vperm.xlane @p0 v25, v21  }
0x1d9: {  	vm1 =	vle.f32 @p0 v23, v24  }
0x1da: {  	v24 =	vsel @p0 vm1, v23, v24;
	v21 =	vsel @p0 vm1, v22, v21  }
0x1db: {  	(xrf1) =	vsort.ascd.msk.f32 @p0 $0xffff, v24, v21;
	_ =	sdelay $0xd  }
0x1dc: {  	v21, v24, _ =	vpop @p0 (xrf1)  }
0x1dd: {  	v23 =	vpsel p0, v21, v23  }
0x1de: {  	v25 =	vshra.s32 v23, $0x1  }
0x1df: {  	v25 =	vadd.s32 $0x1FBD1DF6, v25  }
0x1e0: {  	(erf) = vrcp.f32 v25;
	_ =	sdelay $0x8  }
0x1e1: {  	v26 =	vpop (erf)  }
0x1e2: {  	v26 =	vmul.f32 v26, v23;
	_ =	sdelay $0x1  }
0x1e3: {  	v25 =	vadd.f32 v25, v26;
	_ =	sdelay $0x1  }
0x1e4: {  	v25 =	vmul.f32 $5.000000000e-01, v25;
	_ =	sdelay $0x1  }
0x1e5: {  	(erf) = vrcp.f32 v25;
	_ =	sdelay $0x8  }
0x1e6: {  	(xrf0) =	vmax.scan.msk.f32 @p0 $0xffff, v21;
	v26 =	vpop (erf)  }
0x1e7: {  	v26 =	vmul.f32 v26, v23;
	_ =	sdelay $0x1  }
0x1e8: {  	v21 =	vadd.f32 v26, v25;
	_ =	sdelay $0x1  }
0x1e9: {  	v21 =	vmul.f32 $5.000000000e-01, v21  }
0x1ea: {  	v25, _, _ =	vpop @p0 (xrf0)  }
0x1eb: {  	(v2sf) =	vpush @p0 v25, $0xF;
	(erf) = vrcp.f32 v21;
	_ =	sdelay $0x8  }
0x1ec: {  	v25 =	vpop (erf)  }
0x1ed: {  	s8 =	sshll.u32 s1, $0x2;
	v23 =	vmul.f32 v25, v23  }
0x1ee: {  	s21 =	sadd.s32 $0x4, s8  }
0x1ef: {  	s9 =	sand.u32 $0x1C, s21;
	v21 =	vadd.f32 v23, v21  }
0x1f0: {  	s9 =	sor.u32 s7, s9  }
0x1f1: {  	s9 =	smul.u32 $0xF0, s9;
	v22 =	vpsel p0, v24, v22;
	v21 =	vmul.f32 $5.000000000e-01, v21  }
0x1f2: {  	[tilespmem:$0x12010] =	vst v22;
	s10 =	spop @p0 (v2sf)  }
0x1f3: {  	s9 =	sadd.s32 s3, s9;
	s10 =	simm.s32 $0x0;
	[tilespmem:$0x12000] =	vst v21  }
0x1f4: {  	[tilespmem:s10], [sflag:$0x5] =	stream.linear.gather [hbm4b:s9+s10], $0x780, $0x38;
	[tilespmem:$0x12080] =	vst v63  }
0x1f5: {  	_ =	swait.ge [sflag:s23], $0x4000  }
0x1f6: {  	[sflag:s23] =	ssyncset.done $0x0  }
0x1f7: {  	[sflag:s23] =	ssyncadd.s32 $0xFFFFC000  }
0x1f8: {  	v21 =	vld [tilespmem:$0xE00]  }
0x1f9: {  	v22 =	vld [tilespmem:$0xE10]  }
0x1fa: {  	v23 =	vld [tilespmem:$0xE20]  }
0x1fb: {  	s20 =	sand.u32 $0x3, s10;
	v26 =	vld [tilespmem:$0xE30]  }
0x1fc: {  	s26 =	simm.s32 $0x0;
	s10 =	sshll.u32 s20, $0x8;
	v29 =	vld [tilespmem:$0xE40]  }
0x1fd: {  	v24 =	vmov s26;
	v25 =	vmov s10;
	v58 =	vld [tilespmem:$0xE50]  }
0x1fe: {  	v27 =	vshll.u32 v24, $0xA;
	v28 =	vshll.u32 v24, $0x7;
	v25 =	vshll.u32 v25, $0x3;
	v31 =	vld [tilespmem:$0xE70]  }
0x1ff: {  	v27 =	vand.u32 $0x2000, v27;
	v28 =	vand.u32 $0x380, v28;
	v25 =	vor.u32 v4, v25;
	v33 =	vld [tilespmem:$0xE80]  }
0x200: {  	v27 =	vor.u32 v27, v28;
	v25 =	vand.u32 $0x1C00, v25;
	v35 =	vld [tilespmem:$0xE90]  }
0x201: {  	v37 =	vld [tilespmem:$0xEA0];
	v25 =	vor.u32 v25, v27  }
0x202: {  	v39 =	vld [tilespmem:$0xEB0];
	v30 =	vor.u32 v5, v25  }
0x203: {  	v50 =	vld [tilespmem:$0xEC0];
	v32 =	vor.u32 v6, v25  }
0x204: {  	v59 =	vld [tilespmem:$0xED0];
	v34 =	vor.u32 v7, v25  }
0x205: {  	v60 =	vld [tilespmem:$0xEE0];
	v36 =	vor.u32 v8, v25  }
0x206: {  	v27 =	vld [tilespmem:$0xE60];
	v38 =	vor.u32 v9, v25  }
0x207: {  	v40 =	vor.u32 v10, v25;
	v30 =	vld.idx.msk [tilespmem:v30+s29+$0x0], $0xffff  }
0x208: {  	v41 =	vor.u32 v11, v25;
	v32 =	vld.idx.msk [tilespmem:v32+s29+$0x0], $0xffff  }
0x209: {  	v42 =	vor.u32 v12, v25;
	v34 =	vld.idx.msk [tilespmem:v34+s29+$0x0], $0xffff  }
0x20a: {  	v43 =	vor.u32 v13, v25;
	v36 =	vld.idx.msk [tilespmem:v36+s29+$0x0], $0xffff  }
0x20b: {  	v44 =	vor.u32 v14, v25;
	v38 =	vld.idx.msk [tilespmem:v38+s29+$0x0], $0xffff  }
0x20c: {  	v45 =	vor.u32 v15, v25;
	v40 =	vld.idx.msk [tilespmem:v40+s29+$0x0], $0xffff  }
0x20d: {  	v46 =	vor.u32 v16, v25;
	v41 =	vld.idx.msk [tilespmem:v41+s29+$0x0], $0xffff  }
0x20e: {  	v47 =	vor.u32 v17, v25;
	v42 =	vld.idx.msk [tilespmem:v42+s29+$0x0], $0xffff  }
0x20f: {  	v48 =	vor.u32 v18, v25;
	v43 =	vld.idx.msk [tilespmem:v43+s29+$0x0], $0xffff  }
0x210: {  	v49 =	vor.u32 v19, v25;
	v44 =	vld.idx.msk [tilespmem:v44+s29+$0x0], $0xffff  }
0x211: {  	v25 =	vor.u32 v20, v25;
	v45 =	vld.idx.msk [tilespmem:v45+s29+$0x0], $0xffff;
	v21 =	vsub.f32 v30, v21  }
0x212: {  	v46 =	vld.idx.msk [tilespmem:v46+s29+$0x0], $0xffff;
	v22 =	vsub.f32 v32, v22;
	v23 =	vsub.f32 v34, v23  }
0x213: {  	v61 =	vld.idx.msk [tilespmem:v47+s29+$0x0], $0xffff;
	v26 =	vsub.f32 v36, v26;
	v29 =	vsub.f32 v38, v29  }
0x214: {  	v62 =	vld.idx.msk [tilespmem:v48+s29+$0x0], $0xffff;
	v28 =	vsub.f32 v40, v58;
	v27 =	vsub.f32 v41, v27  }
0x215: {  	v63 =	vld.idx.msk [tilespmem:v49+s29+$0x0], $0xffff;
	v31 =	vsub.f32 v42, v31;
	v33 =	vsub.f32 v43, v33  }
0x216: {  	v25 =	vld.idx.msk [tilespmem:v25+s29+$0x0], $0xffff;
	v35 =	vsub.f32 v44, v35;
	v21 =	vmul.f32 v21, v21;
	v22 =	vmul.f32 v22, v22  }
0x217: {  	v37 =	vsub.f32 v45, v37;
	v45 =	vld [tilespmem:$0xEF0];
	v23 =	vmul.f32 v23, v23;
	v26 =	vmul.f32 v26, v26  }
0x218: {  	v39 =	vsub.f32 v46, v39;
	v29 =	vmul.f32 v29, v29;
	v28 =	vmul.f32 v28, v28  }
0x219: {  	v34 =	vsub.f32 v61, v50;
	v27 =	vmul.f32 v27, v27;
	v31 =	vmul.f32 v31, v31  }
0x21a: {  	v30 =	vsub.f32 v62, v59;
	v33 =	vmul.f32 v33, v33;
	v35 =	vmul.f32 v35, v35  }
0x21b: {  	v32 =	vsub.f32 v63, v60;
	v46 =	vmul.f32 v37, v37;
	v47 =	vmul.f32 v39, v39  }
0x21c: {  	v34 =	vmul.f32 v34, v34;
	v30 =	vmul.f32 v30, v30;
	v25 =	vsub.f32 v25, v45  }
0x21d: {  	v32 =	vmul.f32 v32, v32;
	v21 =	vadd.f32 v33, v21;
	v22 =	vadd.f32 v35, v22  }
0x21e: {  	v23 =	vadd.f32 v46, v23;
	v26 =	vadd.f32 v47, v26;
	v25 =	vmul.f32 v25, v25  }
0x21f: {  	v29 =	vadd.f32 v34, v29;
	v28 =	vadd.f32 v30, v28  }
0x220: {  	v27 =	vadd.f32 v32, v27;
	v25 =	vadd.f32 v25, v31  }
0x221: {  	v21 =	vadd.f32 v29, v21;
	v22 =	vadd.f32 v28, v22  }
0x222: {  	v23 =	vadd.f32 v27, v23;
	v25 =	vadd.f32 v25, v26;
	_ =	sdelay $0x1  }
0x223: {  	v21 =	vadd.f32 v23, v21;
	v22 =	vadd.f32 v25, v22;
	_ =	sdelay $0x1  }
0x224: {  	v22 =	vadd.f32 v22, v21;
	_ =	sdelay $0x1  }
0x225: {  	(xrf0) =	vmin.scan.msk.f32 $0xffff, v22;
	_ =	sdelay $0x5  }
0x226: {  	v21, _, _ =	vpop (xrf0)  }
0x227: {  	(v2sf) =	vpush v21, $0xF;
	_ =	sdelay $0xc  }
0x228: {  	s15 =	simm.s32 $0x1;
	v41 =	vld [tilespmem:$0xEB0]  }
0x229: {  	s21 =	simm.s32 $0x0;
	s9 =	sand.u32 $0x3, s15;
	v37 =	vld [tilespmem:$0xE90]  }
0x22a: {  	s10 =	simm.f32 $3.000000010e+38;
	s26 =	sshll.u32 s9, $0x8;
	v39 =	vld [tilespmem:$0xEA0];
	s16 =	spop (v2sf)  }
0x22b: {  	v33 =	vld [tilespmem:$0xE70];
	v27 =	vmov s26;
	v21 =	vmov s21;
	p0 =	slt.f32 s16, s10  }
0x22c: {  	v35 =	vld [tilespmem:$0xE80];
	v27 =	vshll.u32 v27, $0x3;
	v48 =	vshll.u32 v21, $0xA;
	v49 =	vshll.u32 v21, $0x7  }
0x22d: {  	v28 =	vld [tilespmem:$0xE30];
	v27 =	vor.u32 v4, v27;
	v29 =	vand.u32 $0x2000, v48;
	v30 =	vand.u32 $0x380, v49;
	s15 =	simm.s32 @p0 $0x1E80  }
0x22e: {  	v27 =	vand.u32 $0x1C00, v27;
	v29 =	vor.u32 v29, v30;
	v24 =	vld.idx.msk @p0 [tilespmem:v24+s15+$0x0], $0xffff  }
0x22f: {  	v23 =	vld [tilespmem:$0xE00];
	v27 =	vor.u32 v27, v29  }
0x230: {  	v31 =	vld [tilespmem:$0xE40];
	v50 =	vor.u32 v5, v27  }
0x231: {  	v26 =	vld [tilespmem:$0xE20];
	v51 =	vor.u32 v6, v27  }
0x232: {  	v25 =	vld [tilespmem:$0xE10];
	v53 =	vor.u32 v8, v27  }
0x233: {  	v30 =	vld [tilespmem:$0xE50];
	v54 =	vor.u32 v9, v27;
	s15 =	sshll.u32 @p0 s20, $0x4;
	v24 =	vshll.u32 @p0 v24, $0x6  }
0x234: {  	v29 =	vld [tilespmem:$0xE60];
	v55 =	vor.u32 v10, v27;
	v42 =	vlaneseq.u32 @p0;
	v24 =	vor.u32 @p0 s15, v24  }
0x235: {  	v56 =	vor.u32 v11, v27;
	v32 =	vld.idx.msk [tilespmem:v50+s29+$0x0], $0xffff;
	v24 =	vor.u32 @p0 v42, v24  }
0x236: {  	v58 =	vor.u32 v13, v27;
	v34 =	vld.idx.msk [tilespmem:v51+s29+$0x0], $0xffff;
	(xrf1) =	vsort.ascd.msk.f32 @p0 $0xffff, v22, v24  }
0x237: {  	v59 =	vor.u32 v14, v27;
	v57 =	vld.idx.msk [tilespmem:v53+s29+$0x0], $0xffff  }
0x238: {  	v60 =	vor.u32 v15, v27;
	v40 =	vld.idx.msk [tilespmem:v54+s29+$0x0], $0xffff  }
0x239: {  	v61 =	vor.u32 v16, v27;
	v43 =	vld.idx.msk [tilespmem:v55+s29+$0x0], $0xffff  }
0x23a: {  	v44 =	vld.idx.msk [tilespmem:v56+s29+$0x0], $0xffff  }
0x23b: {  	v38 =	vld.idx.msk [tilespmem:v58+s29+$0x0], $0xffff  }
0x23c: {  	v52 =	vor.u32 v7, v27;
	v45 =	vld.idx.msk [tilespmem:v59+s29+$0x0], $0xffff  }
0x23d: {  	v46 =	vld.idx.msk [tilespmem:v60+s29+$0x0], $0xffff;
	v53 =	vor.u32 v19, v27  }
0x23e: {  	v48 =	vimm.f32 $3.000000010e+38;
	v63 =	vld.idx.msk [tilespmem:v61+s29+$0x0], $0xffff  }
0x23f: {  	v62 =	vor.u32 v17, v27;
	v54 =	vld [tilespmem:$0xED0];
	v23 =	vsub.f32 v32, v23;
	v25 =	vsub.f32 v34, v25  }
0x240: {  	v55 =	vld [tilespmem:$0xEE0];
	v28 =	vsub.f32 v57, v28;
	v31 =	vsub.f32 v40, v31;
	v24 =	vor.u32 v12, v27  }
0x241: {  	v40 =	vimm.s32 $0x0;
	v30 =	vsub.f32 v43, v30;
	v29 =	vsub.f32 v44, v29;
	v22 =	vld.idx.msk [tilespmem:v52+s29+$0x0], $0xffff  }
0x242: {  	v56 =	vsub.f32 v38, v35;
	v59 =	vld.idx.msk [tilespmem:v53+s29+$0x0], $0xffff;
	v36 =	vmul.u32 @p0 $0xFFFFFFFF, v42;
	v52 =	vor.u32 v18, v27  }
0x243: {  	v60 =	vld [tilespmem:$0xEF0];
	v37 =	vsub.f32 v45, v37;
	v39 =	vsub.f32 v46, v39;
	v27 =	vor.u32 v20, v27  }
0x244: {  	v57 =	vld.idx.msk [tilespmem:v62+s29+$0x0], $0xffff;
	v23 =	vmul.f32 v23, v23;
	v25 =	vmul.f32 v25, v25;
	v36 =	vadd.s32 @p0 $0xF, v36;
	v38, v43, _ =	vpop @p0 (xrf1)  }
0x245: {  	v32 =	vsub.f32 v63, v41;
	v28 =	vmul.f32 v28, v28;
	v24 =	vld.idx.msk [tilespmem:v24+s29+$0x0], $0xffff;
	v38 =	vperm.xlane @p0 v38, v36  }
0x246: {  	v31 =	vmul.f32 v31, v31;
	v22 =	vsub.f32 v22, v26;
	v26 =	vld [tilespmem:$0xEC0];
	v36 =	vperm.xlane @p0 v43, v36  }
0x247: {  	v61 =	vmul.f32 v37, v37;
	v63 =	vsub.f32 v59, v55;
	v58 =	vld.idx.msk [tilespmem:v52+s29+$0x0], $0xffff;
	vm1 =	vle.f32 @p0 v48, v38  }
0x248: {  	v32 =	vmul.f32 v32, v32;
	v27 =	vld.idx.msk [tilespmem:v27+s29+$0x0], $0xffff;
	v38 =	vsel @p0 vm1, v48, v38;
	v36 =	vsel @p0 vm1, v40, v36  }
0x249: {  	v29 =	vmul.f32 v29, v29;
	v37 =	vmul.f32 v63, v63;
	(xrf1) =	vsort.ascd.msk.f32 @p0 $0xffff, v38, v36  }
0x24a: {  	v30 =	vmul.f32 v30, v30;
	v25 =	vadd.f32 v61, v25;
	v28 =	vadd.f32 v32, v28  }
0x24b: {  	v62 =	vmul.f32 v39, v39;
	v29 =	vadd.f32 v37, v29;
	v26 =	vsub.f32 v57, v26  }
0x24c: {  	v22 =	vmul.f32 v22, v22;
	v24 =	vsub.f32 v24, v33;
	v34 =	vsub.f32 v58, v54  }
0x24d: {  	v33 =	vmul.f32 v56, v56;
	v27 =	vsub.f32 v27, v60;
	v26 =	vmul.f32 v26, v26  }
0x24e: {  	v22 =	vadd.f32 v62, v22;
	v24 =	vmul.f32 v24, v24;
	v34 =	vmul.f32 v34, v34  }
0x24f: {  	v23 =	vadd.f32 v33, v23;
	v27 =	vmul.f32 v27, v27;
	v26 =	vadd.f32 v26, v31  }
0x250: {  	v22 =	vadd.f32 v29, v22;
	v30 =	vadd.f32 v34, v30  }
0x251: {  	v24 =	vadd.f32 v27, v24;
	v23 =	vadd.f32 v26, v23  }
0x252: {  	v25 =	vadd.f32 v30, v25  }
0x253: {  	v24 =	vadd.f32 v24, v28;
	v22 =	vadd.f32 v22, v23;
	_ =	sdelay $0x1  }
0x254: {  	v23 =	vadd.f32 v24, v25;
	_ =	sdelay $0x1  }
0x255: {  	v24 =	vadd.f32 v23, v22;
	v22, v25, _ =	vpop @p0 (xrf1)  }
0x256: {  	(xrf0) =	vmax.scan.msk.f32 @p0 $0xffff, v22  }
0x257: {  	(xrf0) =	vmin.scan.msk.f32 $0xffff, v24;
	_ =	sdelay $0x4  }
0x258: {  	v23, _, _ =	vpop @p0 (xrf0)  }
0x259: {  	v26, _, _ =	vpop (xrf0);
	(v2sf) =	vpush @p0 v23, $0xF  }
0x25a: {  	s20 =	simm.s32 $0x2;
	v23 =	vpsel p0, v22, v48;
	v22 =	vpsel p0, v25, v40;
	(v2sf) =	vpush v26, $0xF  }
.LBB2_13:
0x25b: {  	_ =	sdelay $0xc  }
0x25c: {  	v25 =	vld [tilespmem:$0xE00];
	s15 =	spop @p0 (v2sf)  }
0x25d: {  	s21 =	sand.u32 $0x3, s20;
	v26 =	vld [tilespmem:$0xE10];
	s26 =	spop (v2sf);
	s10 =	smov.u32 @p0 s15  }
0x25e: {  	s16 =	sshll.u32 s21, $0x8;
	s15 =	sshrl.u32 s20, $0x2;
	v27 =	vld [tilespmem:$0xE20];
	p0 =	slt.f32 s26, s10  }
0x25f: {  	v29 =	vmov s16;
	v28 =	vmov s15;
	v30 =	vld [tilespmem:$0xE30]  }
0x260: {  	v29 =	vshll.u32 v29, $0x3;
	v31 =	vshll.u32 v28, $0xA;
	v32 =	vshll.u32 v28, $0x7;
	v33 =	vld [tilespmem:$0xE40];
	s15 =	simm.s32 @p0 $0x1E80  }
0x261: {  	v29 =	vor.u32 v4, v29;
	v31 =	vand.u32 $0x2000, v31;
	v32 =	vand.u32 $0x380, v32;
	v34 =	vld.idx.msk @p0 [tilespmem:v21+s15+$0x0], $0xffff;
	v21 =	vmovc v28  }
0x262: {  	v29 =	vand.u32 $0x1C00, v29;
	v28 =	vor.u32 v31, v32;
	v31 =	vld [tilespmem:$0xE50]  }
0x263: {  	v28 =	vor.u32 v29, v28;
	v29 =	vld [tilespmem:$0xE60]  }
0x264: {  	v32 =	vor.u32 v5, v28;
	v35 =	vld [tilespmem:$0xE70]  }
0x265: {  	v36 =	vor.u32 v6, v28;
	v37 =	vld [tilespmem:$0xE80]  }
0x266: {  	v38 =	vor.u32 v7, v28;
	v39 =	vld [tilespmem:$0xE90]  }
0x267: {  	s15 =	sshll.u32 @p0 s9, $0x4;
	s9 =	smov.u32 s21;
	v40 =	vor.u32 v8, v28;
	v34 =	vshll.u32 @p0 v34, $0x6;
	v41 =	vld [tilespmem:$0xEA0]  }
0x268: {  	v44 =	vlaneseq.u32 @p0;
	v42 =	vor.u32 v9, v28;
	v34 =	vor.u32 @p0 s15, v34;
	v43 =	vld [tilespmem:$0xEB0]  }
0x269: {  	v45 =	vor.u32 v10, v28;
	v34 =	vor.u32 @p0 v44, v34;
	v32 =	vld.idx.msk [tilespmem:v32+s29+$0x0], $0xffff  }
0x26a: {  	v46 =	vor.u32 v11, v28;
	v36 =	vld.idx.msk [tilespmem:v36+s29+$0x0], $0xffff;
	(xrf1) =	vsort.ascd.msk.f32 @p0 $0xffff, v24, v34  }
0x26b: {  	v34 =	vor.u32 v12, v28;
	v24 =	vld.idx.msk [tilespmem:v38+s29+$0x0], $0xffff  }
0x26c: {  	v38 =	vld.idx.msk [tilespmem:v40+s29+$0x0], $0xffff;
	v40 =	vor.u32 v13, v28  }
0x26d: {  	v47 =	vor.u32 v14, v28;
	v42 =	vld.idx.msk [tilespmem:v42+s29+$0x0], $0xffff  }
0x26e: {  	v48 =	vor.u32 v15, v28;
	v45 =	vld.idx.msk [tilespmem:v45+s29+$0x0], $0xffff  }
0x26f: {  	s20 =	sadd.s32 $0x1, s20;
	v49 =	vor.u32 v16, v28;
	v46 =	vld.idx.msk [tilespmem:v46+s29+$0x0], $0xffff  }
0x270: {  	p1 =	sne.s32 s20, $0x40;
	v34 =	vld.idx.msk [tilespmem:v34+s29+$0x0], $0xffff  }
0x271: {  	v40 =	vld.idx.msk [tilespmem:v40+s29+$0x0], $0xffff  }
0x272: {  	v47 =	vld.idx.msk [tilespmem:v47+s29+$0x0], $0xffff  }
0x273: {  	v50 =	vor.u32 v17, v28;
	v48 =	vld.idx.msk [tilespmem:v48+s29+$0x0], $0xffff  }
0x274: {  	v51 =	vor.u32 v19, v28;
	v25 =	vsub.f32 v32, v25;
	v32 =	vld.idx.msk [tilespmem:v49+s29+$0x0], $0xffff;
	v49 =	vor.u32 v18, v28  }
0x275: {  	v26 =	vsub.f32 v36, v26;
	v24 =	vsub.f32 v24, v27;
	v28 =	vor.u32 v20, v28;
	v27 =	vld [tilespmem:$0xEC0]  }
0x276: {  	v30 =	vsub.f32 v38, v30;
	v38 =	vmul.u32 @p0 $0xFFFFFFFF, v44;
	v33 =	vsub.f32 v42, v33;
	v36 =	vld [tilespmem:$0xED0]  }
0x277: {  	v31 =	vsub.f32 v45, v31;
	v29 =	vsub.f32 v46, v29;
	v42 =	vld [tilespmem:$0xEE0]  }
0x278: {  	v38 =	vadd.s32 @p0 $0xF, v38;
	v34 =	vsub.f32 v34, v35;
	v35 =	vsub.f32 v40, v37;
	v37 =	vld.idx.msk [tilespmem:v50+s29+$0x0], $0xffff;
	v40, v44, _ =	vpop @p0 (xrf1)  }
0x279: {  	v39 =	vsub.f32 v47, v39;
	v41 =	vsub.f32 v48, v41;
	v45 =	vld.idx.msk [tilespmem:v49+s29+$0x0], $0xffff;
	v40 =	vperm.xlane @p0 v40, v38  }
0x27a: {  	v25 =	vmul.f32 v25, v25;
	v32 =	vsub.f32 v32, v43;
	v38 =	vperm.xlane @p0 v44, v38;
	v43 =	vld.idx.msk [tilespmem:v51+s29+$0x0], $0xffff  }
0x27b: {  	v26 =	vmul.f32 v26, v26;
	v24 =	vmul.f32 v24, v24;
	v28 =	vld.idx.msk [tilespmem:v28+s29+$0x0], $0xffff;
	vm1 =	vle.f32 @p0 v23, v40  }
0x27c: {  	v30 =	vmul.f32 v30, v30;
	v44 =	vld [tilespmem:$0xEF0];
	v40 =	vsel @p0 vm1, v23, v40;
	v38 =	vsel @p0 vm1, v22, v38  }
0x27d: {  	v33 =	vmul.f32 v33, v33;
	v31 =	vmul.f32 v31, v31;
	(xrf1) =	vsort.ascd.msk.f32 @p0 $0xffff, v40, v38  }
0x27e: {  	v29 =	vmul.f32 v29, v29;
	v34 =	vmul.f32 v34, v34;
	v27 =	vsub.f32 v37, v27  }
0x27f: {  	v35 =	vmul.f32 v35, v35;
	v37 =	vmul.f32 v39, v39;
	v36 =	vsub.f32 v45, v36  }
0x280: {  	v32 =	vmul.f32 v32, v32;
	v38 =	vmul.f32 v41, v41;
	v39 =	vsub.f32 v43, v42  }
0x281: {  	v27 =	vmul.f32 v27, v27;
	v36 =	vmul.f32 v36, v36;
	v28 =	vsub.f32 v28, v44  }
0x282: {  	v25 =	vadd.f32 v35, v25;
	v26 =	vadd.f32 v37, v26;
	v39 =	vmul.f32 v39, v39  }
0x283: {  	v30 =	vadd.f32 v32, v30;
	v24 =	vadd.f32 v38, v24;
	v28 =	vmul.f32 v28, v28  }
0x284: {  	v27 =	vadd.f32 v27, v33;
	v31 =	vadd.f32 v36, v31  }
0x285: {  	v29 =	vadd.f32 v39, v29;
	v28 =	vadd.f32 v28, v34  }
0x286: {  	v25 =	vadd.f32 v27, v25;
	v26 =	vadd.f32 v31, v26  }
0x287: {  	v24 =	vadd.f32 v29, v24;
	v27 =	vadd.f32 v28, v30;
	_ =	sdelay $0x1  }
0x288: {  	v24 =	vadd.f32 v24, v25;
	v27 =	vadd.f32 v27, v26;
	_ =	sdelay $0x1  }
0x289: {  	v24 =	vadd.f32 v27, v24;
	v25, v26, _ =	vpop @p0 (xrf1)  }
0x28a: {  	v23 =	vpsel p0, v25, v23;
	v22 =	vpsel p0, v26, v22;
	(xrf0) =	vmax.scan.msk.f32 @p0 $0xffff, v25  }
0x28b: {  	(xrf0) =	vmin.scan.msk.f32 $0xffff, v24;
	_ =	sdelay $0x2  }
.Ltmp5:
0x28c: {  	(pc) =	sbr.rel @p1 .LBB2_13-.Ltmp5, $4  }
0x28d: {  	_ = 	snop  }
0x28e: {  	v25, _, _ =	vpop @p0 (xrf0)  }
0x28f: {  	v26, _, _ =	vpop (xrf0);
	(v2sf) =	vpush @p0 v25, $0xF  }
0x290: {  	(v2sf) =	vpush v26, $0xF  }
0x291: {  	_ =	sdelay $0xc  }
0x292: {  	s15 =	spop @p0 (v2sf)  }
0x293: {  	s16 =	spop (v2sf);
	s10 =	smov.u32 @p0 s15  }
0x294: {  	p0 =	slt.f32 s16, s10;
	_ =	sdelay $0x1  }
0x295: {  	s10 =	simm.s32 @p0 $0x1E80  }
0x296: {  	v21 =	vld.idx.msk @p0 [tilespmem:v21+s10+$0x0], $0xffff;
	_ =	sdelay $0x4  }
0x297: {  	s9 =	sshll.u32 @p0 s9, $0x4;
	v21 =	vshll.u32 @p0 v21, $0x6  }
0x298: {  	v25 =	vlaneseq.u32 @p0;
	v21 =	vor.u32 @p0 s9, v21  }
0x299: {  	v21 =	vor.u32 @p0 v25, v21  }
0x29a: {  	(xrf1) =	vsort.ascd.msk.f32 @p0 $0xffff, v24, v21;
	_ =	sdelay $0xb  }
0x29b: {  	v21 =	vmul.u32 @p0 $0xFFFFFFFF, v25;
	_ =	sdelay $0x1  }
0x29c: {  	v21 =	vadd.s32 @p0 $0xF, v21;
	v24, v25, _ =	vpop @p0 (xrf1)  }
0x29d: {  	v24 =	vperm.xlane @p0 v24, v21  }
0x29e: {  	v21 =	vperm.xlane @p0 v25, v21  }
0x29f: {  	vm1 =	vle.f32 @p0 v23, v24  }
0x2a0: {  	v24 =	vsel @p0 vm1, v23, v24;
	v21 =	vsel @p0 vm1, v22, v21  }
0x2a1: {  	(xrf1) =	vsort.ascd.msk.f32 @p0 $0xffff, v24, v21;
	_ =	sdelay $0xd  }
0x2a2: {  	v21, v24, _ =	vpop @p0 (xrf1)  }
0x2a3: {  	v23 =	vpsel p0, v21, v23  }
0x2a4: {  	v25 =	vshra.s32 v23, $0x1  }
0x2a5: {  	v25 =	vadd.s32 $0x1FBD1DF6, v25  }
0x2a6: {  	(erf) = vrcp.f32 v25;
	_ =	sdelay $0x8  }
0x2a7: {  	v26 =	vpop (erf)  }
0x2a8: {  	v26 =	vmul.f32 v26, v23;
	_ =	sdelay $0x1  }
0x2a9: {  	v25 =	vadd.f32 v25, v26;
	_ =	sdelay $0x1  }
0x2aa: {  	v25 =	vmul.f32 $5.000000000e-01, v25;
	_ =	sdelay $0x1  }
0x2ab: {  	(erf) = vrcp.f32 v25;
	_ =	sdelay $0x8  }
0x2ac: {  	(xrf0) =	vmax.scan.msk.f32 @p0 $0xffff, v21;
	v26 =	vpop (erf)  }
0x2ad: {  	v26 =	vmul.f32 v26, v23;
	_ =	sdelay $0x1  }
0x2ae: {  	v21 =	vadd.f32 v26, v25;
	_ =	sdelay $0x1  }
0x2af: {  	v21 =	vmul.f32 $5.000000000e-01, v21  }
0x2b0: {  	v25, _, _ =	vpop @p0 (xrf0)  }
0x2b1: {  	(v2sf) =	vpush @p0 v25, $0xF;
	(erf) = vrcp.f32 v21;
	_ =	sdelay $0x8  }
0x2b2: {  	v25 =	vpop (erf)  }
0x2b3: {  	v23 =	vmul.f32 v25, v23  }
0x2b4: {  	s20 =	sadd.s32 $0x5, s8  }
0x2b5: {  	s9 =	sand.u32 $0x1D, s20;
	v21 =	vadd.f32 v23, v21  }
0x2b6: {  	s9 =	sor.u32 s7, s9  }
0x2b7: {  	s9 =	smul.u32 $0xF0, s9;
	v22 =	vpsel p0, v24, v22;
	v21 =	vmul.f32 $5.000000000e-01, v21  }
0x2b8: {  	[tilespmem:$0x12030] =	vst v22;
	s10 =	spop @p0 (v2sf)  }
0x2b9: {  	s21 =	simm.s32 $0x780;
	s9 =	sadd.s32 s3, s9;
	s10 =	simm.s32 $0x0;
	[tilespmem:$0x12020] =	vst v21  }
0x2ba: {  	[tilespmem:s21], [sflag:$0x6] =	stream.linear.gather [hbm4b:s9+s10], $0x780, $0x38;
	[tilespmem:$0x12080] =	vst v63  }
0x2bb: {  	_ =	swait.ge [sflag:s24], $0x4000  }
0x2bc: {  	[sflag:s24] =	ssyncset.done $0x0  }
0x2bd: {  	[sflag:s24] =	ssyncadd.s32 $0xFFFFC000  }
0x2be: {  	v21 =	vld [tilespmem:$0x1580]  }
0x2bf: {  	v22 =	vld [tilespmem:$0x1590]  }
0x2c0: {  	v23 =	vld [tilespmem:$0x15A0]  }
0x2c1: {  	s20 =	sand.u32 $0x3, s10;
	v26 =	vld [tilespmem:$0x15B0]  }
0x2c2: {  	s26 =	simm.s32 $0x0;
	s10 =	sshll.u32 s20, $0x8;
	v29 =	vld [tilespmem:$0x15C0]  }
0x2c3: {  	v24 =	vmov s26;
	v25 =	vmov s10;
	v58 =	vld [tilespmem:$0x15D0]  }
0x2c4: {  	v27 =	vshll.u32 v24, $0xA;
	v28 =	vshll.u32 v24, $0x7;
	v25 =	vshll.u32 v25, $0x3;
	v31 =	vld [tilespmem:$0x15F0]  }
0x2c5: {  	v27 =	vand.u32 $0x2000, v27;
	v28 =	vand.u32 $0x380, v28;
	v25 =	vor.u32 v4, v25;
	v33 =	vld [tilespmem:$0x1600]  }
0x2c6: {  	v27 =	vor.u32 v27, v28;
	v25 =	vand.u32 $0x1C00, v25;
	v35 =	vld [tilespmem:$0x1610]  }
0x2c7: {  	v37 =	vld [tilespmem:$0x1620];
	v25 =	vor.u32 v25, v27  }
0x2c8: {  	v39 =	vld [tilespmem:$0x1630];
	v30 =	vor.u32 v5, v25  }
0x2c9: {  	v50 =	vld [tilespmem:$0x1640];
	v32 =	vor.u32 v6, v25  }
0x2ca: {  	v59 =	vld [tilespmem:$0x1650];
	v34 =	vor.u32 v7, v25  }
0x2cb: {  	v60 =	vld [tilespmem:$0x1660];
	v36 =	vor.u32 v8, v25  }
0x2cc: {  	v27 =	vld [tilespmem:$0x15E0];
	v38 =	vor.u32 v9, v25  }
0x2cd: {  	v40 =	vor.u32 v10, v25;
	v30 =	vld.idx.msk [tilespmem:v30+s6+$0x0], $0xffff  }
0x2ce: {  	v41 =	vor.u32 v11, v25;
	v32 =	vld.idx.msk [tilespmem:v32+s6+$0x0], $0xffff  }
0x2cf: {  	v42 =	vor.u32 v12, v25;
	v34 =	vld.idx.msk [tilespmem:v34+s6+$0x0], $0xffff  }
0x2d0: {  	v43 =	vor.u32 v13, v25;
	v36 =	vld.idx.msk [tilespmem:v36+s6+$0x0], $0xffff  }
0x2d1: {  	v44 =	vor.u32 v14, v25;
	v38 =	vld.idx.msk [tilespmem:v38+s6+$0x0], $0xffff  }
0x2d2: {  	v45 =	vor.u32 v15, v25;
	v40 =	vld.idx.msk [tilespmem:v40+s6+$0x0], $0xffff  }
0x2d3: {  	v46 =	vor.u32 v16, v25;
	v41 =	vld.idx.msk [tilespmem:v41+s6+$0x0], $0xffff  }
0x2d4: {  	v47 =	vor.u32 v17, v25;
	v42 =	vld.idx.msk [tilespmem:v42+s6+$0x0], $0xffff  }
0x2d5: {  	v48 =	vor.u32 v18, v25;
	v43 =	vld.idx.msk [tilespmem:v43+s6+$0x0], $0xffff  }
0x2d6: {  	v49 =	vor.u32 v19, v25;
	v44 =	vld.idx.msk [tilespmem:v44+s6+$0x0], $0xffff  }
0x2d7: {  	v25 =	vor.u32 v20, v25;
	v45 =	vld.idx.msk [tilespmem:v45+s6+$0x0], $0xffff;
	v21 =	vsub.f32 v30, v21  }
0x2d8: {  	v46 =	vld.idx.msk [tilespmem:v46+s6+$0x0], $0xffff;
	v22 =	vsub.f32 v32, v22;
	v23 =	vsub.f32 v34, v23  }
0x2d9: {  	v61 =	vld.idx.msk [tilespmem:v47+s6+$0x0], $0xffff;
	v26 =	vsub.f32 v36, v26;
	v29 =	vsub.f32 v38, v29  }
0x2da: {  	v62 =	vld.idx.msk [tilespmem:v48+s6+$0x0], $0xffff;
	v28 =	vsub.f32 v40, v58;
	v27 =	vsub.f32 v41, v27  }
0x2db: {  	v63 =	vld.idx.msk [tilespmem:v49+s6+$0x0], $0xffff;
	v31 =	vsub.f32 v42, v31;
	v33 =	vsub.f32 v43, v33  }
0x2dc: {  	v25 =	vld.idx.msk [tilespmem:v25+s6+$0x0], $0xffff;
	v35 =	vsub.f32 v44, v35;
	v21 =	vmul.f32 v21, v21;
	v22 =	vmul.f32 v22, v22  }
0x2dd: {  	v37 =	vsub.f32 v45, v37;
	v45 =	vld [tilespmem:$0x1670];
	v23 =	vmul.f32 v23, v23;
	v26 =	vmul.f32 v26, v26  }
0x2de: {  	v39 =	vsub.f32 v46, v39;
	v29 =	vmul.f32 v29, v29;
	v28 =	vmul.f32 v28, v28  }
0x2df: {  	v34 =	vsub.f32 v61, v50;
	v27 =	vmul.f32 v27, v27;
	v31 =	vmul.f32 v31, v31  }
0x2e0: {  	v30 =	vsub.f32 v62, v59;
	v33 =	vmul.f32 v33, v33;
	v35 =	vmul.f32 v35, v35  }
0x2e1: {  	v32 =	vsub.f32 v63, v60;
	v46 =	vmul.f32 v37, v37;
	v47 =	vmul.f32 v39, v39  }
0x2e2: {  	v34 =	vmul.f32 v34, v34;
	v30 =	vmul.f32 v30, v30;
	v25 =	vsub.f32 v25, v45  }
0x2e3: {  	v32 =	vmul.f32 v32, v32;
	v21 =	vadd.f32 v33, v21;
	v22 =	vadd.f32 v35, v22  }
0x2e4: {  	v23 =	vadd.f32 v46, v23;
	v26 =	vadd.f32 v47, v26;
	v25 =	vmul.f32 v25, v25  }
0x2e5: {  	v29 =	vadd.f32 v34, v29;
	v28 =	vadd.f32 v30, v28  }
0x2e6: {  	v27 =	vadd.f32 v32, v27;
	v25 =	vadd.f32 v25, v31  }
0x2e7: {  	v21 =	vadd.f32 v29, v21;
	v22 =	vadd.f32 v28, v22  }
0x2e8: {  	v23 =	vadd.f32 v27, v23;
	v25 =	vadd.f32 v25, v26;
	_ =	sdelay $0x1  }
0x2e9: {  	v21 =	vadd.f32 v23, v21;
	v22 =	vadd.f32 v25, v22;
	_ =	sdelay $0x1  }
0x2ea: {  	v22 =	vadd.f32 v22, v21;
	_ =	sdelay $0x1  }
0x2eb: {  	(xrf0) =	vmin.scan.msk.f32 $0xffff, v22;
	_ =	sdelay $0x5  }
0x2ec: {  	v21, _, _ =	vpop (xrf0)  }
0x2ed: {  	(v2sf) =	vpush v21, $0xF;
	_ =	sdelay $0xc  }
0x2ee: {  	s15 =	simm.s32 $0x1;
	v41 =	vld [tilespmem:$0x1630]  }
0x2ef: {  	s26 =	simm.s32 $0x0;
	s9 =	sand.u32 $0x3, s15;
	v37 =	vld [tilespmem:$0x1610]  }
0x2f0: {  	s10 =	simm.f32 $3.000000010e+38;
	s21 =	sshll.u32 s9, $0x8;
	v39 =	vld [tilespmem:$0x1620];
	s16 =	spop (v2sf)  }
0x2f1: {  	v33 =	vld [tilespmem:$0x15F0];
	v27 =	vmov s21;
	v21 =	vmov s26;
	p0 =	slt.f32 s16, s10  }
0x2f2: {  	v35 =	vld [tilespmem:$0x1600];
	v27 =	vshll.u32 v27, $0x3;
	v48 =	vshll.u32 v21, $0xA;
	v49 =	vshll.u32 v21, $0x7  }
0x2f3: {  	v28 =	vld [tilespmem:$0x15B0];
	v27 =	vor.u32 v4, v27;
	v29 =	vand.u32 $0x2000, v48;
	v30 =	vand.u32 $0x380, v49;
	s15 =	simm.s32 @p0 $0x1F00  }
0x2f4: {  	v27 =	vand.u32 $0x1C00, v27;
	v29 =	vor.u32 v29, v30;
	v24 =	vld.idx.msk @p0 [tilespmem:v24+s15+$0x0], $0xffff  }
0x2f5: {  	v23 =	vld [tilespmem:$0x1580];
	v27 =	vor.u32 v27, v29  }
0x2f6: {  	v31 =	vld [tilespmem:$0x15C0];
	v50 =	vor.u32 v5, v27  }
0x2f7: {  	v26 =	vld [tilespmem:$0x15A0];
	v51 =	vor.u32 v6, v27  }
0x2f8: {  	v25 =	vld [tilespmem:$0x1590];
	v53 =	vor.u32 v8, v27  }
0x2f9: {  	v30 =	vld [tilespmem:$0x15D0];
	v54 =	vor.u32 v9, v27;
	s15 =	sshll.u32 @p0 s20, $0x4;
	v24 =	vshll.u32 @p0 v24, $0x6  }
0x2fa: {  	v29 =	vld [tilespmem:$0x15E0];
	v55 =	vor.u32 v10, v27;
	v42 =	vlaneseq.u32 @p0;
	v24 =	vor.u32 @p0 s15, v24  }
0x2fb: {  	v56 =	vor.u32 v11, v27;
	v32 =	vld.idx.msk [tilespmem:v50+s6+$0x0], $0xffff;
	v24 =	vor.u32 @p0 v42, v24  }
0x2fc: {  	v58 =	vor.u32 v13, v27;
	v34 =	vld.idx.msk [tilespmem:v51+s6+$0x0], $0xffff;
	(xrf1) =	vsort.ascd.msk.f32 @p0 $0xffff, v22, v24  }
0x2fd: {  	v59 =	vor.u32 v14, v27;
	v57 =	vld.idx.msk [tilespmem:v53+s6+$0x0], $0xffff  }
0x2fe: {  	v60 =	vor.u32 v15, v27;
	v40 =	vld.idx.msk [tilespmem:v54+s6+$0x0], $0xffff  }
0x2ff: {  	v61 =	vor.u32 v16, v27;
	v43 =	vld.idx.msk [tilespmem:v55+s6+$0x0], $0xffff  }
0x300: {  	v44 =	vld.idx.msk [tilespmem:v56+s6+$0x0], $0xffff  }
0x301: {  	v38 =	vld.idx.msk [tilespmem:v58+s6+$0x0], $0xffff  }
0x302: {  	v52 =	vor.u32 v7, v27;
	v45 =	vld.idx.msk [tilespmem:v59+s6+$0x0], $0xffff  }
0x303: {  	v46 =	vld.idx.msk [tilespmem:v60+s6+$0x0], $0xffff;
	v53 =	vor.u32 v19, v27  }
0x304: {  	v48 =	vimm.f32 $3.000000010e+38;
	v63 =	vld.idx.msk [tilespmem:v61+s6+$0x0], $0xffff  }
0x305: {  	v62 =	vor.u32 v17, v27;
	v54 =	vld [tilespmem:$0x1650];
	v23 =	vsub.f32 v32, v23;
	v25 =	vsub.f32 v34, v25  }
0x306: {  	v55 =	vld [tilespmem:$0x1660];
	v28 =	vsub.f32 v57, v28;
	v31 =	vsub.f32 v40, v31;
	v24 =	vor.u32 v12, v27  }
0x307: {  	v40 =	vimm.s32 $0x0;
	v30 =	vsub.f32 v43, v30;
	v29 =	vsub.f32 v44, v29;
	v22 =	vld.idx.msk [tilespmem:v52+s6+$0x0], $0xffff  }
0x308: {  	v56 =	vsub.f32 v38, v35;
	v59 =	vld.idx.msk [tilespmem:v53+s6+$0x0], $0xffff;
	v36 =	vmul.u32 @p0 $0xFFFFFFFF, v42;
	v52 =	vor.u32 v18, v27  }
0x309: {  	v60 =	vld [tilespmem:$0x1670];
	v37 =	vsub.f32 v45, v37;
	v39 =	vsub.f32 v46, v39;
	v27 =	vor.u32 v20, v27  }
0x30a: {  	v57 =	vld.idx.msk [tilespmem:v62+s6+$0x0], $0xffff;
	v23 =	vmul.f32 v23, v23;
	v25 =	vmul.f32 v25, v25;
	v36 =	vadd.s32 @p0 $0xF, v36;
	v38, v43, _ =	vpop @p0 (xrf1)  }
0x30b: {  	v32 =	vsub.f32 v63, v41;
	v28 =	vmul.f32 v28, v28;
	v24 =	vld.idx.msk [tilespmem:v24+s6+$0x0], $0xffff;
	v38 =	vperm.xlane @p0 v38, v36  }
0x30c: {  	v31 =	vmul.f32 v31, v31;
	v22 =	vsub.f32 v22, v26;
	v26 =	vld [tilespmem:$0x1640];
	v36 =	vperm.xlane @p0 v43, v36  }
0x30d: {  	v61 =	vmul.f32 v37, v37;
	v63 =	vsub.f32 v59, v55;
	v58 =	vld.idx.msk [tilespmem:v52+s6+$0x0], $0xffff;
	vm1 =	vle.f32 @p0 v48, v38  }
0x30e: {  	v32 =	vmul.f32 v32, v32;
	v27 =	vld.idx.msk [tilespmem:v27+s6+$0x0], $0xffff;
	v38 =	vsel @p0 vm1, v48, v38;
	v36 =	vsel @p0 vm1, v40, v36  }
0x30f: {  	v29 =	vmul.f32 v29, v29;
	v37 =	vmul.f32 v63, v63;
	(xrf1) =	vsort.ascd.msk.f32 @p0 $0xffff, v38, v36  }
0x310: {  	v30 =	vmul.f32 v30, v30;
	v25 =	vadd.f32 v61, v25;
	v28 =	vadd.f32 v32, v28  }
0x311: {  	v62 =	vmul.f32 v39, v39;
	v29 =	vadd.f32 v37, v29;
	v26 =	vsub.f32 v57, v26  }
0x312: {  	v22 =	vmul.f32 v22, v22;
	v24 =	vsub.f32 v24, v33;
	v34 =	vsub.f32 v58, v54  }
0x313: {  	v33 =	vmul.f32 v56, v56;
	v27 =	vsub.f32 v27, v60;
	v26 =	vmul.f32 v26, v26  }
0x314: {  	v22 =	vadd.f32 v62, v22;
	v24 =	vmul.f32 v24, v24;
	v34 =	vmul.f32 v34, v34  }
0x315: {  	v23 =	vadd.f32 v33, v23;
	v27 =	vmul.f32 v27, v27;
	v26 =	vadd.f32 v26, v31  }
0x316: {  	v22 =	vadd.f32 v29, v22;
	v30 =	vadd.f32 v34, v30  }
0x317: {  	v24 =	vadd.f32 v27, v24;
	v23 =	vadd.f32 v26, v23  }
0x318: {  	v25 =	vadd.f32 v30, v25  }
0x319: {  	v24 =	vadd.f32 v24, v28;
	v22 =	vadd.f32 v22, v23;
	_ =	sdelay $0x1  }
0x31a: {  	v23 =	vadd.f32 v24, v25;
	_ =	sdelay $0x1  }
0x31b: {  	v24 =	vadd.f32 v23, v22;
	v22, v25, _ =	vpop @p0 (xrf1)  }
0x31c: {  	(xrf0) =	vmax.scan.msk.f32 @p0 $0xffff, v22  }
0x31d: {  	(xrf0) =	vmin.scan.msk.f32 $0xffff, v24;
	_ =	sdelay $0x4  }
0x31e: {  	v23, _, _ =	vpop @p0 (xrf0)  }
0x31f: {  	v26, _, _ =	vpop (xrf0);
	(v2sf) =	vpush @p0 v23, $0xF  }
0x320: {  	s20 =	simm.s32 $0x2;
	v23 =	vpsel p0, v22, v48;
	v22 =	vpsel p0, v25, v40;
	(v2sf) =	vpush v26, $0xF  }
.LBB2_15:
0x321: {  	_ =	sdelay $0xc  }
0x322: {  	v25 =	vld [tilespmem:$0x1580];
	s15 =	spop @p0 (v2sf)  }
0x323: {  	s16 =	sand.u32 $0x3, s20;
	v26 =	vld [tilespmem:$0x1590];
	s21 =	spop (v2sf);
	s10 =	smov.u32 @p0 s15  }
0x324: {  	s26 =	sshll.u32 s16, $0x8;
	s15 =	sshrl.u32 s20, $0x2;
	v27 =	vld [tilespmem:$0x15A0];
	p0 =	slt.f32 s21, s10  }
0x325: {  	v29 =	vmov s26;
	v28 =	vmov s15;
	v30 =	vld [tilespmem:$0x15B0]  }
0x326: {  	v29 =	vshll.u32 v29, $0x3;
	v31 =	vshll.u32 v28, $0xA;
	v32 =	vshll.u32 v28, $0x7;
	v33 =	vld [tilespmem:$0x15C0];
	s15 =	simm.s32 @p0 $0x1F00  }
0x327: {  	v29 =	vor.u32 v4, v29;
	v31 =	vand.u32 $0x2000, v31;
	v32 =	vand.u32 $0x380, v32;
	v34 =	vld.idx.msk @p0 [tilespmem:v21+s15+$0x0], $0xffff;
	v21 =	vmovc v28  }
0x328: {  	v29 =	vand.u32 $0x1C00, v29;
	v28 =	vor.u32 v31, v32;
	v31 =	vld [tilespmem:$0x15D0]  }
0x329: {  	v28 =	vor.u32 v29, v28;
	v29 =	vld [tilespmem:$0x15E0]  }
0x32a: {  	v32 =	vor.u32 v5, v28;
	v35 =	vld [tilespmem:$0x15F0]  }
0x32b: {  	v36 =	vor.u32 v6, v28;
	v37 =	vld [tilespmem:$0x1600]  }
0x32c: {  	v38 =	vor.u32 v7, v28;
	v39 =	vld [tilespmem:$0x1610]  }
0x32d: {  	s15 =	sshll.u32 @p0 s9, $0x4;
	s9 =	smov.u32 s16;
	v40 =	vor.u32 v8, v28;
	v34 =	vshll.u32 @p0 v34, $0x6;
	v41 =	vld [tilespmem:$0x1620]  }
0x32e: {  	v44 =	vlaneseq.u32 @p0;
	v42 =	vor.u32 v9, v28;
	v34 =	vor.u32 @p0 s15, v34;
	v43 =	vld [tilespmem:$0x1630]  }
0x32f: {  	v45 =	vor.u32 v10, v28;
	v34 =	vor.u32 @p0 v44, v34;
	v32 =	vld.idx.msk [tilespmem:v32+s6+$0x0], $0xffff  }
0x330: {  	v46 =	vor.u32 v11, v28;
	v36 =	vld.idx.msk [tilespmem:v36+s6+$0x0], $0xffff;
	(xrf1) =	vsort.ascd.msk.f32 @p0 $0xffff, v24, v34  }
0x331: {  	v34 =	vor.u32 v12, v28;
	v24 =	vld.idx.msk [tilespmem:v38+s6+$0x0], $0xffff  }
0x332: {  	v38 =	vld.idx.msk [tilespmem:v40+s6+$0x0], $0xffff;
	v40 =	vor.u32 v13, v28  }
0x333: {  	v47 =	vor.u32 v14, v28;
	v42 =	vld.idx.msk [tilespmem:v42+s6+$0x0], $0xffff  }
0x334: {  	v48 =	vor.u32 v15, v28;
	v45 =	vld.idx.msk [tilespmem:v45+s6+$0x0], $0xffff  }
0x335: {  	s20 =	sadd.s32 $0x1, s20;
	v49 =	vor.u32 v16, v28;
	v46 =	vld.idx.msk [tilespmem:v46+s6+$0x0], $0xffff  }
0x336: {  	p1 =	sne.s32 s20, $0x40;
	v34 =	vld.idx.msk [tilespmem:v34+s6+$0x0], $0xffff  }
0x337: {  	v40 =	vld.idx.msk [tilespmem:v40+s6+$0x0], $0xffff  }
0x338: {  	v47 =	vld.idx.msk [tilespmem:v47+s6+$0x0], $0xffff  }
0x339: {  	v50 =	vor.u32 v17, v28;
	v48 =	vld.idx.msk [tilespmem:v48+s6+$0x0], $0xffff  }
0x33a: {  	v51 =	vor.u32 v19, v28;
	v25 =	vsub.f32 v32, v25;
	v32 =	vld.idx.msk [tilespmem:v49+s6+$0x0], $0xffff;
	v49 =	vor.u32 v18, v28  }
0x33b: {  	v26 =	vsub.f32 v36, v26;
	v24 =	vsub.f32 v24, v27;
	v28 =	vor.u32 v20, v28;
	v27 =	vld [tilespmem:$0x1640]  }
0x33c: {  	v30 =	vsub.f32 v38, v30;
	v38 =	vmul.u32 @p0 $0xFFFFFFFF, v44;
	v33 =	vsub.f32 v42, v33;
	v36 =	vld [tilespmem:$0x1650]  }
0x33d: {  	v31 =	vsub.f32 v45, v31;
	v29 =	vsub.f32 v46, v29;
	v42 =	vld [tilespmem:$0x1660]  }
0x33e: {  	v38 =	vadd.s32 @p0 $0xF, v38;
	v34 =	vsub.f32 v34, v35;
	v35 =	vsub.f32 v40, v37;
	v37 =	vld.idx.msk [tilespmem:v50+s6+$0x0], $0xffff;
	v40, v44, _ =	vpop @p0 (xrf1)  }
0x33f: {  	v39 =	vsub.f32 v47, v39;
	v41 =	vsub.f32 v48, v41;
	v45 =	vld.idx.msk [tilespmem:v49+s6+$0x0], $0xffff;
	v40 =	vperm.xlane @p0 v40, v38  }
0x340: {  	v25 =	vmul.f32 v25, v25;
	v32 =	vsub.f32 v32, v43;
	v38 =	vperm.xlane @p0 v44, v38;
	v43 =	vld.idx.msk [tilespmem:v51+s6+$0x0], $0xffff  }
0x341: {  	v26 =	vmul.f32 v26, v26;
	v24 =	vmul.f32 v24, v24;
	v28 =	vld.idx.msk [tilespmem:v28+s6+$0x0], $0xffff;
	vm1 =	vle.f32 @p0 v23, v40  }
0x342: {  	v30 =	vmul.f32 v30, v30;
	v44 =	vld [tilespmem:$0x1670];
	v40 =	vsel @p0 vm1, v23, v40;
	v38 =	vsel @p0 vm1, v22, v38  }
0x343: {  	v33 =	vmul.f32 v33, v33;
	v31 =	vmul.f32 v31, v31;
	(xrf1) =	vsort.ascd.msk.f32 @p0 $0xffff, v40, v38  }
0x344: {  	v29 =	vmul.f32 v29, v29;
	v34 =	vmul.f32 v34, v34;
	v27 =	vsub.f32 v37, v27  }
0x345: {  	v35 =	vmul.f32 v35, v35;
	v37 =	vmul.f32 v39, v39;
	v36 =	vsub.f32 v45, v36  }
0x346: {  	v32 =	vmul.f32 v32, v32;
	v38 =	vmul.f32 v41, v41;
	v39 =	vsub.f32 v43, v42  }
0x347: {  	v27 =	vmul.f32 v27, v27;
	v36 =	vmul.f32 v36, v36;
	v28 =	vsub.f32 v28, v44  }
0x348: {  	v25 =	vadd.f32 v35, v25;
	v26 =	vadd.f32 v37, v26;
	v39 =	vmul.f32 v39, v39  }
0x349: {  	v30 =	vadd.f32 v32, v30;
	v24 =	vadd.f32 v38, v24;
	v28 =	vmul.f32 v28, v28  }
0x34a: {  	v27 =	vadd.f32 v27, v33;
	v31 =	vadd.f32 v36, v31  }
0x34b: {  	v29 =	vadd.f32 v39, v29;
	v28 =	vadd.f32 v28, v34  }
0x34c: {  	v25 =	vadd.f32 v27, v25;
	v26 =	vadd.f32 v31, v26  }
0x34d: {  	v24 =	vadd.f32 v29, v24;
	v27 =	vadd.f32 v28, v30;
	_ =	sdelay $0x1  }
0x34e: {  	v24 =	vadd.f32 v24, v25;
	v27 =	vadd.f32 v27, v26;
	_ =	sdelay $0x1  }
0x34f: {  	v24 =	vadd.f32 v27, v24;
	v25, v26, _ =	vpop @p0 (xrf1)  }
0x350: {  	v23 =	vpsel p0, v25, v23;
	v22 =	vpsel p0, v26, v22;
	(xrf0) =	vmax.scan.msk.f32 @p0 $0xffff, v25  }
0x351: {  	(xrf0) =	vmin.scan.msk.f32 $0xffff, v24;
	_ =	sdelay $0x2  }
.Ltmp6:
0x352: {  	(pc) =	sbr.rel @p1 .LBB2_15-.Ltmp6, $4  }
0x353: {  	_ = 	snop  }
0x354: {  	v25, _, _ =	vpop @p0 (xrf0)  }
0x355: {  	v26, _, _ =	vpop (xrf0);
	(v2sf) =	vpush @p0 v25, $0xF  }
0x356: {  	(v2sf) =	vpush v26, $0xF  }
0x357: {  	_ =	sdelay $0xc  }
0x358: {  	s15 =	spop @p0 (v2sf)  }
0x359: {  	s16 =	spop (v2sf);
	s10 =	smov.u32 @p0 s15  }
0x35a: {  	p0 =	slt.f32 s16, s10;
	_ =	sdelay $0x1  }
0x35b: {  	s10 =	simm.s32 @p0 $0x1F00  }
0x35c: {  	v21 =	vld.idx.msk @p0 [tilespmem:v21+s10+$0x0], $0xffff;
	_ =	sdelay $0x4  }
0x35d: {  	s9 =	sshll.u32 @p0 s9, $0x4;
	v21 =	vshll.u32 @p0 v21, $0x6  }
0x35e: {  	v25 =	vlaneseq.u32 @p0;
	v21 =	vor.u32 @p0 s9, v21  }
0x35f: {  	v21 =	vor.u32 @p0 v25, v21  }
0x360: {  	(xrf1) =	vsort.ascd.msk.f32 @p0 $0xffff, v24, v21;
	_ =	sdelay $0xb  }
0x361: {  	v21 =	vmul.u32 @p0 $0xFFFFFFFF, v25;
	_ =	sdelay $0x1  }
0x362: {  	v21 =	vadd.s32 @p0 $0xF, v21;
	v24, v25, _ =	vpop @p0 (xrf1)  }
0x363: {  	v24 =	vperm.xlane @p0 v24, v21  }
0x364: {  	v21 =	vperm.xlane @p0 v25, v21  }
0x365: {  	vm1 =	vle.f32 @p0 v23, v24  }
0x366: {  	v24 =	vsel @p0 vm1, v23, v24;
	v21 =	vsel @p0 vm1, v22, v21  }
0x367: {  	(xrf1) =	vsort.ascd.msk.f32 @p0 $0xffff, v24, v21;
	_ =	sdelay $0xd  }
0x368: {  	v21, v24, _ =	vpop @p0 (xrf1)  }
0x369: {  	v23 =	vpsel p0, v21, v23  }
0x36a: {  	v25 =	vshra.s32 v23, $0x1  }
0x36b: {  	v25 =	vadd.s32 $0x1FBD1DF6, v25  }
0x36c: {  	(erf) = vrcp.f32 v25;
	_ =	sdelay $0x8  }
0x36d: {  	v26 =	vpop (erf)  }
0x36e: {  	v26 =	vmul.f32 v26, v23;
	_ =	sdelay $0x1  }
0x36f: {  	v25 =	vadd.f32 v25, v26;
	_ =	sdelay $0x1  }
0x370: {  	v25 =	vmul.f32 $5.000000000e-01, v25;
	_ =	sdelay $0x1  }
0x371: {  	(erf) = vrcp.f32 v25;
	_ =	sdelay $0x8  }
0x372: {  	(xrf0) =	vmax.scan.msk.f32 @p0 $0xffff, v21;
	v26 =	vpop (erf)  }
0x373: {  	v26 =	vmul.f32 v26, v23;
	_ =	sdelay $0x1  }
0x374: {  	v21 =	vadd.f32 v26, v25;
	_ =	sdelay $0x1  }
0x375: {  	v21 =	vmul.f32 $5.000000000e-01, v21  }
0x376: {  	v25, _, _ =	vpop @p0 (xrf0)  }
0x377: {  	(v2sf) =	vpush @p0 v25, $0xF;
	(erf) = vrcp.f32 v21;
	_ =	sdelay $0x8  }
0x378: {  	v25 =	vpop (erf)  }
0x379: {  	v23 =	vmul.f32 v25, v23  }
0x37a: {  	s20 =	sadd.s32 $0x6, s8  }
0x37b: {  	s9 =	sand.u32 $0x1E, s20;
	v21 =	vadd.f32 v23, v21  }
0x37c: {  	s9 =	sor.u32 s7, s9  }
0x37d: {  	s9 =	smul.u32 $0xF0, s9;
	v22 =	vpsel p0, v24, v22;
	v21 =	vmul.f32 $5.000000000e-01, v21  }
0x37e: {  	[tilespmem:$0x12050] =	vst v22;
	s10 =	spop @p0 (v2sf)  }
0x37f: {  	s21 =	simm.s32 $0xF00;
	s9 =	sadd.s32 s3, s9;
	s10 =	simm.s32 $0x0;
	[tilespmem:$0x12040] =	vst v21  }
0x380: {  	[tilespmem:s21], [sflag:$0x7] =	stream.linear.gather [hbm4b:s9+s10], $0x780, $0x38;
	[tilespmem:$0x12080] =	vst v63  }
0x381: {  	_ =	swait.ge [sflag:s25], $0x4000  }
0x382: {  	[sflag:s25] =	ssyncset.done $0x0  }
0x383: {  	[sflag:s25] =	ssyncadd.s32 $0xFFFFC000  }
0x384: {  	v21 =	vld [tilespmem:$0x1D00]  }
0x385: {  	v22 =	vld [tilespmem:$0x1D10]  }
0x386: {  	v23 =	vld [tilespmem:$0x1D20]  }
0x387: {  	s20 =	sand.u32 $0x3, s10;
	v26 =	vld [tilespmem:$0x1D30]  }
0x388: {  	s26 =	simm.s32 $0x0;
	s10 =	sshll.u32 s20, $0x8;
	v29 =	vld [tilespmem:$0x1D40]  }
0x389: {  	v24 =	vmov s26;
	v25 =	vmov s10;
	v58 =	vld [tilespmem:$0x1D50]  }
0x38a: {  	v27 =	vshll.u32 v24, $0xA;
	v28 =	vshll.u32 v24, $0x7;
	v25 =	vshll.u32 v25, $0x3;
	v31 =	vld [tilespmem:$0x1D70]  }
0x38b: {  	v27 =	vand.u32 $0x2000, v27;
	v28 =	vand.u32 $0x380, v28;
	v25 =	vor.u32 v4, v25;
	v33 =	vld [tilespmem:$0x1D80]  }
0x38c: {  	v27 =	vor.u32 v27, v28;
	v25 =	vand.u32 $0x1C00, v25;
	v35 =	vld [tilespmem:$0x1D90]  }
0x38d: {  	v37 =	vld [tilespmem:$0x1DA0];
	v25 =	vor.u32 v25, v27  }
0x38e: {  	v39 =	vld [tilespmem:$0x1DB0];
	v30 =	vor.u32 v5, v25  }
0x38f: {  	v50 =	vld [tilespmem:$0x1DC0];
	v32 =	vor.u32 v6, v25  }
0x390: {  	v59 =	vld [tilespmem:$0x1DD0];
	v34 =	vor.u32 v7, v25  }
0x391: {  	v60 =	vld [tilespmem:$0x1DE0];
	v36 =	vor.u32 v8, v25  }
0x392: {  	v27 =	vld [tilespmem:$0x1D60];
	v38 =	vor.u32 v9, v25  }
0x393: {  	v40 =	vor.u32 v10, v25;
	v30 =	vld.idx.msk [tilespmem:v30+s31+$0x0], $0xffff  }
0x394: {  	v41 =	vor.u32 v11, v25;
	v32 =	vld.idx.msk [tilespmem:v32+s31+$0x0], $0xffff  }
0x395: {  	v42 =	vor.u32 v12, v25;
	v34 =	vld.idx.msk [tilespmem:v34+s31+$0x0], $0xffff  }
0x396: {  	v43 =	vor.u32 v13, v25;
	v36 =	vld.idx.msk [tilespmem:v36+s31+$0x0], $0xffff  }
0x397: {  	v44 =	vor.u32 v14, v25;
	v38 =	vld.idx.msk [tilespmem:v38+s31+$0x0], $0xffff  }
0x398: {  	v45 =	vor.u32 v15, v25;
	v40 =	vld.idx.msk [tilespmem:v40+s31+$0x0], $0xffff  }
0x399: {  	v46 =	vor.u32 v16, v25;
	v41 =	vld.idx.msk [tilespmem:v41+s31+$0x0], $0xffff  }
0x39a: {  	v47 =	vor.u32 v17, v25;
	v42 =	vld.idx.msk [tilespmem:v42+s31+$0x0], $0xffff  }
0x39b: {  	v48 =	vor.u32 v18, v25;
	v43 =	vld.idx.msk [tilespmem:v43+s31+$0x0], $0xffff  }
0x39c: {  	v49 =	vor.u32 v19, v25;
	v44 =	vld.idx.msk [tilespmem:v44+s31+$0x0], $0xffff  }
0x39d: {  	v25 =	vor.u32 v20, v25;
	v45 =	vld.idx.msk [tilespmem:v45+s31+$0x0], $0xffff;
	v21 =	vsub.f32 v30, v21  }
0x39e: {  	v46 =	vld.idx.msk [tilespmem:v46+s31+$0x0], $0xffff;
	v22 =	vsub.f32 v32, v22;
	v23 =	vsub.f32 v34, v23  }
0x39f: {  	v61 =	vld.idx.msk [tilespmem:v47+s31+$0x0], $0xffff;
	v26 =	vsub.f32 v36, v26;
	v29 =	vsub.f32 v38, v29  }
0x3a0: {  	v62 =	vld.idx.msk [tilespmem:v48+s31+$0x0], $0xffff;
	v28 =	vsub.f32 v40, v58;
	v27 =	vsub.f32 v41, v27  }
0x3a1: {  	v63 =	vld.idx.msk [tilespmem:v49+s31+$0x0], $0xffff;
	v31 =	vsub.f32 v42, v31;
	v33 =	vsub.f32 v43, v33  }
0x3a2: {  	v25 =	vld.idx.msk [tilespmem:v25+s31+$0x0], $0xffff;
	v35 =	vsub.f32 v44, v35;
	v21 =	vmul.f32 v21, v21;
	v22 =	vmul.f32 v22, v22  }
0x3a3: {  	v37 =	vsub.f32 v45, v37;
	v45 =	vld [tilespmem:$0x1DF0];
	v23 =	vmul.f32 v23, v23;
	v26 =	vmul.f32 v26, v26  }
0x3a4: {  	v39 =	vsub.f32 v46, v39;
	v29 =	vmul.f32 v29, v29;
	v28 =	vmul.f32 v28, v28  }
0x3a5: {  	v34 =	vsub.f32 v61, v50;
	v27 =	vmul.f32 v27, v27;
	v31 =	vmul.f32 v31, v31  }
0x3a6: {  	v30 =	vsub.f32 v62, v59;
	v33 =	vmul.f32 v33, v33;
	v35 =	vmul.f32 v35, v35  }
0x3a7: {  	v32 =	vsub.f32 v63, v60;
	v46 =	vmul.f32 v37, v37;
	v47 =	vmul.f32 v39, v39  }
0x3a8: {  	v34 =	vmul.f32 v34, v34;
	v30 =	vmul.f32 v30, v30;
	v25 =	vsub.f32 v25, v45  }
0x3a9: {  	v32 =	vmul.f32 v32, v32;
	v21 =	vadd.f32 v33, v21;
	v22 =	vadd.f32 v35, v22  }
0x3aa: {  	v23 =	vadd.f32 v46, v23;
	v26 =	vadd.f32 v47, v26;
	v25 =	vmul.f32 v25, v25  }
0x3ab: {  	v29 =	vadd.f32 v34, v29;
	v28 =	vadd.f32 v30, v28  }
0x3ac: {  	v27 =	vadd.f32 v32, v27;
	v25 =	vadd.f32 v25, v31  }
0x3ad: {  	v21 =	vadd.f32 v29, v21;
	v22 =	vadd.f32 v28, v22  }
0x3ae: {  	v23 =	vadd.f32 v27, v23;
	v25 =	vadd.f32 v25, v26;
	_ =	sdelay $0x1  }
0x3af: {  	v21 =	vadd.f32 v23, v21;
	v22 =	vadd.f32 v25, v22;
	_ =	sdelay $0x1  }
0x3b0: {  	v22 =	vadd.f32 v22, v21;
	_ =	sdelay $0x1  }
0x3b1: {  	(xrf0) =	vmin.scan.msk.f32 $0xffff, v22;
	_ =	sdelay $0x5  }
0x3b2: {  	v21, _, _ =	vpop (xrf0)  }
0x3b3: {  	(v2sf) =	vpush v21, $0xF;
	_ =	sdelay $0xc  }
0x3b4: {  	s15 =	simm.s32 $0x1;
	v41 =	vld [tilespmem:$0x1DB0]  }
0x3b5: {  	s26 =	simm.s32 $0x0;
	s9 =	sand.u32 $0x3, s15;
	v37 =	vld [tilespmem:$0x1D90]  }
0x3b6: {  	s10 =	simm.f32 $3.000000010e+38;
	s21 =	sshll.u32 s9, $0x8;
	v39 =	vld [tilespmem:$0x1DA0];
	s16 =	spop (v2sf)  }
0x3b7: {  	v33 =	vld [tilespmem:$0x1D70];
	v27 =	vmov s21;
	v21 =	vmov s26;
	p0 =	slt.f32 s16, s10  }
0x3b8: {  	v35 =	vld [tilespmem:$0x1D80];
	v27 =	vshll.u32 v27, $0x3;
	v48 =	vshll.u32 v21, $0xA;
	v49 =	vshll.u32 v21, $0x7  }
0x3b9: {  	v28 =	vld [tilespmem:$0x1D30];
	v27 =	vor.u32 v4, v27;
	v29 =	vand.u32 $0x2000, v48;
	v30 =	vand.u32 $0x380, v49;
	s15 =	simm.s32 @p0 $0x1F80  }
0x3ba: {  	v27 =	vand.u32 $0x1C00, v27;
	v29 =	vor.u32 v29, v30;
	v24 =	vld.idx.msk @p0 [tilespmem:v24+s15+$0x0], $0xffff  }
0x3bb: {  	v23 =	vld [tilespmem:$0x1D00];
	v27 =	vor.u32 v27, v29  }
0x3bc: {  	v31 =	vld [tilespmem:$0x1D40];
	v50 =	vor.u32 v5, v27  }
0x3bd: {  	v26 =	vld [tilespmem:$0x1D20];
	v51 =	vor.u32 v6, v27  }
0x3be: {  	v25 =	vld [tilespmem:$0x1D10];
	v53 =	vor.u32 v8, v27  }
0x3bf: {  	v30 =	vld [tilespmem:$0x1D50];
	v54 =	vor.u32 v9, v27;
	s15 =	sshll.u32 @p0 s20, $0x4;
	v24 =	vshll.u32 @p0 v24, $0x6  }
0x3c0: {  	v29 =	vld [tilespmem:$0x1D60];
	v55 =	vor.u32 v10, v27;
	v42 =	vlaneseq.u32 @p0;
	v24 =	vor.u32 @p0 s15, v24  }
0x3c1: {  	v56 =	vor.u32 v11, v27;
	v32 =	vld.idx.msk [tilespmem:v50+s31+$0x0], $0xffff;
	v24 =	vor.u32 @p0 v42, v24  }
0x3c2: {  	v58 =	vor.u32 v13, v27;
	v34 =	vld.idx.msk [tilespmem:v51+s31+$0x0], $0xffff;
	(xrf1) =	vsort.ascd.msk.f32 @p0 $0xffff, v22, v24  }
0x3c3: {  	v59 =	vor.u32 v14, v27;
	v57 =	vld.idx.msk [tilespmem:v53+s31+$0x0], $0xffff  }
0x3c4: {  	v60 =	vor.u32 v15, v27;
	v40 =	vld.idx.msk [tilespmem:v54+s31+$0x0], $0xffff  }
0x3c5: {  	v61 =	vor.u32 v16, v27;
	v43 =	vld.idx.msk [tilespmem:v55+s31+$0x0], $0xffff  }
0x3c6: {  	v44 =	vld.idx.msk [tilespmem:v56+s31+$0x0], $0xffff  }
0x3c7: {  	v38 =	vld.idx.msk [tilespmem:v58+s31+$0x0], $0xffff  }
0x3c8: {  	v52 =	vor.u32 v7, v27;
	v45 =	vld.idx.msk [tilespmem:v59+s31+$0x0], $0xffff  }
0x3c9: {  	v46 =	vld.idx.msk [tilespmem:v60+s31+$0x0], $0xffff;
	v53 =	vor.u32 v19, v27  }
0x3ca: {  	v48 =	vimm.f32 $3.000000010e+38;
	v63 =	vld.idx.msk [tilespmem:v61+s31+$0x0], $0xffff  }
0x3cb: {  	v62 =	vor.u32 v17, v27;
	v54 =	vld [tilespmem:$0x1DD0];
	v23 =	vsub.f32 v32, v23;
	v25 =	vsub.f32 v34, v25  }
0x3cc: {  	v55 =	vld [tilespmem:$0x1DE0];
	v28 =	vsub.f32 v57, v28;
	v31 =	vsub.f32 v40, v31;
	v24 =	vor.u32 v12, v27  }
0x3cd: {  	v40 =	vimm.s32 $0x0;
	v30 =	vsub.f32 v43, v30;
	v29 =	vsub.f32 v44, v29;
	v22 =	vld.idx.msk [tilespmem:v52+s31+$0x0], $0xffff  }
0x3ce: {  	v56 =	vsub.f32 v38, v35;
	v59 =	vld.idx.msk [tilespmem:v53+s31+$0x0], $0xffff;
	v36 =	vmul.u32 @p0 $0xFFFFFFFF, v42;
	v52 =	vor.u32 v18, v27  }
0x3cf: {  	v60 =	vld [tilespmem:$0x1DF0];
	v37 =	vsub.f32 v45, v37;
	v39 =	vsub.f32 v46, v39;
	v27 =	vor.u32 v20, v27  }
0x3d0: {  	v57 =	vld.idx.msk [tilespmem:v62+s31+$0x0], $0xffff;
	v23 =	vmul.f32 v23, v23;
	v25 =	vmul.f32 v25, v25;
	v36 =	vadd.s32 @p0 $0xF, v36;
	v38, v43, _ =	vpop @p0 (xrf1)  }
0x3d1: {  	v32 =	vsub.f32 v63, v41;
	v28 =	vmul.f32 v28, v28;
	v24 =	vld.idx.msk [tilespmem:v24+s31+$0x0], $0xffff;
	v38 =	vperm.xlane @p0 v38, v36  }
0x3d2: {  	v31 =	vmul.f32 v31, v31;
	v22 =	vsub.f32 v22, v26;
	v26 =	vld [tilespmem:$0x1DC0];
	v36 =	vperm.xlane @p0 v43, v36  }
0x3d3: {  	v61 =	vmul.f32 v37, v37;
	v63 =	vsub.f32 v59, v55;
	v58 =	vld.idx.msk [tilespmem:v52+s31+$0x0], $0xffff;
	vm1 =	vle.f32 @p0 v48, v38  }
0x3d4: {  	v32 =	vmul.f32 v32, v32;
	v27 =	vld.idx.msk [tilespmem:v27+s31+$0x0], $0xffff;
	v38 =	vsel @p0 vm1, v48, v38;
	v36 =	vsel @p0 vm1, v40, v36  }
0x3d5: {  	v29 =	vmul.f32 v29, v29;
	v37 =	vmul.f32 v63, v63;
	(xrf1) =	vsort.ascd.msk.f32 @p0 $0xffff, v38, v36  }
0x3d6: {  	v30 =	vmul.f32 v30, v30;
	v25 =	vadd.f32 v61, v25;
	v28 =	vadd.f32 v32, v28  }
0x3d7: {  	v62 =	vmul.f32 v39, v39;
	v29 =	vadd.f32 v37, v29;
	v26 =	vsub.f32 v57, v26  }
0x3d8: {  	v22 =	vmul.f32 v22, v22;
	v24 =	vsub.f32 v24, v33;
	v34 =	vsub.f32 v58, v54  }
0x3d9: {  	v33 =	vmul.f32 v56, v56;
	v27 =	vsub.f32 v27, v60;
	v26 =	vmul.f32 v26, v26  }
0x3da: {  	v22 =	vadd.f32 v62, v22;
	v24 =	vmul.f32 v24, v24;
	v34 =	vmul.f32 v34, v34  }
0x3db: {  	v23 =	vadd.f32 v33, v23;
	v27 =	vmul.f32 v27, v27;
	v26 =	vadd.f32 v26, v31  }
0x3dc: {  	v22 =	vadd.f32 v29, v22;
	v30 =	vadd.f32 v34, v30  }
0x3dd: {  	v24 =	vadd.f32 v27, v24;
	v23 =	vadd.f32 v26, v23  }
0x3de: {  	v25 =	vadd.f32 v30, v25  }
0x3df: {  	v24 =	vadd.f32 v24, v28;
	v22 =	vadd.f32 v22, v23;
	_ =	sdelay $0x1  }
0x3e0: {  	v23 =	vadd.f32 v24, v25;
	_ =	sdelay $0x1  }
0x3e1: {  	v24 =	vadd.f32 v23, v22;
	v22, v25, _ =	vpop @p0 (xrf1)  }
0x3e2: {  	(xrf0) =	vmax.scan.msk.f32 @p0 $0xffff, v22  }
0x3e3: {  	(xrf0) =	vmin.scan.msk.f32 $0xffff, v24;
	_ =	sdelay $0x4  }
0x3e4: {  	v23, _, _ =	vpop @p0 (xrf0)  }
0x3e5: {  	v26, _, _ =	vpop (xrf0);
	(v2sf) =	vpush @p0 v23, $0xF  }
0x3e6: {  	s20 =	simm.s32 $0x2;
	v23 =	vpsel p0, v22, v48;
	v22 =	vpsel p0, v25, v40;
	(v2sf) =	vpush v26, $0xF  }
.LBB2_17:
0x3e7: {  	_ =	sdelay $0xc  }
0x3e8: {  	v25 =	vld [tilespmem:$0x1D00];
	s15 =	spop @p0 (v2sf)  }
0x3e9: {  	s16 =	sand.u32 $0x3, s20;
	v26 =	vld [tilespmem:$0x1D10];
	s21 =	spop (v2sf);
	s10 =	smov.u32 @p0 s15  }
0x3ea: {  	s26 =	sshll.u32 s16, $0x8;
	s15 =	sshrl.u32 s20, $0x2;
	v27 =	vld [tilespmem:$0x1D20];
	p0 =	slt.f32 s21, s10  }
0x3eb: {  	v29 =	vmov s26;
	v28 =	vmov s15;
	v30 =	vld [tilespmem:$0x1D30]  }
0x3ec: {  	v29 =	vshll.u32 v29, $0x3;
	v31 =	vshll.u32 v28, $0xA;
	v32 =	vshll.u32 v28, $0x7;
	v33 =	vld [tilespmem:$0x1D40];
	s15 =	simm.s32 @p0 $0x1F80  }
0x3ed: {  	v29 =	vor.u32 v4, v29;
	v31 =	vand.u32 $0x2000, v31;
	v32 =	vand.u32 $0x380, v32;
	v34 =	vld.idx.msk @p0 [tilespmem:v21+s15+$0x0], $0xffff;
	v21 =	vmovc v28  }
0x3ee: {  	v29 =	vand.u32 $0x1C00, v29;
	v28 =	vor.u32 v31, v32;
	v31 =	vld [tilespmem:$0x1D50]  }
0x3ef: {  	v28 =	vor.u32 v29, v28;
	v29 =	vld [tilespmem:$0x1D60]  }
0x3f0: {  	v32 =	vor.u32 v5, v28;
	v35 =	vld [tilespmem:$0x1D70]  }
0x3f1: {  	v36 =	vor.u32 v6, v28;
	v37 =	vld [tilespmem:$0x1D80]  }
0x3f2: {  	v38 =	vor.u32 v7, v28;
	v39 =	vld [tilespmem:$0x1D90]  }
0x3f3: {  	s15 =	sshll.u32 @p0 s9, $0x4;
	s9 =	smov.u32 s16;
	v40 =	vor.u32 v8, v28;
	v34 =	vshll.u32 @p0 v34, $0x6;
	v41 =	vld [tilespmem:$0x1DA0]  }
0x3f4: {  	v44 =	vlaneseq.u32 @p0;
	v42 =	vor.u32 v9, v28;
	v34 =	vor.u32 @p0 s15, v34;
	v43 =	vld [tilespmem:$0x1DB0]  }
0x3f5: {  	v45 =	vor.u32 v10, v28;
	v34 =	vor.u32 @p0 v44, v34;
	v32 =	vld.idx.msk [tilespmem:v32+s31+$0x0], $0xffff  }
0x3f6: {  	v46 =	vor.u32 v11, v28;
	v36 =	vld.idx.msk [tilespmem:v36+s31+$0x0], $0xffff;
	(xrf1) =	vsort.ascd.msk.f32 @p0 $0xffff, v24, v34  }
0x3f7: {  	v34 =	vor.u32 v12, v28;
	v24 =	vld.idx.msk [tilespmem:v38+s31+$0x0], $0xffff  }
0x3f8: {  	v38 =	vld.idx.msk [tilespmem:v40+s31+$0x0], $0xffff;
	v40 =	vor.u32 v13, v28  }
0x3f9: {  	v47 =	vor.u32 v14, v28;
	v42 =	vld.idx.msk [tilespmem:v42+s31+$0x0], $0xffff  }
0x3fa: {  	v48 =	vor.u32 v15, v28;
	v45 =	vld.idx.msk [tilespmem:v45+s31+$0x0], $0xffff  }
0x3fb: {  	s20 =	sadd.s32 $0x1, s20;
	v49 =	vor.u32 v16, v28;
	v46 =	vld.idx.msk [tilespmem:v46+s31+$0x0], $0xffff  }
0x3fc: {  	p1 =	sne.s32 s20, $0x40;
	v34 =	vld.idx.msk [tilespmem:v34+s31+$0x0], $0xffff  }
0x3fd: {  	v40 =	vld.idx.msk [tilespmem:v40+s31+$0x0], $0xffff  }
0x3fe: {  	v47 =	vld.idx.msk [tilespmem:v47+s31+$0x0], $0xffff  }
0x3ff: {  	v50 =	vor.u32 v17, v28;
	v48 =	vld.idx.msk [tilespmem:v48+s31+$0x0], $0xffff  }
0x400: {  	v51 =	vor.u32 v19, v28;
	v25 =	vsub.f32 v32, v25;
	v32 =	vld.idx.msk [tilespmem:v49+s31+$0x0], $0xffff;
	v49 =	vor.u32 v18, v28  }
0x401: {  	v26 =	vsub.f32 v36, v26;
	v24 =	vsub.f32 v24, v27;
	v28 =	vor.u32 v20, v28;
	v27 =	vld [tilespmem:$0x1DC0]  }
0x402: {  	v30 =	vsub.f32 v38, v30;
	v38 =	vmul.u32 @p0 $0xFFFFFFFF, v44;
	v33 =	vsub.f32 v42, v33;
	v36 =	vld [tilespmem:$0x1DD0]  }
0x403: {  	v31 =	vsub.f32 v45, v31;
	v29 =	vsub.f32 v46, v29;
	v42 =	vld [tilespmem:$0x1DE0]  }
0x404: {  	v38 =	vadd.s32 @p0 $0xF, v38;
	v34 =	vsub.f32 v34, v35;
	v35 =	vsub.f32 v40, v37;
	v37 =	vld.idx.msk [tilespmem:v50+s31+$0x0], $0xffff;
	v40, v44, _ =	vpop @p0 (xrf1)  }
0x405: {  	v39 =	vsub.f32 v47, v39;
	v41 =	vsub.f32 v48, v41;
	v45 =	vld.idx.msk [tilespmem:v49+s31+$0x0], $0xffff;
	v40 =	vperm.xlane @p0 v40, v38  }
0x406: {  	v25 =	vmul.f32 v25, v25;
	v32 =	vsub.f32 v32, v43;
	v38 =	vperm.xlane @p0 v44, v38;
	v43 =	vld.idx.msk [tilespmem:v51+s31+$0x0], $0xffff  }
0x407: {  	v26 =	vmul.f32 v26, v26;
	v24 =	vmul.f32 v24, v24;
	v28 =	vld.idx.msk [tilespmem:v28+s31+$0x0], $0xffff;
	vm1 =	vle.f32 @p0 v23, v40  }
0x408: {  	v30 =	vmul.f32 v30, v30;
	v44 =	vld [tilespmem:$0x1DF0];
	v40 =	vsel @p0 vm1, v23, v40;
	v38 =	vsel @p0 vm1, v22, v38  }
0x409: {  	v33 =	vmul.f32 v33, v33;
	v31 =	vmul.f32 v31, v31;
	(xrf1) =	vsort.ascd.msk.f32 @p0 $0xffff, v40, v38  }
0x40a: {  	v29 =	vmul.f32 v29, v29;
	v34 =	vmul.f32 v34, v34;
	v27 =	vsub.f32 v37, v27  }
0x40b: {  	v35 =	vmul.f32 v35, v35;
	v37 =	vmul.f32 v39, v39;
	v36 =	vsub.f32 v45, v36  }
0x40c: {  	v32 =	vmul.f32 v32, v32;
	v38 =	vmul.f32 v41, v41;
	v39 =	vsub.f32 v43, v42  }
0x40d: {  	v27 =	vmul.f32 v27, v27;
	v36 =	vmul.f32 v36, v36;
	v28 =	vsub.f32 v28, v44  }
0x40e: {  	v25 =	vadd.f32 v35, v25;
	v26 =	vadd.f32 v37, v26;
	v39 =	vmul.f32 v39, v39  }
0x40f: {  	v30 =	vadd.f32 v32, v30;
	v24 =	vadd.f32 v38, v24;
	v28 =	vmul.f32 v28, v28  }
0x410: {  	v27 =	vadd.f32 v27, v33;
	v31 =	vadd.f32 v36, v31  }
0x411: {  	v29 =	vadd.f32 v39, v29;
	v28 =	vadd.f32 v28, v34  }
0x412: {  	v25 =	vadd.f32 v27, v25;
	v26 =	vadd.f32 v31, v26  }
0x413: {  	v24 =	vadd.f32 v29, v24;
	v27 =	vadd.f32 v28, v30;
	_ =	sdelay $0x1  }
0x414: {  	v24 =	vadd.f32 v24, v25;
	v27 =	vadd.f32 v27, v26;
	_ =	sdelay $0x1  }
0x415: {  	v24 =	vadd.f32 v27, v24;
	v25, v26, _ =	vpop @p0 (xrf1)  }
0x416: {  	v23 =	vpsel p0, v25, v23;
	v22 =	vpsel p0, v26, v22;
	(xrf0) =	vmax.scan.msk.f32 @p0 $0xffff, v25  }
0x417: {  	(xrf0) =	vmin.scan.msk.f32 $0xffff, v24;
	_ =	sdelay $0x2  }
.Ltmp7:
0x418: {  	(pc) =	sbr.rel @p1 .LBB2_17-.Ltmp7, $4  }
0x419: {  	_ = 	snop  }
0x41a: {  	v25, _, _ =	vpop @p0 (xrf0)  }
0x41b: {  	v26, _, _ =	vpop (xrf0);
	(v2sf) =	vpush @p0 v25, $0xF  }
0x41c: {  	(v2sf) =	vpush v26, $0xF  }
0x41d: {  	_ =	sdelay $0xc  }
0x41e: {  	s15 =	spop @p0 (v2sf)  }
0x41f: {  	s16 =	spop (v2sf);
	s10 =	smov.u32 @p0 s15  }
0x420: {  	p0 =	slt.f32 s16, s10;
	_ =	sdelay $0x1  }
0x421: {  	s10 =	simm.s32 @p0 $0x1F80  }
0x422: {  	v4 =	vld.idx.msk @p0 [tilespmem:v21+s10+$0x0], $0xffff;
	_ =	sdelay $0x4  }
0x423: {  	s9 =	sshll.u32 @p0 s9, $0x4;
	v4 =	vshll.u32 @p0 v4, $0x6  }
0x424: {  	v5 =	vlaneseq.u32 @p0;
	v4 =	vor.u32 @p0 s9, v4  }
0x425: {  	v4 =	vor.u32 @p0 v5, v4  }
0x426: {  	(xrf1) =	vsort.ascd.msk.f32 @p0 $0xffff, v24, v4;
	_ =	sdelay $0xb  }
0x427: {  	v4 =	vmul.u32 @p0 $0xFFFFFFFF, v5;
	_ =	sdelay $0x1  }
0x428: {  	v4 =	vadd.s32 @p0 $0xF, v4;
	v5, v6, _ =	vpop @p0 (xrf1)  }
0x429: {  	v5 =	vperm.xlane @p0 v5, v4  }
0x42a: {  	v4 =	vperm.xlane @p0 v6, v4  }
0x42b: {  	vm1 =	vle.f32 @p0 v23, v5  }
0x42c: {  	v5 =	vsel @p0 vm1, v23, v5;
	v4 =	vsel @p0 vm1, v22, v4  }
0x42d: {  	(xrf1) =	vsort.ascd.msk.f32 @p0 $0xffff, v5, v4;
	_ =	sdelay $0xd  }
0x42e: {  	v4, v5, _ =	vpop @p0 (xrf1)  }
0x42f: {  	v61 =	vpsel p0, v4, v23  }
0x430: {  	v7 =	vshra.s32 v61, $0x1  }
0x431: {  	v7 =	vadd.s32 $0x1FBD1DF6, v7  }
0x432: {  	(erf) = vrcp.f32 v7;
	_ =	sdelay $0x8  }
0x433: {  	v8 =	vpop (erf)  }
0x434: {  	v8 =	vmul.f32 v8, v61;
	_ =	sdelay $0x1  }
0x435: {  	v7 =	vadd.f32 v7, v8;
	_ =	sdelay $0x1  }
0x436: {  	v7 =	vmul.f32 $5.000000000e-01, v7;
	_ =	sdelay $0x1  }
0x437: {  	(erf) = vrcp.f32 v7;
	_ =	sdelay $0x8  }
0x438: {  	v62 =	vpop (erf)  }
0x439: {  	v8 =	vmul.f32 v62, v61;
	_ =	sdelay $0x1  }
0x43a: {  	(xrf0) =	vmax.scan.msk.f32 @p0 $0xffff, v4;
	v7 =	vadd.f32 v8, v7;
	_ =	sdelay $0x1  }
0x43b: {  	v4 =	vmul.f32 $5.000000000e-01, v7;
	_ =	sdelay $0x1  }
0x43c: {  	(erf) = vrcp.f32 v4;
	_ =	sdelay $0x1  }
0x43d: {  	v7, _, _ =	vpop @p0 (xrf0)  }
0x43e: {  	(v2sf) =	vpush @p0 v7, $0xF;
	_ =	sdelay $0x5  }
0x43f: {  	v63 =	vpop (erf)  }
0x440: {  	v6 =	vmul.f32 v63, v61  }
0x441: {  	s21 =	sadd.s32 $0x7, s8  }
0x442: {  	s9 =	sand.u32 $0x1F, s21;
	v4 =	vadd.f32 v6, v4  }
0x443: {  	s9 =	sor.u32 s7, s9  }
0x444: {  	s9 =	smul.u32 $0xF0, s9;
	v5 =	vpsel p0, v5, v22;
	v4 =	vmul.f32 $5.000000000e-01, v4  }
0x445: {  	[tilespmem:$0x12070] =	vst v5  }
0x446: {  	s26 =	sadd.s32 s7, s8;
	s1 =	sadd.s32 $0x1, s1;
	s9 =	sadd.s32 s3, s9;
	[tilespmem:$0x12060] =	vst v4  }
0x447: {  	[tilespmem:s17], [sflag:$0x8] =	stream.linear.gather [hbm4b:s9+s2], $0x780, $0x38;
	[tilespmem:$0x12080] =	vst v63  }
0x448: {  	s8 =	sshll.u32 s26, $0x2;
	s9 =	spop @p0 (v2sf);
	p0 =	sne.s32 s1, $0x8  }
.Ltmp8:
0x449: {  	s8 =	sadd.s32 s5, s8;
	s9 =	simm.s32 $0x12000;
	(pc) =	sbr.rel @p0 .LBB2_2-.Ltmp8, $4  }
0x44a: {  	[hbm4b:s8+s2] =	stream.linear.scatter [tilespmem:s9], [sflag:$0x9], $0x80, $0x38;
	[tilespmem:$0x12080] =	vst v63  }
0x44b: {  	_ =	swait.ge [sflag:s0], $0x80  }
0x44c: {  	[sflag:s0] =	ssyncset.done $0x0  }
0x44d: {  	[sflag:s0] =	ssyncadd.s32 $0xFFFFFF80  }
0x44e: {  	_ =	swait.ge [sflag:s18], $0x780  }
0x44f: {  	[sflag:s18] =	ssyncset.done $0x0  }
0x450: {  	[sflag:s18] =	ssyncadd.s32 $0xFFFFF880  }
0x451: {  	_ =	swait.ge [sflag:s28], $0x780  }
0x452: {  	[sflag:s28] =	ssyncset.done $0x0  }
0x453: {  	[sflag:s28] =	ssyncadd.s32 $0xFFFFF880  }
0x454: {  	_ =	swait.ge [sflag:s14], $0x780  }
0x455: {  	[sflag:s14] =	ssyncset.done $0x0  }
0x456: {  	[sflag:s14] =	ssyncadd.s32 $0xFFFFF880  }
0x457: {  	_ =	swait.ge [sflag:s30], $0x780  }
0x458: {  	s8 =	rddreg [dreg:$0x7]  }
0x459: {  	s1 =	rddreg [dreg:$0x6];
	s8 =	sadd.s32 $0x1, s8  }
0x45a: {  	p0 =	sne.s32 s8, s1  }
.Ltmp9:
0x45b: {  	_ = 	snop;
	(pc) =	sbr.rel @p0 .LBB2_1-.Ltmp9, $3  }
0x45c: {  	_ =	sdelay $0x1  }
0x45d: {  	[sflag:s30] =	ssyncset.done $0x0  }
0x45e: {  	[sflag:s30] =	ssyncadd.s32 $0xFFFFF880  }
0x45f: {  	_ =	sfence.sel $0x180000  }
0x460: {  	[bflag:$0x0] =	sbarrier.arrive $0xFFFF  }
0x461: {  	_ =	strace $0x90000047  }
0x462: {  	s0 =	stileid.u32;
	[bflag:$0x2] =	sbarrier.arrive $0xFFFF  }
0x463: {  	p0 =	sne.s32 s0, $0x0;
	s0 =	rddreg [dreg:$0x1]  }
0x464: {  	s0 =	sadd.s32 @!p0 $0x100000, s0  }
0x465: {  	[sflag:s0] =	ssyncadd.tile.s32 @!p0 $0x1;
	_ =	shalt  }
.Lfunc_end2:
_tile_overlayer_lowered:
.L_overlay_start_2:
0x466: {  	(tag) =	ssettag $0x2  }
0x467: {  	s0 =	rddreg [dreg:$0x0];
	s2 =	stileid.u32  }
0x468: {  	s1 =	rddreg [dreg:$0x1];
	p0 =	sne.s32 s2, $0x0  }
0x469: {  	s3 =	rddreg [dreg:$0x2];
	[bflag:$0x3] =	sbarrier.arrive $0xFFFF;
	s2 =	simm.s32 @!p0 $0x1C09  }
0x46a: {  	[timem:s3], [sflag:s2] =	dma.local @!p0 [hbm:s0], s1  }
0x46b: {  	s0 =	simm.s32 @!p0 $0x9  }
0x46c: {  	_ =	swait.ge @!p0 [sflag:s0], s1  }
0x46d: {  	s1 =	ssub.s32 @!p0 $0x0, s1;
	[sflag:s0] =	ssyncset.done @!p0 $0x0  }
0x46e: {  	[sflag:s0] =	ssyncadd.s32 @!p0 s1  }
0x46f: {  	[bflag:$0x3] =	sbarrier.arrive $0xFFFF  }
0x470: {  	_ =	shalt  }

</sc_bundles>
